<compile_context>
chip_gen: v7x
topology: tpu7x:2x2x1
jax: 0.10.2.dev20260603
libtpu: 0.0.44.dev20260713+nightly
codegen_flags: <defaults>
</compile_context>

<pallas_src>
import functools

import jax
import jax.numpy as jnp
from jax import lax
from jax.experimental import pallas as pl
from jax.experimental.pallas import tpu as pltpu
from jax.experimental.pallas import tpu_sc as plsc

TOPK = 8
NUM_EXPERTS = 64
BLOCK_ROWS = 512

_SC_INFO = plsc.get_sparse_core_info()
_NC, _NS = _SC_INFO.num_cores, _SC_INFO.num_subcores
_NW = _NC * _NS


def _logits_body(x_ref, wt_ref, s_ref):
    s_ref[...] = jnp.dot(x_ref[...], wt_ref[...],
                         preferred_element_type=jnp.float32)


def _tc_logits(x, wt):
    n = x.shape[0]
    return pl.pallas_call(
        _logits_body,
        grid=(n // BLOCK_ROWS,),
        in_specs=[
            pl.BlockSpec((BLOCK_ROWS, x.shape[1]), lambda i: (i, 0)),
            pl.BlockSpec((x.shape[1], NUM_EXPERTS), lambda i: (0, 0)),
        ],
        out_specs=pl.BlockSpec((BLOCK_ROWS, NUM_EXPERTS), lambda i: (i, 0)),
        out_shape=jax.ShapeDtypeStruct((n, NUM_EXPERTS), jnp.float32),
    )(x, wt)


def _lane_gather(v, idx):
    dnums = lax.GatherDimensionNumbers(
        offset_dims=(), collapsed_slice_dims=(0,), start_index_map=(0,))
    return lax.gather(v, idx[:, None], dnums, (1,),
                      mode=lax.GatherScatterMode.PROMISE_IN_BOUNDS)


def _make_sc_router(n_tokens):
    tpw = n_tokens // _NW
    pairs = tpw // 2
    mesh = plsc.VectorSubcoreMesh(core_axis_name="c", subcore_axis_name="s")

    @functools.partial(
        pl.kernel,
        out_type=[
            jax.ShapeDtypeStruct((n_tokens * TOPK,), jnp.float32),
            jax.ShapeDtypeStruct((n_tokens * TOPK,), jnp.int32),
        ],
        mesh=mesh,
        compiler_params=pltpu.CompilerParams(needs_layout_passes=False),
        scratch_types=[
            pltpu.VMEM((tpw * NUM_EXPERTS,), jnp.float32),
            pltpu.VMEM((tpw * TOPK,), jnp.float32),
            pltpu.VMEM((tpw * TOPK,), jnp.int32),
        ],
    )
    def router(scores_hbm, w_hbm, i_hbm, sc_v, wout_v, iout_v):
        wid = lax.axis_index("s") * _NC + lax.axis_index("c")
        base = wid * tpw
        pltpu.sync_copy(scores_hbm.at[pl.ds(base * NUM_EXPERTS,
                                            tpw * NUM_EXPERTS)], sc_v)

        lanes = lax.iota(jnp.int32, 16)
        low8 = lanes < 8
        idx_group = [lanes + 16 * g for g in range(4)]
        rot8 = (lanes + 8) & 15

        def rev(v):
            return lax.rev(v, (0,))

        def merge(a, b):
            mk = jnp.where(low8, a[0], rev(b[0]))
            mv = jnp.where(low8, a[1], rev(b[1]))
            return plsc.sort_key_val(mk, mv, descending=True)

        def top8(off):
            srt = [
                plsc.sort_key_val(sc_v[pl.ds(off + 16 * g, 16)],
                                  idx_group[g], descending=True)
                for g in range(4)
            ]
            k, v = merge(merge(srt[0], srt[1]), merge(srt[2], srt[3]))
            s = 1.0 / (1.0 + jnp.exp(-k))
            tot = jnp.sum(jnp.where(low8, s, 0.0))
            return s / tot, v

        def body(p, carry):
            we, ie = top8(p * 2 * NUM_EXPERTS)
            wo, io = top8(p * 2 * NUM_EXPERTS + NUM_EXPERTS)
            pw = jnp.where(low8, we, _lane_gather(wo, rot8))
            pi = jnp.where(low8, ie, _lane_gather(io, rot8))
            wout_v[pl.ds(p * 16, 16)] = pw
            iout_v[pl.ds(p * 16, 16)] = pi
            return carry

        lax.fori_loop(0, pairs, body, 0)
        pltpu.sync_copy(wout_v, w_hbm.at[pl.ds(base * TOPK, tpw * TOPK)])
        pltpu.sync_copy(iout_v, i_hbm.at[pl.ds(base * TOPK, tpw * TOPK)])

    return router


NUM_CHUNKS = 4


@jax.jit
def kernel(x, weight):
    n = x.shape[0]
    wt = weight.T
    chunk = n // NUM_CHUNKS
    router = _make_sc_router(chunk)
    ws, is_ = [], []
    for c in range(NUM_CHUNKS):
        scores = _tc_logits(lax.slice_in_dim(x, c * chunk, (c + 1) * chunk), wt)
        w_flat, i_flat = router(scores.reshape(-1))
        ws.append(w_flat.reshape(chunk, TOPK))
        is_.append(i_flat.reshape(chunk, TOPK))
    return (jnp.concatenate(ws), jnp.concatenate(is_))

# --- scband reference (transcript-rebuilt; emitter-appended) ---
"""Pipeline reference for scband-gate-29334626632566 (READ-ONLY COPY).

The authoritative reference and input builder live on the scoring server;
editing this copy changes nothing except your own understanding.
"""

import jax, jax.numpy as jnp
import numpy as np

TOPK = 8
ROUTE_SCALE = 1.0

def setup_inputs(seed: int = 0) -> dict:
    key = jax.random.key(seed)
    k1, k2 = jax.random.split(key)
    x = jax.random.normal(k1, (16384, 2048), dtype=jnp.float32)
    weight = jax.random.normal(k2, (64, 2048), dtype=jnp.float32) * 0.02
    return {"x": x, "weight": weight}

def reference(x, weight):
    # scores = x @ W^T
    scores = jnp.matmul(x, weight.T)
    original_scores = jax.nn.sigmoid(scores)
    topk_scores, indices = jax.lax.top_k(original_scores, TOPK)
    weights = topk_scores / jnp.sum(topk_scores, axis=-1, keepdims=True)
    weights = weights * ROUTE_SCALE
    return (weights, indices)

if __name__ == "__main__":
    import jax
    _d = setup_inputs()
    print(jax.jit(kernel)(*tuple(_d.values())))

</pallas_src>

<mosaic_0001>
#map = affine_map<(d0, d1) -> (0)>
module attributes {stable_mosaic.version = 14 : i64} {
  func.func @router(%arg0: i32, %arg1: i32, %arg2: memref<262144xf32, #tpu.memory_space<hbm>>, %arg3: memref<32768xf32, #tpu.memory_space<hbm>>, %arg4: memref<32768xi32, #tpu.memory_space<hbm>>, %arg5: memref<8192xf32, #tpu.memory_space<vmem>>, %arg6: memref<1024xf32, #tpu.memory_space<vmem>>, %arg7: memref<1024xi32, #tpu.memory_space<vmem>>) attributes {dimension_semantics = [#tpu.dimension_semantics<core_parallel>, #tpu.dimension_semantics<subcore_parallel>], iteration_bounds = array<i64: 2, 16>, scalar_prefetch = 0 : i64, scratch_operands = 3 : i64, tpu.core_type = #tpu.core_type<sc_vector_subcore>, window_params = [{transform_indices = #map}, {transform_indices = #map}, {transform_indices = #map}]} {
    %mul3A = arith.constant 2 : i32
    %mul3A_0 = arith.muli %arg1, %mul3A : i32
    %add3A = arith.addi %mul3A_0, %arg0 : i32
    %mul3A_1 = arith.constant 128 : i32
    %mul3A_2 = arith.muli %add3A, %mul3A_1 : i32
    %mul3A_3 = arith.constant 64 : i32
    %mul3A_4 = arith.muli %mul3A_2, %mul3A_3 : i32
    "tpu.region"() ({
      %run_scoped3A = tpu.sem_alloc : memref<!tpu.dma_semaphore, #tpu.memory_space<semaphore_mem>>
      %dma_start3A = tpu.memref_slice %arg2[%mul3A_4] : memref<262144xf32, #tpu.memory_space<hbm>> -> memref<8192xf32, #tpu.memory_space<hbm>>
      %dma_start3A_33 = tpu.memref_slice %arg2[%mul3A_4] : memref<262144xf32, #tpu.memory_space<hbm>> -> memref<8192xf32, #tpu.memory_space<hbm>>
      tpu.enqueue_dma source(%dma_start3A_33 : memref<8192xf32, #tpu.memory_space<hbm>>) target(%arg5 : memref<8192xf32, #tpu.memory_space<vmem>>) target_semaphore(%run_scoped3A : memref<!tpu.dma_semaphore, #tpu.memory_space<semaphore_mem>>)
      %dma_wait3A = tpu.memref_slice %arg2[%mul3A_4] : memref<262144xf32, #tpu.memory_space<hbm>> -> memref<8192xf32, #tpu.memory_space<hbm>>
      %dma_wait3A_34 = tpu.memref_slice %arg2[%mul3A_4] : memref<262144xf32, #tpu.memory_space<hbm>> -> memref<8192xf32, #tpu.memory_space<hbm>>
      tpu.wait_dma2 semaphore(%run_scoped3A : memref<!tpu.dma_semaphore, #tpu.memory_space<semaphore_mem>>) src(%dma_wait3A_34 : memref<8192xf32, #tpu.memory_space<hbm>>) dst(%arg5 : memref<8192xf32, #tpu.memory_space<vmem>>)
      tpu.yield
    }) : () -> ()
    %iota3A = tpu.iota {dimensions = array<i32: 0>} : vector<16xi32>
    %lt3A = arith.constant 8 : i32
    %lt3A_5 = vector.broadcast %lt3A : i32 to vector<16xi32>
    %lt3A_6 = arith.cmpi slt, %iota3A, %lt3A_5 : vector<16xi32>
    %add3A_7 = arith.constant 0 : i32
    %add3A_8 = vector.broadcast %add3A_7 : i32 to vector<16xi32>
    %add3A_9 = arith.addi %iota3A, %add3A_8 : vector<16xi32>
    %add3A_10 = arith.constant 16 : i32
    %add3A_11 = vector.broadcast %add3A_10 : i32 to vector<16xi32>
    %add3A_12 = arith.addi %iota3A, %add3A_11 : vector<16xi32>
    %add3A_13 = arith.constant 32 : i32
    %add3A_14 = vector.broadcast %add3A_13 : i32 to vector<16xi32>
    %add3A_15 = arith.addi %iota3A, %add3A_14 : vector<16xi32>
    %add3A_16 = arith.constant 48 : i32
    %add3A_17 = vector.broadcast %add3A_16 : i32 to vector<16xi32>
    %add3A_18 = arith.addi %iota3A, %add3A_17 : vector<16xi32>
    %add3A_19 = arith.constant 8 : i32
    %add3A_20 = vector.broadcast %add3A_19 : i32 to vector<16xi32>
    %add3A_21 = arith.addi %iota3A, %add3A_20 : vector<16xi32>
    %and3A = arith.constant 15 : i32
    %and3A_22 = vector.broadcast %and3A : i32 to vector<16xi32>
    %and3A_23 = arith.andi %add3A_21, %and3A_22 : vector<16xi32>
    %scan3A = arith.constant 0 : i32
    %scan3A_24 = arith.constant 0 : i32
    %scan3A_25 = arith.constant 64 : i32
    %scan3A_26 = arith.addi %scan3A_24, %scan3A_25 : i32
    %scan3A_27 = arith.constant 1 : i32
    scf.for %scan3A_33 = %scan3A_24 to %scan3A_26 step %scan3A_27  : i32 {
      %mul3A_34 = arith.constant 2 : i32
      %mul3A_35 = arith.muli %scan3A_33, %mul3A_34 : i32
      %mul3A_36 = arith.constant 64 : i32
      %mul3A_37 = arith.muli %mul3A_35, %mul3A_36 : i32
      %add3A_38 = arith.constant 0 : i32
      %add3A_39 = arith.addi %mul3A_37, %add3A_38 : i32
      %get3A = arith.index_cast %add3A_39 : i32 to index
      %get3A_40 = tpu.vector_load %arg5[%get3A] {strides = array<i32>} : memref<8192xf32, #tpu.memory_space<vmem>>, vector<16xf32>,
      %masked_sort3A = arith.constant dense<true> : vector<16xi1>
      %masked_sort3A_41, %masked_sort3A_42, %masked_sort3A_43 = tpu.sort %get3A_40, %add3A_9 masked %masked_sort3A {descending = true} : (vector<16xf32>, vector<16xi32>, vector<16xi1>) -> (vector<16xi1>, vector<16xf32>, vector<16xi32>)
      %add3A_44 = arith.constant 16 : i32
      %add3A_45 = arith.addi %mul3A_37, %add3A_44 : i32
      %get3A_46 = arith.index_cast %add3A_45 : i32 to index
      %get3A_47 = tpu.vector_load %arg5[%get3A_46] {strides = array<i32>} : memref<8192xf32, #tpu.memory_space<vmem>>, vector<16xf32>,
      %masked_sort3A_48 = arith.constant dense<true> : vector<16xi1>
      %masked_sort3A_49, %masked_sort3A_50, %masked_sort3A_51 = tpu.sort %get3A_47, %add3A_12 masked %masked_sort3A_48 {descending = true} : (vector<16xf32>, vector<16xi32>, vector<16xi1>) -> (vector<16xi1>, vector<16xf32>, vector<16xi32>)
      %add3A_52 = arith.constant 32 : i32
      %add3A_53 = arith.addi %mul3A_37, %add3A_52 : i32
      %get3A_54 = arith.index_cast %add3A_53 : i32 to index
      %get3A_55 = tpu.vector_load %arg5[%get3A_54] {strides = array<i32>} : memref<8192xf32, #tpu.memory_space<vmem>>, vector<16xf32>,
      %masked_sort3A_56 = arith.constant dense<true> : vector<16xi1>
      %masked_sort3A_57, %masked_sort3A_58, %masked_sort3A_59 = tpu.sort %get3A_55, %add3A_15 masked %masked_sort3A_56 {descending = true} : (vector<16xf32>, vector<16xi32>, vector<16xi1>) -> (vector<16xi1>, vector<16xf32>, vector<16xi32>)
      %add3A_60 = arith.constant 48 : i32
      %add3A_61 = arith.addi %mul3A_37, %add3A_60 : i32
      %get3A_62 = arith.index_cast %add3A_61 : i32 to index
      %get3A_63 = tpu.vector_load %arg5[%get3A_62] {strides = array<i32>} : memref<8192xf32, #tpu.memory_space<vmem>>, vector<16xf32>,
      %masked_sort3A_64 = arith.constant dense<true> : vector<16xi1>
      %masked_sort3A_65, %masked_sort3A_66, %masked_sort3A_67 = tpu.sort %get3A_63, %add3A_18 masked %masked_sort3A_64 {descending = true} : (vector<16xf32>, vector<16xi32>, vector<16xi1>) -> (vector<16xi1>, vector<16xf32>, vector<16xi32>)
      %rev3A = arith.constant 15 : i32
      %rev3A_68 = vector.broadcast %rev3A : i32 to vector<16xi32>
      %rev3A_69 = tpu.iota {dimensions = array<i32: 0>} : vector<16xi32>
      %rev3A_70 = arith.subi %rev3A_68, %rev3A_69 : vector<16xi32>
      %rev3A_71 = tpu.dynamic_gather %masked_sort3A_50[%rev3A_70] in [0] : vector<16xf32>, vector<16xi32> -> vector<16xf32>
      %select_n3A = arith.select %lt3A_6, %masked_sort3A_42, %rev3A_71 : vector<16xi1>, vector<16xf32>
      %rev3A_72 = arith.constant 15 : i32
      %rev3A_73 = vector.broadcast %rev3A_72 : i32 to vector<16xi32>
      %rev3A_74 = tpu.iota {dimensions = array<i32: 0>} : vector<16xi32>
      %rev3A_75 = arith.subi %rev3A_73, %rev3A_74 : vector<16xi32>
      %rev3A_76 = tpu.dynamic_gather %masked_sort3A_51[%rev3A_75] in [0] : vector<16xi32>, vector<16xi32> -> vector<16xi32>
      %select_n3A_77 = arith.select %lt3A_6, %masked_sort3A_43, %rev3A_76 : vector<16xi1>, vector<16xi32>
      %masked_sort3A_78 = arith.constant dense<true> : vector<16xi1>
      %masked_sort3A_79, %masked_sort3A_80, %masked_sort3A_81 = tpu.sort %select_n3A, %select_n3A_77 masked %masked_sort3A_78 {descending = true} : (vector<16xf32>, vector<16xi32>, vector<16xi1>) -> (vector<16xi1>, vector<16xf32>, vector<16xi32>)
      %rev3A_82 = arith.constant 15 : i32
      %rev3A_83 = vector.broadcast %rev3A_82 : i32 to vector<16xi32>
      %rev3A_84 = tpu.iota {dimensions = array<i32: 0>} : vector<16xi32>
      %rev3A_85 = arith.subi %rev3A_83, %rev3A_84 : vector<16xi32>
      %rev3A_86 = tpu.dynamic_gather %masked_sort3A_66[%rev3A_85] in [0] : vector<16xf32>, vector<16xi32> -> vector<16xf32>
      %select_n3A_87 = arith.select %lt3A_6, %masked_sort3A_58, %rev3A_86 : vector<16xi1>, vector<16xf32>
      %rev3A_88 = arith.constant 15 : i32
      %rev3A_89 = vector.broadcast %rev3A_88 : i32 to vector<16xi32>
      %rev3A_90 = tpu.iota {dimensions = array<i32: 0>} : vector<16xi32>
      %rev3A_91 = arith.subi %rev3A_89, %rev3A_90 : vector<16xi32>
      %rev3A_92 = tpu.dynamic_gather %masked_sort3A_67[%rev3A_91] in [0] : vector<16xi32>, vector<16xi32> -> vector<16xi32>
      %select_n3A_93 = arith.select %lt3A_6, %masked_sort3A_59, %rev3A_92 : vector<16xi1>, vector<16xi32>
      %masked_sort3A_94 = arith.constant dense<true> : vector<16xi1>
      %masked_sort3A_95, %masked_sort3A_96, %masked_sort3A_97 = tpu.sort %select_n3A_87, %select_n3A_93 masked %masked_sort3A_94 {descending = true} : (vector<16xf32>, vector<16xi32>, vector<16xi1>) -> (vector<16xi1>, vector<16xf32>, vector<16xi32>)
      %rev3A_98 = arith.constant 15 : i32
      %rev3A_99 = vector.broadcast %rev3A_98 : i32 to vector<16xi32>
      %rev3A_100 = tpu.iota {dimensions = array<i32: 0>} : vector<16xi32>
      %rev3A_101 = arith.subi %rev3A_99, %rev3A_100 : vector<16xi32>
      %rev3A_102 = tpu.dynamic_gather %masked_sort3A_96[%rev3A_101] in [0] : vector<16xf32>, vector<16xi32> -> vector<16xf32>
      %select_n3A_103 = arith.select %lt3A_6, %masked_sort3A_80, %rev3A_102 : vector<16xi1>, vector<16xf32>
      %rev3A_104 = arith.constant 15 : i32
      %rev3A_105 = vector.broadcast %rev3A_104 : i32 to vector<16xi32>
      %rev3A_106 = tpu.iota {dimensions = array<i32: 0>} : vector<16xi32>
      %rev3A_107 = arith.subi %rev3A_105, %rev3A_106 : vector<16xi32>
      %rev3A_108 = tpu.dynamic_gather %masked_sort3A_97[%rev3A_107] in [0] : vector<16xi32>, vector<16xi32> -> vector<16xi32>
      %select_n3A_109 = arith.select %lt3A_6, %masked_sort3A_81, %rev3A_108 : vector<16xi1>, vector<16xi32>
      %masked_sort3A_110 = arith.constant dense<true> : vector<16xi1>
      %masked_sort3A_111, %masked_sort3A_112, %masked_sort3A_113 = tpu.sort %select_n3A_103, %select_n3A_109 masked %masked_sort3A_110 {descending = true} : (vector<16xf32>, vector<16xi32>, vector<16xi1>) -> (vector<16xi1>, vector<16xf32>, vector<16xi32>)
      %neg3A = arith.constant 0.000000e+00 : f32
      %neg3A_114 = vector.broadcast %neg3A : f32 to vector<16xf32>
      %neg3A_115 = arith.subf %neg3A_114, %masked_sort3A_112 : vector<16xf32>
      %exp3A = math.exp %neg3A_115 : vector<16xf32>
      %add3A_116 = arith.constant 1.000000e+00 : f32
      %add3A_117 = vector.broadcast %add3A_116 : f32 to vector<16xf32>
      %add3A_118 = arith.addf %add3A_117, %exp3A : vector<16xf32>
      %div3A = arith.constant 1.000000e+00 : f32
      %div3A_119 = vector.broadcast %div3A : f32 to vector<16xf32>
      %div3A_120 = arith.divf %div3A_119, %add3A_118 : vector<16xf32>
      %jit3A = arith.constant 0.000000e+00 : f32
      %broadcast_in_dim3A = vector.broadcast %jit3A : f32 to vector<16xf32>
      %select_n3A_121 = arith.select %lt3A_6, %div3A_120, %broadcast_in_dim3A : vector<16xi1>, vector<16xf32>
      %reduce_sum3A = arith.constant true
      %reduce_sum3A_122 = vector.broadcast %reduce_sum3A : i1 to vector<16xi1>
      %reduce_sum3A_123 = tpu.scan <sum>, %select_n3A_121 masked %reduce_sum3A_122 : vector<16xf32>, vector<16xi1> -> vector<16xf32>
      %reduce_sum3A_124 = vector.extract %reduce_sum3A_123[15] : f32 from vector<16xf32>
      %div3A_125 = vector.broadcast %reduce_sum3A_124 : f32 to vector<16xf32>
      %div3A_126 = arith.divf %div3A_120, %div3A_125 : vector<16xf32>
      %mul3A_127 = arith.constant 2 : i32
      %mul3A_128 = arith.muli %scan3A_33, %mul3A_127 : i32
      %mul3A_129 = arith.constant 64 : i32
      %mul3A_130 = arith.muli %mul3A_128, %mul3A_129 : i32
      %add3A_131 = arith.constant 64 : i32
      %add3A_132 = arith.addi %mul3A_130, %add3A_131 : i32
      %add3A_133 = arith.constant 0 : i32
      %add3A_134 = arith.addi %add3A_132, %add3A_133 : i32
      %get3A_135 = arith.index_cast %add3A_134 : i32 to index
      %get3A_136 = tpu.vector_load %arg5[%get3A_135] {strides = array<i32>} : memref<8192xf32, #tpu.memory_space<vmem>>, vector<16xf32>,
      %masked_sort3A_137 = arith.constant dense<true> : vector<16xi1>
      %masked_sort3A_138, %masked_sort3A_139, %masked_sort3A_140 = tpu.sort %get3A_136, %add3A_9 masked %masked_sort3A_137 {descending = true} : (vector<16xf32>, vector<16xi32>, vector<16xi1>) -> (vector<16xi1>, vector<16xf32>, vector<16xi32>)
      %add3A_141 = arith.constant 16 : i32
      %add3A_142 = arith.addi %add3A_132, %add3A_141 : i32
      %get3A_143 = arith.index_cast %add3A_142 : i32 to index
      %get3A_144 = tpu.vector_load %arg5[%get3A_143] {strides = array<i32>} : memref<8192xf32, #tpu.memory_space<vmem>>, vector<16xf32>,
      %masked_sort3A_145 = arith.constant dense<true> : vector<16xi1>
      %masked_sort3A_146, %masked_sort3A_147, %masked_sort3A_148 = tpu.sort %get3A_144, %add3A_12 masked %masked_sort3A_145 {descending = true} : (vector<16xf32>, vector<16xi32>, vector<16xi1>) -> (vector<16xi1>, vector<16xf32>, vector<16xi32>)
      %add3A_149 = arith.constant 32 : i32
      %add3A_150 = arith.addi %add3A_132, %add3A_149 : i32
      %get3A_151 = arith.index_cast %add3A_150 : i32 to index
      %get3A_152 = tpu.vector_load %arg5[%get3A_151] {strides = array<i32>} : memref<8192xf32, #tpu.memory_space<vmem>>, vector<16xf32>,
      %masked_sort3A_153 = arith.constant dense<true> : vector<16xi1>
      %masked_sort3A_154, %masked_sort3A_155, %masked_sort3A_156 = tpu.sort %get3A_152, %add3A_15 masked %masked_sort3A_153 {descending = true} : (vector<16xf32>, vector<16xi32>, vector<16xi1>) -> (vector<16xi1>, vector<16xf32>, vector<16xi32>)
      %add3A_157 = arith.constant 48 : i32
      %add3A_158 = arith.addi %add3A_132, %add3A_157 : i32
      %get3A_159 = arith.index_cast %add3A_158 : i32 to index
      %get3A_160 = tpu.vector_load %arg5[%get3A_159] {strides = array<i32>} : memref<8192xf32, #tpu.memory_space<vmem>>, vector<16xf32>,
      %masked_sort3A_161 = arith.constant dense<true> : vector<16xi1>
      %masked_sort3A_162, %masked_sort3A_163, %masked_sort3A_164 = tpu.sort %get3A_160, %add3A_18 masked %masked_sort3A_161 {descending = true} : (vector<16xf32>, vector<16xi32>, vector<16xi1>) -> (vector<16xi1>, vector<16xf32>, vector<16xi32>)
      %rev3A_165 = arith.constant 15 : i32
      %rev3A_166 = vector.broadcast %rev3A_165 : i32 to vector<16xi32>
      %rev3A_167 = tpu.iota {dimensions = array<i32: 0>} : vector<16xi32>
      %rev3A_168 = arith.subi %rev3A_166, %rev3A_167 : vector<16xi32>
      %rev3A_169 = tpu.dynamic_gather %masked_sort3A_147[%rev3A_168] in [0] : vector<16xf32>, vector<16xi32> -> vector<16xf32>
      %select_n3A_170 = arith.select %lt3A_6, %masked_sort3A_139, %rev3A_169 : vector<16xi1>, vector<16xf32>
      %rev3A_171 = arith.constant 15 : i32
      %rev3A_172 = vector.broadcast %rev3A_171 : i32 to vector<16xi32>
      %rev3A_173 = tpu.iota {dimensions = array<i32: 0>} : vector<16xi32>
      %rev3A_174 = arith.subi %rev3A_172, %rev3A_173 : vector<16xi32>
      %rev3A_175 = tpu.dynamic_gather %masked_sort3A_148[%rev3A_174] in [0] : vector<16xi32>, vector<16xi32> -> vector<16xi32>
      %select_n3A_176 = arith.select %lt3A_6, %masked_sort3A_140, %rev3A_175 : vector<16xi1>, vector<16xi32>
      %masked_sort3A_177 = arith.constant dense<true> : vector<16xi1>
      %masked_sort3A_178, %masked_sort3A_179, %masked_sort3A_180 = tpu.sort %select_n3A_170, %select_n3A_176 masked %masked_sort3A_177 {descending = true} : (vector<16xf32>, vector<16xi32>, vector<16xi1>) -> (vector<16xi1>, vector<16xf32>, vector<16xi32>)
      %rev3A_181 = arith.constant 15 : i32
      %rev3A_182 = vector.broadcast %rev3A_181 : i32 to vector<16xi32>
      %rev3A_183 = tpu.iota {dimensions = array<i32: 0>} : vector<16xi32>
      %rev3A_184 = arith.subi %rev3A_182, %rev3A_183 : vector<16xi32>
      %rev3A_185 = tpu.dynamic_gather %masked_sort3A_163[%rev3A_184] in [0] : vector<16xf32>, vector<16xi32> -> vector<16xf32>
      %select_n3A_186 = arith.select %lt3A_6, %masked_sort3A_155, %rev3A_185 : vector<16xi1>, vector<16xf32>
      %rev3A_187 = arith.constant 15 : i32
      %rev3A_188 = vector.broadcast %rev3A_187 : i32 to vector<16xi32>
      %rev3A_189 = tpu.iota {dimensions = array<i32: 0>} : vector<16xi32>
      %rev3A_190 = arith.subi %rev3A_188, %rev3A_189 : vector<16xi32>
      %rev3A_191 = tpu.dynamic_gather %masked_sort3A_164[%rev3A_190] in [0] : vector<16xi32>, vector<16xi32> -> vector<16xi32>
      %select_n3A_192 = arith.select %lt3A_6, %masked_sort3A_156, %rev3A_191 : vector<16xi1>, vector<16xi32>
      %masked_sort3A_193 = arith.constant dense<true> : vector<16xi1>
      %masked_sort3A_194, %masked_sort3A_195, %masked_sort3A_196 = tpu.sort %select_n3A_186, %select_n3A_192 masked %masked_sort3A_193 {descending = true} : (vector<16xf32>, vector<16xi32>, vector<16xi1>) -> (vector<16xi1>, vector<16xf32>, vector<16xi32>)
      %rev3A_197 = arith.constant 15 : i32
      %rev3A_198 = vector.broadcast %rev3A_197 : i32 to vector<16xi32>
      %rev3A_199 = tpu.iota {dimensions = array<i32: 0>} : vector<16xi32>
      %rev3A_200 = arith.subi %rev3A_198, %rev3A_199 : vector<16xi32>
      %rev3A_201 = tpu.dynamic_gather %masked_sort3A_195[%rev3A_200] in [0] : vector<16xf32>, vector<16xi32> -> vector<16xf32>
      %select_n3A_202 = arith.select %lt3A_6, %masked_sort3A_179, %rev3A_201 : vector<16xi1>, vector<16xf32>
      %rev3A_203 = arith.constant 15 : i32
      %rev3A_204 = vector.broadcast %rev3A_203 : i32 to vector<16xi32>
      %rev3A_205 = tpu.iota {dimensions = array<i32: 0>} : vector<16xi32>
      %rev3A_206 = arith.subi %rev3A_204, %rev3A_205 : vector<16xi32>
      %rev3A_207 = tpu.dynamic_gather %masked_sort3A_196[%rev3A_206] in [0] : vector<16xi32>, vector<16xi32> -> vector<16xi32>
      %select_n3A_208 = arith.select %lt3A_6, %masked_sort3A_180, %rev3A_207 : vector<16xi1>, vector<16xi32>
      %masked_sort3A_209 = arith.constant dense<true> : vector<16xi1>
      %masked_sort3A_210, %masked_sort3A_211, %masked_sort3A_212 = tpu.sort %select_n3A_202, %select_n3A_208 masked %masked_sort3A_209 {descending = true} : (vector<16xf32>, vector<16xi32>, vector<16xi1>) -> (vector<16xi1>, vector<16xf32>, vector<16xi32>)
      %neg3A_213 = arith.constant 0.000000e+00 : f32
      %neg3A_214 = vector.broadcast %neg3A_213 : f32 to vector<16xf32>
      %neg3A_215 = arith.subf %neg3A_214, %masked_sort3A_211 : vector<16xf32>
      %exp3A_216 = math.exp %neg3A_215 : vector<16xf32>
      %add3A_217 = arith.constant 1.000000e+00 : f32
      %add3A_218 = vector.broadcast %add3A_217 : f32 to vector<16xf32>
      %add3A_219 = arith.addf %add3A_218, %exp3A_216 : vector<16xf32>
      %div3A_220 = arith.constant 1.000000e+00 : f32
      %div3A_221 = vector.broadcast %div3A_220 : f32 to vector<16xf32>
      %div3A_222 = arith.divf %div3A_221, %add3A_219 : vector<16xf32>
      %jit3A_223 = arith.constant 0.000000e+00 : f32
      %broadcast_in_dim3A_224 = vector.broadcast %jit3A_223 : f32 to vector<16xf32>
      %select_n3A_225 = arith.select %lt3A_6, %div3A_222, %broadcast_in_dim3A_224 : vector<16xi1>, vector<16xf32>
      %reduce_sum3A_226 = arith.constant true
      %reduce_sum3A_227 = vector.broadcast %reduce_sum3A_226 : i1 to vector<16xi1>
      %reduce_sum3A_228 = tpu.scan <sum>, %select_n3A_225 masked %reduce_sum3A_227 : vector<16xf32>, vector<16xi1> -> vector<16xf32>
      %reduce_sum3A_229 = vector.extract %reduce_sum3A_228[15] : f32 from vector<16xf32>
      %div3A_230 = vector.broadcast %reduce_sum3A_229 : f32 to vector<16xf32>
      %div3A_231 = arith.divf %div3A_222, %div3A_230 : vector<16xf32>
      %broadcast_in_dim3A_232 = vector.shape_cast %and3A_23 : vector<16xi32> to vector<16x1xi32>
      %gather3A = vector.shape_cast %broadcast_in_dim3A_232 : vector<16x1xi32> to vector<16xi32>
      %gather3A_233 = tpu.dynamic_gather %div3A_231[%gather3A] in [0] : vector<16xf32>, vector<16xi32> -> vector<16xf32>
      %select_n3A_234 = arith.select %lt3A_6, %div3A_126, %gather3A_233 : vector<16xi1>, vector<16xf32>
      %broadcast_in_dim3A_235 = vector.shape_cast %and3A_23 : vector<16xi32> to vector<16x1xi32>
      %gather3A_236 = vector.shape_cast %broadcast_in_dim3A_235 : vector<16x1xi32> to vector<16xi32>
      %gather3A_237 = tpu.dynamic_gather %masked_sort3A_212[%gather3A_236] in [0] : vector<16xi32>, vector<16xi32> -> vector<16xi32>
      %select_n3A_238 = arith.select %lt3A_6, %masked_sort3A_113, %gather3A_237 : vector<16xi1>, vector<16xi32>
      %mul3A_239 = arith.constant 16 : i32
      %mul3A_240 = arith.muli %scan3A_33, %mul3A_239 : i32
      %swap3A = arith.index_cast %mul3A_240 : i32 to index
      %swap3A_241 = tpu.vector_load %arg6[%swap3A] {strides = array<i32>} : memref<1024xf32, #tpu.memory_space<vmem>>, vector<16xf32>,
      tpu.vector_store %arg6[%swap3A], %select_n3A_234 {strides = array<i32>} : memref<1024xf32, #tpu.memory_space<vmem>>, vector<16xf32>,
      %mul3A_242 = arith.constant 16 : i32
      %mul3A_243 = arith.muli %scan3A_33, %mul3A_242 : i32
      %swap3A_244 = arith.index_cast %mul3A_243 : i32 to index
      %swap3A_245 = tpu.vector_load %arg7[%swap3A_244] {strides = array<i32>} : memref<1024xi32, #tpu.memory_space<vmem>>, vector<16xi32>,
      tpu.vector_store %arg7[%swap3A_244], %select_n3A_238 {strides = array<i32>} : memref<1024xi32, #tpu.memory_space<vmem>>, vector<16xi32>,
    }
    %scan3A_28 = arith.constant 64 : i32
    %mul3A_29 = arith.constant 8 : i32
    %mul3A_30 = arith.muli %mul3A_2, %mul3A_29 : i32
    "tpu.region"() ({
      %run_scoped3A = tpu.sem_alloc : memref<!tpu.dma_semaphore, #tpu.memory_space<semaphore_mem>>
      %dma_start3A = tpu.memref_slice %arg3[%mul3A_30] : memref<32768xf32, #tpu.memory_space<hbm>> -> memref<1024xf32, #tpu.memory_space<hbm>>
      %dma_start3A_33 = tpu.memref_slice %arg3[%mul3A_30] : memref<32768xf32, #tpu.memory_space<hbm>> -> memref<1024xf32, #tpu.memory_space<hbm>>
      tpu.enqueue_dma source(%arg6 : memref<1024xf32, #tpu.memory_space<vmem>>) target(%dma_start3A_33 : memref<1024xf32, #tpu.memory_space<hbm>>) target_semaphore(%run_scoped3A : memref<!tpu.dma_semaphore, #tpu.memory_space<semaphore_mem>>)
      %dma_wait3A = tpu.memref_slice %arg3[%mul3A_30] : memref<32768xf32, #tpu.memory_space<hbm>> -> memref<1024xf32, #tpu.memory_space<hbm>>
      %dma_wait3A_34 = tpu.memref_slice %arg3[%mul3A_30] : memref<32768xf32, #tpu.memory_space<hbm>> -> memref<1024xf32, #tpu.memory_space<hbm>>
      tpu.wait_dma2 semaphore(%run_scoped3A : memref<!tpu.dma_semaphore, #tpu.memory_space<semaphore_mem>>) src(%arg6 : memref<1024xf32, #tpu.memory_space<vmem>>) dst(%dma_wait3A_34 : memref<1024xf32, #tpu.memory_space<hbm>>)
      tpu.yield
    }) : () -> ()
    %mul3A_31 = arith.constant 8 : i32
    %mul3A_32 = arith.muli %mul3A_2, %mul3A_31 : i32
    "tpu.region"() ({
      %run_scoped3A = tpu.sem_alloc : memref<!tpu.dma_semaphore, #tpu.memory_space<semaphore_mem>>
      %dma_start3A = tpu.memref_slice %arg4[%mul3A_32] : memref<32768xi32, #tpu.memory_space<hbm>> -> memref<1024xi32, #tpu.memory_space<hbm>>
      %dma_start3A_33 = tpu.memref_slice %arg4[%mul3A_32] : memref<32768xi32, #tpu.memory_space<hbm>> -> memref<1024xi32, #tpu.memory_space<hbm>>
      tpu.enqueue_dma source(%arg7 : memref<1024xi32, #tpu.memory_space<vmem>>) target(%dma_start3A_33 : memref<1024xi32, #tpu.memory_space<hbm>>) target_semaphore(%run_scoped3A : memref<!tpu.dma_semaphore, #tpu.memory_space<semaphore_mem>>)
      %dma_wait3A = tpu.memref_slice %arg4[%mul3A_32] : memref<32768xi32, #tpu.memory_space<hbm>> -> memref<1024xi32, #tpu.memory_space<hbm>>
      %dma_wait3A_34 = tpu.memref_slice %arg4[%mul3A_32] : memref<32768xi32, #tpu.memory_space<hbm>> -> memref<1024xi32, #tpu.memory_space<hbm>>
      tpu.wait_dma2 semaphore(%run_scoped3A : memref<!tpu.dma_semaphore, #tpu.memory_space<semaphore_mem>>) src(%arg7 : memref<1024xi32, #tpu.memory_space<vmem>>) dst(%dma_wait3A_34 : memref<1024xi32, #tpu.memory_space<hbm>>)
      tpu.yield
    }) : () -> ()
    return
  }
}

#map = affine_map<(d0, d1) -> (0)>
module attributes {stable_mosaic.version = 14 : i64} {
  func.func @router(%arg0: i32, %arg1: i32, %arg2: memref<262144xf32, #tpu.memory_space<hbm>>, %arg3: memref<32768xf32, #tpu.memory_space<hbm>>, %arg4: memref<32768xi32, #tpu.memory_space<hbm>>, %arg5: memref<8192xf32, #tpu.memory_space<vmem>>, %arg6: memref<1024xf32, #tpu.memory_space<vmem>>, %arg7: memref<1024xi32, #tpu.memory_space<vmem>>) attributes {dimension_semantics = [#tpu.dimension_semantics<core_parallel>, #tpu.dimension_semantics<subcore_parallel>], iteration_bounds = array<i64: 2, 16>, scalar_prefetch = 0 : i64, scratch_operands = 3 : i64, tpu.core_type = #tpu.core_type<sc_vector_subcore>, window_params = [{transform_indices = #map}, {transform_indices = #map}, {transform_indices = #map}]} {
    %mul3A = arith.constant 2 : i32
    %mul3A_0 = arith.muli %arg1, %mul3A : i32
    %add3A = arith.addi %mul3A_0, %arg0 : i32
    %mul3A_1 = arith.constant 128 : i32
    %mul3A_2 = arith.muli %add3A, %mul3A_1 : i32
    %mul3A_3 = arith.constant 64 : i32
    %mul3A_4 = arith.muli %mul3A_2, %mul3A_3 : i32
    "tpu.region"() ({
      %run_scoped3A = tpu.sem_alloc : memref<!tpu.dma_semaphore, #tpu.memory_space<semaphore_mem>>
      %dma_start3A = tpu.memref_slice %arg2[%mul3A_4] : memref<262144xf32, #tpu.memory_space<hbm>> -> memref<8192xf32, #tpu.memory_space<hbm>>
      %dma_start3A_33 = tpu.memref_slice %arg2[%mul3A_4] : memref<262144xf32, #tpu.memory_space<hbm>> -> memref<8192xf32, #tpu.memory_space<hbm>>
      tpu.enqueue_dma source(%dma_start3A_33 : memref<8192xf32, #tpu.memory_space<hbm>>) target(%arg5 : memref<8192xf32, #tpu.memory_space<vmem>>) target_semaphore(%run_scoped3A : memref<!tpu.dma_semaphore, #tpu.memory_space<semaphore_mem>>)
      %dma_wait3A = tpu.memref_slice %arg2[%mul3A_4] : memref<262144xf32, #tpu.memory_space<hbm>> -> memref<8192xf32, #tpu.memory_space<hbm>>
      %dma_wait3A_34 = tpu.memref_slice %arg2[%mul3A_4] : memref<262144xf32, #tpu.memory_space<hbm>> -> memref<8192xf32, #tpu.memory_space<hbm>>
      tpu.wait_dma2 semaphore(%run_scoped3A : memref<!tpu.dma_semaphore, #tpu.memory_space<semaphore_mem>>) src(%dma_wait3A_34 : memref<8192xf32, #tpu.memory_space<hbm>>) dst(%arg5 : memref<8192xf32, #tpu.memory_space<vmem>>)
      tpu.yield
    }) : () -> ()
    %iota3A = tpu.iota {dimensions = array<i32: 0>} : vector<16xi32>
    %lt3A = arith.constant 8 : i32
    %lt3A_5 = vector.broadcast %lt3A : i32 to vector<16xi32>
    %lt3A_6 = arith.cmpi slt, %iota3A, %lt3A_5 : vector<16xi32>
    %add3A_7 = arith.constant 0 : i32
    %add3A_8 = vector.broadcast %add3A_7 : i32 to vector<16xi32>
    %add3A_9 = arith.addi %iota3A, %add3A_8 : vector<16xi32>
    %add3A_10 = arith.constant 16 : i32
    %add3A_11 = vector.broadcast %add3A_10 : i32 to vector<16xi32>
    %add3A_12 = arith.addi %iota3A, %add3A_11 : vector<16xi32>
    %add3A_13 = arith.constant 32 : i32
    %add3A_14 = vector.broadcast %add3A_13 : i32 to vector<16xi32>
    %add3A_15 = arith.addi %iota3A, %add3A_14 : vector<16xi32>
    %add3A_16 = arith.constant 48 : i32
    %add3A_17 = vector.broadcast %add3A_16 : i32 to vector<16xi32>
    %add3A_18 = arith.addi %iota3A, %add3A_17 : vector<16xi32>
    %add3A_19 = arith.constant 8 : i32
    %add3A_20 = vector.broadcast %add3A_19 : i32 to vector<16xi32>
    %add3A_21 = arith.addi %iota3A, %add3A_20 : vector<16xi32>
    %and3A = arith.constant 15 : i32
    %and3A_22 = vector.broadcast %and3A : i32 to vector<16xi32>
    %and3A_23 = arith.andi %add3A_21, %and3A_22 : vector<16xi32>
    %scan3A = arith.constant 0 : i32
    %scan3A_24 = arith.constant 0 : i32
    %scan3A_25 = arith.constant 64 : i32
    %scan3A_26 = arith.addi %scan3A_24, %scan3A_25 : i32
    %scan3A_27 = arith.constant 1 : i32
    scf.for %scan3A_33 = %scan3A_24 to %scan3A_26 step %scan3A_27  : i32 {
      %mul3A_34 = arith.constant 2 : i32
      %mul3A_35 = arith.muli %scan3A_33, %mul3A_34 : i32
      %mul3A_36 = arith.constant 64 : i32
      %mul3A_37 = arith.muli %mul3A_35, %mul3A_36 : i32
      %add3A_38 = arith.constant 0 : i32
      %add3A_39 = arith.addi %mul3A_37, %add3A_38 : i32
      %get3A = arith.index_cast %add3A_39 : i32 to index
      %get3A_40 = tpu.vector_load %arg5[%get3A] {strides = array<i32>} : memref<8192xf32, #tpu.memory_space<vmem>>, vector<16xf32>,
      %masked_sort3A = arith.constant dense<true> : vector<16xi1>
      %masked_sort3A_41, %masked_sort3A_42, %masked_sort3A_43 = tpu.sort %get3A_40, %add3A_9 masked %masked_sort3A {descending = true} : (vector<16xf32>, vector<16xi32>, vector<16xi1>) -> (vector<16xi1>, vector<16xf32>, vector<16xi32>)
      %add3A_44 = arith.constant 16 : i32
      %add3A_45 = arith.addi %mul3A_37, %add3A_44 : i32
      %get3A_46 = arith.index_cast %add3A_45 : i32 to index
      %get3A_47 = tpu.vector_load %arg5[%get3A_46] {strides = array<i32>} : memref<8192xf32, #tpu.memory_space<vmem>>, vector<16xf32>,
      %masked_sort3A_48 = arith.constant dense<true> : vector<16xi1>
      %masked_sort3A_49, %masked_sort3A_50, %masked_sort3A_51 = tpu.sort %get3A_47, %add3A_12 masked %masked_sort3A_48 {descending = true} : (vector<16xf32>, vector<16xi32>, vector<16xi1>) -> (vector<16xi1>, vector<16xf32>, vector<16xi32>)
      %add3A_52 = arith.constant 32 : i32
      %add3A_53 = arith.addi %mul3A_37, %add3A_52 : i32
      %get3A_54 = arith.index_cast %add3A_53 : i32 to index
      %get3A_55 = tpu.vector_load %arg5[%get3A_54] {strides = array<i32>} : memref<8192xf32, #tpu.memory_space<vmem>>, vector<16xf32>,
      %masked_sort3A_56 = arith.constant dense<true> : vector<16xi1>
      %masked_sort3A_57, %masked_sort3A_58, %masked_sort3A_59 = tpu.sort %get3A_55, %add3A_15 masked %masked_sort3A_56 {descending = true} : (vector<16xf32>, vector<16xi32>, vector<16xi1>) -> (vector<16xi1>, vector<16xf32>, vector<16xi32>)
      %add3A_60 = arith.constant 48 : i32
      %add3A_61 = arith.addi %mul3A_37, %add3A_60 : i32
      %get3A_62 = arith.index_cast %add3A_61 : i32 to index
      %get3A_63 = tpu.vector_load %arg5[%get3A_62] {strides = array<i32>} : memref<8192xf32, #tpu.memory_space<vmem>>, vector<16xf32>,
      %masked_sort3A_64 = arith.constant dense<true> : vector<16xi1>
      %masked_sort3A_65, %masked_sort3A_66, %masked_sort3A_67 = tpu.sort %get3A_63, %add3A_18 masked %masked_sort3A_64 {descending = true} : (vector<16xf32>, vector<16xi32>, vector<16xi1>) -> (vector<16xi1>, vector<16xf32>, vector<16xi32>)
      %rev3A = arith.constant 15 : i32
      %rev3A_68 = vector.broadcast %rev3A : i32 to vector<16xi32>
      %rev3A_69 = tpu.iota {dimensions = array<i32: 0>} : vector<16xi32>
      %rev3A_70 = arith.subi %rev3A_68, %rev3A_69 : vector<16xi32>
      %rev3A_71 = tpu.dynamic_gather %masked_sort3A_50[%rev3A_70] in [0] : vector<16xf32>, vector<16xi32> -> vector<16xf32>
      %select_n3A = arith.select %lt3A_6, %masked_sort3A_42, %rev3A_71 : vector<16xi1>, vector<16xf32>
      %rev3A_72 = arith.constant 15 : i32
      %rev3A_73 = vector.broadcast %rev3A_72 : i32 to vector<16xi32>
      %rev3A_74 = tpu.iota {dimensions = array<i32: 0>} : vector<16xi32>
      %rev3A_75 = arith.subi %rev3A_73, %rev3A_74 : vector<16xi32>
      %rev3A_76 = tpu.dynamic_gather %masked_sort3A_51[%rev3A_75] in [0] : vector<16xi32>, vector<16xi32> -> vector<16xi32>
      %select_n3A_77 = arith.select %lt3A_6, %masked_sort3A_43, %rev3A_76 : vector<16xi1>, vector<16xi32>
      %masked_sort3A_78 = arith.constant dense<true> : vector<16xi1>
      %masked_sort3A_79, %masked_sort3A_80, %masked_sort3A_81 = tpu.sort %select_n3A, %select_n3A_77 masked %masked_sort3A_78 {descending = true} : (vector<16xf32>, vector<16xi32>, vector<16xi1>) -> (vector<16xi1>, vector<16xf32>, vector<16xi32>)
      %rev3A_82 = arith.constant 15 : i32
      %rev3A_83 = vector.broadcast %rev3A_82 : i32 to vector<16xi32>
      %rev3A_84 = tpu.iota {dimensions = array<i32: 0>} : vector<16xi32>
      %rev3A_85 = arith.subi %rev3A_83, %rev3A_84 : vector<16xi32>
      %rev3A_86 = tpu.dynamic_gather %masked_sort3A_66[%rev3A_85] in [0] : vector<16xf32>, vector<16xi32> -> vector<16xf32>
      %select_n3A_87 = arith.select %lt3A_6, %masked_sort3A_58, %rev3A_86 : vector<16xi1>, vector<16xf32>
      %rev3A_88 = arith.constant 15 : i32
      %rev3A_89 = vector.broadcast %rev3A_88 : i32 to vector<16xi32>
      %rev3A_90 = tpu.iota {dimensions = array<i32: 0>} : vector<16xi32>
      %rev3A_91 = arith.subi %rev3A_89, %rev3A_90 : vector<16xi32>
      %rev3A_92 = tpu.dynamic_gather %masked_sort3A_67[%rev3A_91] in [0] : vector<16xi32>, vector<16xi32> -> vector<16xi32>
      %select_n3A_93 = arith.select %lt3A_6, %masked_sort3A_59, %rev3A_92 : vector<16xi1>, vector<16xi32>
      %masked_sort3A_94 = arith.constant dense<true> : vector<16xi1>
      %masked_sort3A_95, %masked_sort3A_96, %masked_sort3A_97 = tpu.sort %select_n3A_87, %select_n3A_93 masked %masked_sort3A_94 {descending = true} : (vector<16xf32>, vector<16xi32>, vector<16xi1>) -> (vector<16xi1>, vector<16xf32>, vector<16xi32>)
      %rev3A_98 = arith.constant 15 : i32
      %rev3A_99 = vector.broadcast %rev3A_98 : i32 to vector<16xi32>
      %rev3A_100 = tpu.iota {dimensions = array<i32: 0>} : vector<16xi32>
      %rev3A_101 = arith.subi %rev3A_99, %rev3A_100 : vector<16xi32>
      %rev3A_102 = tpu.dynamic_gather %masked_sort3A_96[%rev3A_101] in [0] : vector<16xf32>, vector<16xi32> -> vector<16xf32>
      %select_n3A_103 = arith.select %lt3A_6, %masked_sort3A_80, %rev3A_102 : vector<16xi1>, vector<16xf32>
      %rev3A_104 = arith.constant 15 : i32
      %rev3A_105 = vector.broadcast %rev3A_104 : i32 to vector<16xi32>
      %rev3A_106 = tpu.iota {dimensions = array<i32: 0>} : vector<16xi32>
      %rev3A_107 = arith.subi %rev3A_105, %rev3A_106 : vector<16xi32>
      %rev3A_108 = tpu.dynamic_gather %masked_sort3A_97[%rev3A_107] in [0] : vector<16xi32>, vector<16xi32> -> vector<16xi32>
      %select_n3A_109 = arith.select %lt3A_6, %masked_sort3A_81, %rev3A_108 : vector<16xi1>, vector<16xi32>
      %masked_sort3A_110 = arith.constant dense<true> : vector<16xi1>
      %masked_sort3A_111, %masked_sort3A_112, %masked_sort3A_113 = tpu.sort %select_n3A_103, %select_n3A_109 masked %masked_sort3A_110 {descending = true} : (vector<16xf32>, vector<16xi32>, vector<16xi1>) -> (vector<16xi1>, vector<16xf32>, vector<16xi32>)
      %neg3A = arith.constant 0.000000e+00 : f32
      %neg3A_114 = vector.broadcast %neg3A : f32 to vector<16xf32>
      %neg3A_115 = arith.subf %neg3A_114, %masked_sort3A_112 : vector<16xf32>
      %exp3A = math.exp %neg3A_115 : vector<16xf32>
      %add3A_116 = arith.constant 1.000000e+00 : f32
      %add3A_117 = vector.broadcast %add3A_116 : f32 to vector<16xf32>
      %add3A_118 = arith.addf %add3A_117, %exp3A : vector<16xf32>
      %div3A = arith.constant 1.000000e+00 : f32
      %div3A_119 = vector.broadcast %div3A : f32 to vector<16xf32>
      %div3A_120 = arith.divf %div3A_119, %add3A_118 : vector<16xf32>
      %jit3A = arith.constant 0.000000e+00 : f32
      %broadcast_in_dim3A = vector.broadcast %jit3A : f32 to vector<16xf32>
      %select_n3A_121 = arith.select %lt3A_6, %div3A_120, %broadcast_in_dim3A : vector<16xi1>, vector<16xf32>
      %reduce_sum3A = arith.constant true
      %reduce_sum3A_122 = vector.broadcast %reduce_sum3A : i1 to vector<16xi1>
      %reduce_sum3A_123 = tpu.scan <sum>, %select_n3A_121 masked %reduce_sum3A_122 : vector<16xf32>, vector<16xi1> -> vector<16xf32>
      %reduce_sum3A_124 = vector.extract %reduce_sum3A_123[15] : f32 from vector<16xf32>
      %div3A_125 = vector.broadcast %reduce_sum3A_124 : f32 to vector<16xf32>
      %div3A_126 = arith.divf %div3A_120, %div3A_125 : vector<16xf32>
      %mul3A_127 = arith.constant 2 : i32
      %mul3A_128 = arith.muli %scan3A_33, %mul3A_127 : i32
      %mul3A_129 = arith.constant 64 : i32
      %mul3A_130 = arith.muli %mul3A_128, %mul3A_129 : i32
      %add3A_131 = arith.constant 64 : i32
      %add3A_132 = arith.addi %mul3A_130, %add3A_131 : i32
      %add3A_133 = arith.constant 0 : i32
      %add3A_134 = arith.addi %add3A_132, %add3A_133 : i32
      %get3A_135 = arith.index_cast %add3A_134 : i32 to index
      %get3A_136 = tpu.vector_load %arg5[%get3A_135] {strides = array<i32>} : memref<8192xf32, #tpu.memory_space<vmem>>, vector<16xf32>,
      %masked_sort3A_137 = arith.constant dense<true> : vector<16xi1>
      %masked_sort3A_138, %masked_sort3A_139, %masked_sort3A_140 = tpu.sort %get3A_136, %add3A_9 masked %masked_sort3A_137 {descending = true} : (vector<16xf32>, vector<16xi32>, vector<16xi1>) -> (vector<16xi1>, vector<16xf32>, vector<16xi32>)
      %add3A_141 = arith.constant 16 : i32
      %add3A_142 = arith.addi %add3A_132, %add3A_141 : i32
      %get3A_143 = arith.index_cast %add3A_142 : i32 to index
      %get3A_144 = tpu.vector_load %arg5[%get3A_143] {strides = array<i32>} : memref<8192xf32, #tpu.memory_space<vmem>>, vector<16xf32>,
      %masked_sort3A_145 = arith.constant dense<true> : vector<16xi1>
      %masked_sort3A_146, %masked_sort3A_147, %masked_sort3A_148 = tpu.sort %get3A_144, %add3A_12 masked %masked_sort3A_145 {descending = true} : (vector<16xf32>, vector<16xi32>, vector<16xi1>) -> (vector<16xi1>, vector<16xf32>, vector<16xi32>)
      %add3A_149 = arith.constant 32 : i32
      %add3A_150 = arith.addi %add3A_132, %add3A_149 : i32
      %get3A_151 = arith.index_cast %add3A_150 : i32 to index
      %get3A_152 = tpu.vector_load %arg5[%get3A_151] {strides = array<i32>} : memref<8192xf32, #tpu.memory_space<vmem>>, vector<16xf32>,
      %masked_sort3A_153 = arith.constant dense<true> : vector<16xi1>
      %masked_sort3A_154, %masked_sort3A_155, %masked_sort3A_156 = tpu.sort %get3A_152, %add3A_15 masked %masked_sort3A_153 {descending = true} : (vector<16xf32>, vector<16xi32>, vector<16xi1>) -> (vector<16xi1>, vector<16xf32>, vector<16xi32>)
      %add3A_157 = arith.constant 48 : i32
      %add3A_158 = arith.addi %add3A_132, %add3A_157 : i32
      %get3A_159 = arith.index_cast %add3A_158 : i32 to index
      %get3A_160 = tpu.vector_load %arg5[%get3A_159] {strides = array<i32>} : memref<8192xf32, #tpu.memory_space<vmem>>, vector<16xf32>,
      %masked_sort3A_161 = arith.constant dense<true> : vector<16xi1>
      %masked_sort3A_162, %masked_sort3A_163, %masked_sort3A_164 = tpu.sort %get3A_160, %add3A_18 masked %masked_sort3A_161 {descending = true} : (vector<16xf32>, vector<16xi32>, vector<16xi1>) -> (vector<16xi1>, vector<16xf32>, vector<16xi32>)
      %rev3A_165 = arith.constant 15 : i32
      %rev3A_166 = vector.broadcast %rev3A_165 : i32 to vector<16xi32>
      %rev3A_167 = tpu.iota {dimensions = array<i32: 0>} : vector<16xi32>
      %rev3A_168 = arith.subi %rev3A_166, %rev3A_167 : vector<16xi32>
      %rev3A_169 = tpu.dynamic_gather %masked_sort3A_147[%rev3A_168] in [0] : vector<16xf32>, vector<16xi32> -> vector<16xf32>
      %select_n3A_170 = arith.select %lt3A_6, %masked_sort3A_139, %rev3A_169 : vector<16xi1>, vector<16xf32>
      %rev3A_171 = arith.constant 15 : i32
      %rev3A_172 = vector.broadcast %rev3A_171 : i32 to vector<16xi32>
      %rev3A_173 = tpu.iota {dimensions = array<i32: 0>} : vector<16xi32>
      %rev3A_174 = arith.subi %rev3A_172, %rev3A_173 : vector<16xi32>
      %rev3A_175 = tpu.dynamic_gather %masked_sort3A_148[%rev3A_174] in [0] : vector<16xi32>, vector<16xi32> -> vector<16xi32>
      %select_n3A_176 = arith.select %lt3A_6, %masked_sort3A_140, %rev3A_175 : vector<16xi1>, vector<16xi32>
      %masked_sort3A_177 = arith.constant dense<true> : vector<16xi1>
      %masked_sort3A_178, %masked_sort3A_179, %masked_sort3A_180 = tpu.sort %select_n3A_170, %select_n3A_176 masked %masked_sort3A_177 {descending = true} : (vector<16xf32>, vector<16xi32>, vector<16xi1>) -> (vector<16xi1>, vector<16xf32>, vector<16xi32>)
      %rev3A_181 = arith.constant 15 : i32
      %rev3A_182 = vector.broadcast %rev3A_181 : i32 to vector<16xi32>
      %rev3A_183 = tpu.iota {dimensions = array<i32: 0>} : vector<16xi32>
      %rev3A_184 = arith.subi %rev3A_182, %rev3A_183 : vector<16xi32>
      %rev3A_185 = tpu.dynamic_gather %masked_sort3A_163[%rev3A_184] in [0] : vector<16xf32>, vector<16xi32> -> vector<16xf32>
      %select_n3A_186 = arith.select %lt3A_6, %masked_sort3A_155, %rev3A_185 : vector<16xi1>, vector<16xf32>
      %rev3A_187 = arith.constant 15 : i32
      %rev3A_188 = vector.broadcast %rev3A_187 : i32 to vector<16xi32>
      %rev3A_189 = tpu.iota {dimensions = array<i32: 0>} : vector<16xi32>
      %rev3A_190 = arith.subi %rev3A_188, %rev3A_189 : vector<16xi32>
      %rev3A_191 = tpu.dynamic_gather %masked_sort3A_164[%rev3A_190] in [0] : vector<16xi32>, vector<16xi32> -> vector<16xi32>
      %select_n3A_192 = arith.select %lt3A_6, %masked_sort3A_156, %rev3A_191 : vector<16xi1>, vector<16xi32>
      %masked_sort3A_193 = arith.constant dense<true> : vector<16xi1>
      %masked_sort3A_194, %masked_sort3A_195, %masked_sort3A_196 = tpu.sort %select_n3A_186, %select_n3A_192 masked %masked_sort3A_193 {descending = true} : (vector<16xf32>, vector<16xi32>, vector<16xi1>) -> (vector<16xi1>, vector<16xf32>, vector<16xi32>)
      %rev3A_197 = arith.constant 15 : i32
      %rev3A_198 = vector.broadcast %rev3A_197 : i32 to vector<16xi32>
      %rev3A_199 = tpu.iota {dimensions = array<i32: 0>} : vector<16xi32>
      %rev3A_200 = arith.subi %rev3A_198, %rev3A_199 : vector<16xi32>
      %rev3A_201 = tpu.dynamic_gather %masked_sort3A_195[%rev3A_200] in [0] : vector<16xf32>, vector<16xi32> -> vector<16xf32>
      %select_n3A_202 = arith.select %lt3A_6, %masked_sort3A_179, %rev3A_201 : vector<16xi1>, vector<16xf32>
      %rev3A_203 = arith.constant 15 : i32
      %rev3A_204 = vector.broadcast %rev3A_203 : i32 to vector<16xi32>
      %rev3A_205 = tpu.iota {dimensions = array<i32: 0>} : vector<16xi32>
      %rev3A_206 = arith.subi %rev3A_204, %rev3A_205 : vector<16xi32>
      %rev3A_207 = tpu.dynamic_gather %masked_sort3A_196[%rev3A_206] in [0] : vector<16xi32>, vector<16xi32> -> vector<16xi32>
      %select_n3A_208 = arith.select %lt3A_6, %masked_sort3A_180, %rev3A_207 : vector<16xi1>, vector<16xi32>
      %masked_sort3A_209 = arith.constant dense<true> : vector<16xi1>
      %masked_sort3A_210, %masked_sort3A_211, %masked_sort3A_212 = tpu.sort %select_n3A_202, %select_n3A_208 masked %masked_sort3A_209 {descending = true} : (vector<16xf32>, vector<16xi32>, vector<16xi1>) -> (vector<16xi1>, vector<16xf32>, vector<16xi32>)
      %neg3A_213 = arith.constant 0.000000e+00 : f32
      %neg3A_214 = vector.broadcast %neg3A_213 : f32 to vector<16xf32>
      %neg3A_215 = arith.subf %neg3A_214, %masked_sort3A_211 : vector<16xf32>
      %exp3A_216 = math.exp %neg3A_215 : vector<16xf32>
      %add3A_217 = arith.constant 1.000000e+00 : f32
      %add3A_218 = vector.broadcast %add3A_217 : f32 to vector<16xf32>
      %add3A_219 = arith.addf %add3A_218, %exp3A_216 : vector<16xf32>
      %div3A_220 = arith.constant 1.000000e+00 : f32
      %div3A_221 = vector.broadcast %div3A_220 : f32 to vector<16xf32>
      %div3A_222 = arith.divf %div3A_221, %add3A_219 : vector<16xf32>
      %jit3A_223 = arith.constant 0.000000e+00 : f32
      %broadcast_in_dim3A_224 = vector.broadcast %jit3A_223 : f32 to vector<16xf32>
      %select_n3A_225 = arith.select %lt3A_6, %div3A_222, %broadcast_in_dim3A_224 : vector<16xi1>, vector<16xf32>
      %reduce_sum3A_226 = arith.constant true
      %reduce_sum3A_227 = vector.broadcast %reduce_sum3A_226 : i1 to vector<16xi1>
      %reduce_sum3A_228 = tpu.scan <sum>, %select_n3A_225 masked %reduce_sum3A_227 : vector<16xf32>, vector<16xi1> -> vector<16xf32>
      %reduce_sum3A_229 = vector.extract %reduce_sum3A_228[15] : f32 from vector<16xf32>
      %div3A_230 = vector.broadcast %reduce_sum3A_229 : f32 to vector<16xf32>
      %div3A_231 = arith.divf %div3A_222, %div3A_230 : vector<16xf32>
      %broadcast_in_dim3A_232 = vector.shape_cast %and3A_23 : vector<16xi32> to vector<16x1xi32>
      %gather3A = vector.shape_cast %broadcast_in_dim3A_232 : vector<16x1xi32> to vector<16xi32>
      %gather3A_233 = tpu.dynamic_gather %div3A_231[%gather3A] in [0] : vector<16xf32>, vector<16xi32> -> vector<16xf32>
      %select_n3A_234 = arith.select %lt3A_6, %div3A_126, %gather3A_233 : vector<16xi1>, vector<16xf32>
      %broadcast_in_dim3A_235 = vector.shape_cast %and3A_23 : vector<16xi32> to vector<16x1xi32>
      %gather3A_236 = vector.shape_cast %broadcast_in_dim3A_235 : vector<16x1xi32> to vector<16xi32>
      %gather3A_237 = tpu.dynamic_gather %masked_sort3A_212[%gather3A_236] in [0] : vector<16xi32>, vector<16xi32> -> vector<16xi32>
      %select_n3A_238 = arith.select %lt3A_6, %masked_sort3A_113, %gather3A_237 : vector<16xi1>, vector<16xi32>
      %mul3A_239 = arith.constant 16 : i32
      %mul3A_240 = arith.muli %scan3A_33, %mul3A_239 : i32
      %swap3A = arith.index_cast %mul3A_240 : i32 to index
      %swap3A_241 = tpu.vector_load %arg6[%swap3A] {strides = array<i32>} : memref<1024xf32, #tpu.memory_space<vmem>>, vector<16xf32>,
      tpu.vector_store %arg6[%swap3A], %select_n3A_234 {strides = array<i32>} : memref<1024xf32, #tpu.memory_space<vmem>>, vector<16xf32>,
      %mul3A_242 = arith.constant 16 : i32
      %mul3A_243 = arith.muli %scan3A_33, %mul3A_242 : i32
      %swap3A_244 = arith.index_cast %mul3A_243 : i32 to index
      %swap3A_245 = tpu.vector_load %arg7[%swap3A_244] {strides = array<i32>} : memref<1024xi32, #tpu.memory_space<vmem>>, vector<16xi32>,
      tpu.vector_store %arg7[%swap3A_244], %select_n3A_238 {strides = array<i32>} : memref<1024xi32, #tpu.memory_space<vmem>>, vector<16xi32>,
    }
    %scan3A_28 = arith.constant 64 : i32
    %mul3A_29 = arith.constant 8 : i32
    %mul3A_30 = arith.muli %mul3A_2, %mul3A_29 : i32
    "tpu.region"() ({
      %run_scoped3A = tpu.sem_alloc : memref<!tpu.dma_semaphore, #tpu.memory_space<semaphore_mem>>
      %dma_start3A = tpu.memref_slice %arg3[%mul3A_30] : memref<32768xf32, #tpu.memory_space<hbm>> -> memref<1024xf32, #tpu.memory_space<hbm>>
      %dma_start3A_33 = tpu.memref_slice %arg3[%mul3A_30] : memref<32768xf32, #tpu.memory_space<hbm>> -> memref<1024xf32, #tpu.memory_space<hbm>>
      tpu.enqueue_dma source(%arg6 : memref<1024xf32, #tpu.memory_space<vmem>>) target(%dma_start3A_33 : memref<1024xf32, #tpu.memory_space<hbm>>) target_semaphore(%run_scoped3A : memref<!tpu.dma_semaphore, #tpu.memory_space<semaphore_mem>>)
      %dma_wait3A = tpu.memref_slice %arg3[%mul3A_30] : memref<32768xf32, #tpu.memory_space<hbm>> -> memref<1024xf32, #tpu.memory_space<hbm>>
      %dma_wait3A_34 = tpu.memref_slice %arg3[%mul3A_30] : memref<32768xf32, #tpu.memory_space<hbm>> -> memref<1024xf32, #tpu.memory_space<hbm>>
      tpu.wait_dma2 semaphore(%run_scoped3A : memref<!tpu.dma_semaphore, #tpu.memory_space<semaphore_mem>>) src(%arg6 : memref<1024xf32, #tpu.memory_space<vmem>>) dst(%dma_wait3A_34 : memref<1024xf32, #tpu.memory_space<hbm>>)
      tpu.yield
    }) : () -> ()
    %mul3A_31 = arith.constant 8 : i32
    %mul3A_32 = arith.muli %mul3A_2, %mul3A_31 : i32
    "tpu.region"() ({
      %run_scoped3A = tpu.sem_alloc : memref<!tpu.dma_semaphore, #tpu.memory_space<semaphore_mem>>
      %dma_start3A = tpu.memref_slice %arg4[%mul3A_32] : memref<32768xi32, #tpu.memory_space<hbm>> -> memref<1024xi32, #tpu.memory_space<hbm>>
      %dma_start3A_33 = tpu.memref_slice %arg4[%mul3A_32] : memref<32768xi32, #tpu.memory_space<hbm>> -> memref<1024xi32, #tpu.memory_space<hbm>>
      tpu.enqueue_dma source(%arg7 : memref<1024xi32, #tpu.memory_space<vmem>>) target(%dma_start3A_33 : memref<1024xi32, #tpu.memory_space<hbm>>) target_semaphore(%run_scoped3A : memref<!tpu.dma_semaphore, #tpu.memory_space<semaphore_mem>>)
      %dma_wait3A = tpu.memref_slice %arg4[%mul3A_32] : memref<32768xi32, #tpu.memory_space<hbm>> -> memref<1024xi32, #tpu.memory_space<hbm>>
      %dma_wait3A_34 = tpu.memref_slice %arg4[%mul3A_32] : memref<32768xi32, #tpu.memory_space<hbm>> -> memref<1024xi32, #tpu.memory_space<hbm>>
      tpu.wait_dma2 semaphore(%run_scoped3A : memref<!tpu.dma_semaphore, #tpu.memory_space<semaphore_mem>>) src(%arg7 : memref<1024xi32, #tpu.memory_space<vmem>>) dst(%dma_wait3A_34 : memref<1024xi32, #tpu.memory_space<hbm>>)
      tpu.yield
    }) : () -> ()
    return
  }
}

#map = affine_map<(d0, d1) -> (0)>
module attributes {stable_mosaic.version = 14 : i64} {
  func.func @router(%arg0: i32, %arg1: i32, %arg2: memref<262144xf32, #tpu.memory_space<hbm>>, %arg3: memref<32768xf32, #tpu.memory_space<hbm>>, %arg4: memref<32768xi32, #tpu.memory_space<hbm>>, %arg5: memref<8192xf32, #tpu.memory_space<vmem>>, %arg6: memref<1024xf32, #tpu.memory_space<vmem>>, %arg7: memref<1024xi32, #tpu.memory_space<vmem>>) attributes {dimension_semantics = [#tpu.dimension_semantics<core_parallel>, #tpu.dimension_semantics<subcore_parallel>], iteration_bounds = array<i64: 2, 16>, scalar_prefetch = 0 : i64, scratch_operands = 3 : i64, tpu.core_type = #tpu.core_type<sc_vector_subcore>, window_params = [{transform_indices = #map}, {transform_indices = #map}, {transform_indices = #map}]} {
    %mul3A = arith.constant 2 : i32
    %mul3A_0 = arith.muli %arg1, %mul3A : i32
    %add3A = arith.addi %mul3A_0, %arg0 : i32
    %mul3A_1 = arith.constant 128 : i32
    %mul3A_2 = arith.muli %add3A, %mul3A_1 : i32
    %mul3A_3 = arith.constant 64 : i32
    %mul3A_4 = arith.muli %mul3A_2, %mul3A_3 : i32
    "tpu.region"() ({
      %run_scoped3A = tpu.sem_alloc : memref<!tpu.dma_semaphore, #tpu.memory_space<semaphore_mem>>
      %dma_start3A = tpu.memref_slice %arg2[%mul3A_4] : memref<262144xf32, #tpu.memory_space<hbm>> -> memref<8192xf32, #tpu.memory_space<hbm>>
      %dma_start3A_33 = tpu.memref_slice %arg2[%mul3A_4] : memref<262144xf32, #tpu.memory_space<hbm>> -> memref<8192xf32, #tpu.memory_space<hbm>>
      tpu.enqueue_dma source(%dma_start3A_33 : memref<8192xf32, #tpu.memory_space<hbm>>) target(%arg5 : memref<8192xf32, #tpu.memory_space<vmem>>) target_semaphore(%run_scoped3A : memref<!tpu.dma_semaphore, #tpu.memory_space<semaphore_mem>>)
      %dma_wait3A = tpu.memref_slice %arg2[%mul3A_4] : memref<262144xf32, #tpu.memory_space<hbm>> -> memref<8192xf32, #tpu.memory_space<hbm>>
      %dma_wait3A_34 = tpu.memref_slice %arg2[%mul3A_4] : memref<262144xf32, #tpu.memory_space<hbm>> -> memref<8192xf32, #tpu.memory_space<hbm>>
      tpu.wait_dma2 semaphore(%run_scoped3A : memref<!tpu.dma_semaphore, #tpu.memory_space<semaphore_mem>>) src(%dma_wait3A_34 : memref<8192xf32, #tpu.memory_space<hbm>>) dst(%arg5 : memref<8192xf32, #tpu.memory_space<vmem>>)
      tpu.yield
    }) : () -> ()
    %iota3A = tpu.iota {dimensions = array<i32: 0>} : vector<16xi32>
    %lt3A = arith.constant 8 : i32
    %lt3A_5 = vector.broadcast %lt3A : i32 to vector<16xi32>
    %lt3A_6 = arith.cmpi slt, %iota3A, %lt3A_5 : vector<16xi32>
    %add3A_7 = arith.constant 0 : i32
    %add3A_8 = vector.broadcast %add3A_7 : i32 to vector<16xi32>
    %add3A_9 = arith.addi %iota3A, %add3A_8 : vector<16xi32>
    %add3A_10 = arith.constant 16 : i32
    %add3A_11 = vector.broadcast %add3A_10 : i32 to vector<16xi32>
    %add3A_12 = arith.addi %iota3A, %add3A_11 : vector<16xi32>
    %add3A_13 = arith.constant 32 : i32
    %add3A_14 = vector.broadcast %add3A_13 : i32 to vector<16xi32>
    %add3A_15 = arith.addi %iota3A, %add3A_14 : vector<16xi32>
    %add3A_16 = arith.constant 48 : i32
    %add3A_17 = vector.broadcast %add3A_16 : i32 to vector<16xi32>
    %add3A_18 = arith.addi %iota3A, %add3A_17 : vector<16xi32>
    %add3A_19 = arith.constant 8 : i32
    %add3A_20 = vector.broadcast %add3A_19 : i32 to vector<16xi32>
    %add3A_21 = arith.addi %iota3A, %add3A_20 : vector<16xi32>
    %and3A = arith.constant 15 : i32
    %and3A_22 = vector.broadcast %and3A : i32 to vector<16xi32>
    %and3A_23 = arith.andi %add3A_21, %and3A_22 : vector<16xi32>
    %scan3A = arith.constant 0 : i32
    %scan3A_24 = arith.constant 0 : i32
    %scan3A_25 = arith.constant 64 : i32
    %scan3A_26 = arith.addi %scan3A_24, %scan3A_25 : i32
    %scan3A_27 = arith.constant 1 : i32
    scf.for %scan3A_33 = %scan3A_24 to %scan3A_26 step %scan3A_27  : i32 {
      %mul3A_34 = arith.constant 2 : i32
      %mul3A_35 = arith.muli %scan3A_33, %mul3A_34 : i32
      %mul3A_36 = arith.constant 64 : i32
      %mul3A_37 = arith.muli %mul3A_35, %mul3A_36 : i32
      %add3A_38 = arith.constant 0 : i32
      %add3A_39 = arith.addi %mul3A_37, %add3A_38 : i32
      %get3A = arith.index_cast %add3A_39 : i32 to index
      %get3A_40 = tpu.vector_load %arg5[%get3A] {strides = array<i32>} : memref<8192xf32, #tpu.memory_space<vmem>>, vector<16xf32>,
      %masked_sort3A = arith.constant dense<true> : vector<16xi1>
      %masked_sort3A_41, %masked_sort3A_42, %masked_sort3A_43 = tpu.sort %get3A_40, %add3A_9 masked %masked_sort3A {descending = true} : (vector<16xf32>, vector<16xi32>, vector<16xi1>) -> (vector<16xi1>, vector<16xf32>, vector<16xi32>)
      %add3A_44 = arith.constant 16 : i32
      %add3A_45 = arith.addi %mul3A_37, %add3A_44 : i32
      %get3A_46 = arith.index_cast %add3A_45 : i32 to index
      %get3A_47 = tpu.vector_load %arg5[%get3A_46] {strides = array<i32>} : memref<8192xf32, #tpu.memory_space<vmem>>, vector<16xf32>,
      %masked_sort3A_48 = arith.constant dense<true> : vector<16xi1>
      %masked_sort3A_49, %masked_sort3A_50, %masked_sort3A_51 = tpu.sort %get3A_47, %add3A_12 masked %masked_sort3A_48 {descending = true} : (vector<16xf32>, vector<16xi32>, vector<16xi1>) -> (vector<16xi1>, vector<16xf32>, vector<16xi32>)
      %add3A_52 = arith.constant 32 : i32
      %add3A_53 = arith.addi %mul3A_37, %add3A_52 : i32
      %get3A_54 = arith.index_cast %add3A_53 : i32 to index
      %get3A_55 = tpu.vector_load %arg5[%get3A_54] {strides = array<i32>} : memref<8192xf32, #tpu.memory_space<vmem>>, vector<16xf32>,
      %masked_sort3A_56 = arith.constant dense<true> : vector<16xi1>
      %masked_sort3A_57, %masked_sort3A_58, %masked_sort3A_59 = tpu.sort %get3A_55, %add3A_15 masked %masked_sort3A_56 {descending = true} : (vector<16xf32>, vector<16xi32>, vector<16xi1>) -> (vector<16xi1>, vector<16xf32>, vector<16xi32>)
      %add3A_60 = arith.constant 48 : i32
      %add3A_61 = arith.addi %mul3A_37, %add3A_60 : i32
      %get3A_62 = arith.index_cast %add3A_61 : i32 to index
      %get3A_63 = tpu.vector_load %arg5[%get3A_62] {strides = array<i32>} : memref<8192xf32, #tpu.memory_space<vmem>>, vector<16xf32>,
      %masked_sort3A_64 = arith.constant dense<true> : vector<16xi1>
      %masked_sort3A_65, %masked_sort3A_66, %masked_sort3A_67 = tpu.sort %get3A_63, %add3A_18 masked %masked_sort3A_64 {descending = true} : (vector<16xf32>, vector<16xi32>, vector<16xi1>) -> (vector<16xi1>, vector<16xf32>, vector<16xi32>)
      %rev3A = arith.constant 15 : i32
      %rev3A_68 = vector.broadcast %rev3A : i32 to vector<16xi32>
      %rev3A_69 = tpu.iota {dimensions = array<i32: 0>} : vector<16xi32>
      %rev3A_70 = arith.subi %rev3A_68, %rev3A_69 : vector<16xi32>
      %rev3A_71 = tpu.dynamic_gather %masked_sort3A_50[%rev3A_70] in [0] : vector<16xf32>, vector<16xi32> -> vector<16xf32>
      %select_n3A = arith.select %lt3A_6, %masked_sort3A_42, %rev3A_71 : vector<16xi1>, vector<16xf32>
      %rev3A_72 = arith.constant 15 : i32
      %rev3A_73 = vector.broadcast %rev3A_72 : i32 to vector<16xi32>
      %rev3A_74 = tpu.iota {dimensions = array<i32: 0>} : vector<16xi32>
      %rev3A_75 = arith.subi %rev3A_73, %rev3A_74 : vector<16xi32>
      %rev3A_76 = tpu.dynamic_gather %masked_sort3A_51[%rev3A_75] in [0] : vector<16xi32>, vector<16xi32> -> vector<16xi32>
      %select_n3A_77 = arith.select %lt3A_6, %masked_sort3A_43, %rev3A_76 : vector<16xi1>, vector<16xi32>
      %masked_sort3A_78 = arith.constant dense<true> : vector<16xi1>
      %masked_sort3A_79, %masked_sort3A_80, %masked_sort3A_81 = tpu.sort %select_n3A, %select_n3A_77 masked %masked_sort3A_78 {descending = true} : (vector<16xf32>, vector<16xi32>, vector<16xi1>) -> (vector<16xi1>, vector<16xf32>, vector<16xi32>)
      %rev3A_82 = arith.constant 15 : i32
      %rev3A_83 = vector.broadcast %rev3A_82 : i32 to vector<16xi32>
      %rev3A_84 = tpu.iota {dimensions = array<i32: 0>} : vector<16xi32>
      %rev3A_85 = arith.subi %rev3A_83, %rev3A_84 : vector<16xi32>
      %rev3A_86 = tpu.dynamic_gather %masked_sort3A_66[%rev3A_85] in [0] : vector<16xf32>, vector<16xi32> -> vector<16xf32>
      %select_n3A_87 = arith.select %lt3A_6, %masked_sort3A_58, %rev3A_86 : vector<16xi1>, vector<16xf32>
      %rev3A_88 = arith.constant 15 : i32
      %rev3A_89 = vector.broadcast %rev3A_88 : i32 to vector<16xi32>
      %rev3A_90 = tpu.iota {dimensions = array<i32: 0>} : vector<16xi32>
      %rev3A_91 = arith.subi %rev3A_89, %rev3A_90 : vector<16xi32>
      %rev3A_92 = tpu.dynamic_gather %masked_sort3A_67[%rev3A_91] in [0] : vector<16xi32>, vector<16xi32> -> vector<16xi32>
      %select_n3A_93 = arith.select %lt3A_6, %masked_sort3A_59, %rev3A_92 : vector<16xi1>, vector<16xi32>
      %masked_sort3A_94 = arith.constant dense<true> : vector<16xi1>
      %masked_sort3A_95, %masked_sort3A_96, %masked_sort3A_97 = tpu.sort %select_n3A_87, %select_n3A_93 masked %masked_sort3A_94 {descending = true} : (vector<16xf32>, vector<16xi32>, vector<16xi1>) -> (vector<16xi1>, vector<16xf32>, vector<16xi32>)
      %rev3A_98 = arith.constant 15 : i32
      %rev3A_99 = vector.broadcast %rev3A_98 : i32 to vector<16xi32>
      %rev3A_100 = tpu.iota {dimensions = array<i32: 0>} : vector<16xi32>
      %rev3A_101 = arith.subi %rev3A_99, %rev3A_100 : vector<16xi32>
      %rev3A_102 = tpu.dynamic_gather %masked_sort3A_96[%rev3A_101] in [0] : vector<16xf32>, vector<16xi32> -> vector<16xf32>
      %select_n3A_103 = arith.select %lt3A_6, %masked_sort3A_80, %rev3A_102 : vector<16xi1>, vector<16xf32>
      %rev3A_104 = arith.constant 15 : i32
      %rev3A_105 = vector.broadcast %rev3A_104 : i32 to vector<16xi32>
      %rev3A_106 = tpu.iota {dimensions = array<i32: 0>} : vector<16xi32>
      %rev3A_107 = arith.subi %rev3A_105, %rev3A_106 : vector<16xi32>
      %rev3A_108 = tpu.dynamic_gather %masked_sort3A_97[%rev3A_107] in [0] : vector<16xi32>, vector<16xi32> -> vector<16xi32>
      %select_n3A_109 = arith.select %lt3A_6, %masked_sort3A_81, %rev3A_108 : vector<16xi1>, vector<16xi32>
      %masked_sort3A_110 = arith.constant dense<true> : vector<16xi1>
      %masked_sort3A_111, %masked_sort3A_112, %masked_sort3A_113 = tpu.sort %select_n3A_103, %select_n3A_109 masked %masked_sort3A_110 {descending = true} : (vector<16xf32>, vector<16xi32>, vector<16xi1>) -> (vector<16xi1>, vector<16xf32>, vector<16xi32>)
      %neg3A = arith.constant 0.000000e+00 : f32
      %neg3A_114 = vector.broadcast %neg3A : f32 to vector<16xf32>
      %neg3A_115 = arith.subf %neg3A_114, %masked_sort3A_112 : vector<16xf32>
      %exp3A = math.exp %neg3A_115 : vector<16xf32>
      %add3A_116 = arith.constant 1.000000e+00 : f32
      %add3A_117 = vector.broadcast %add3A_116 : f32 to vector<16xf32>
      %add3A_118 = arith.addf %add3A_117, %exp3A : vector<16xf32>
      %div3A = arith.constant 1.000000e+00 : f32
      %div3A_119 = vector.broadcast %div3A : f32 to vector<16xf32>
      %div3A_120 = arith.divf %div3A_119, %add3A_118 : vector<16xf32>
      %jit3A = arith.constant 0.000000e+00 : f32
      %broadcast_in_dim3A = vector.broadcast %jit3A : f32 to vector<16xf32>
      %select_n3A_121 = arith.select %lt3A_6, %div3A_120, %broadcast_in_dim3A : vector<16xi1>, vector<16xf32>
      %reduce_sum3A = arith.constant true
      %reduce_sum3A_122 = vector.broadcast %reduce_sum3A : i1 to vector<16xi1>
      %reduce_sum3A_123 = tpu.scan <sum>, %select_n3A_121 masked %reduce_sum3A_122 : vector<16xf32>, vector<16xi1> -> vector<16xf32>
      %reduce_sum3A_124 = vector.extract %reduce_sum3A_123[15] : f32 from vector<16xf32>
      %div3A_125 = vector.broadcast %reduce_sum3A_124 : f32 to vector<16xf32>
      %div3A_126 = arith.divf %div3A_120, %div3A_125 : vector<16xf32>
      %mul3A_127 = arith.constant 2 : i32
      %mul3A_128 = arith.muli %scan3A_33, %mul3A_127 : i32
      %mul3A_129 = arith.constant 64 : i32
      %mul3A_130 = arith.muli %mul3A_128, %mul3A_129 : i32
      %add3A_131 = arith.constant 64 : i32
      %add3A_132 = arith.addi %mul3A_130, %add3A_131 : i32
      %add3A_133 = arith.constant 0 : i32
      %add3A_134 = arith.addi %add3A_132, %add3A_133 : i32
      %get3A_135 = arith.index_cast %add3A_134 : i32 to index
      %get3A_136 = tpu.vector_load %arg5[%get3A_135] {strides = array<i32>} : memref<8192xf32, #tpu.memory_space<vmem>>, vector<16xf32>,
      %masked_sort3A_137 = arith.constant dense<true> : vector<16xi1>
      %masked_sort3A_138, %masked_sort3A_139, %masked_sort3A_140 = tpu.sort %get3A_136, %add3A_9 masked %masked_sort3A_137 {descending = true} : (vector<16xf32>, vector<16xi32>, vector<16xi1>) -> (vector<16xi1>, vector<16xf32>, vector<16xi32>)
      %add3A_141 = arith.constant 16 : i32
      %add3A_142 = arith.addi %add3A_132, %add3A_141 : i32
      %get3A_143 = arith.index_cast %add3A_142 : i32 to index
      %get3A_144 = tpu.vector_load %arg5[%get3A_143] {strides = array<i32>} : memref<8192xf32, #tpu.memory_space<vmem>>, vector<16xf32>,
      %masked_sort3A_145 = arith.constant dense<true> : vector<16xi1>
      %masked_sort3A_146, %masked_sort3A_147, %masked_sort3A_148 = tpu.sort %get3A_144, %add3A_12 masked %masked_sort3A_145 {descending = true} : (vector<16xf32>, vector<16xi32>, vector<16xi1>) -> (vector<16xi1>, vector<16xf32>, vector<16xi32>)
      %add3A_149 = arith.constant 32 : i32
      %add3A_150 = arith.addi %add3A_132, %add3A_149 : i32
      %get3A_151 = arith.index_cast %add3A_150 : i32 to index
      %get3A_152 = tpu.vector_load %arg5[%get3A_151] {strides = array<i32>} : memref<8192xf32, #tpu.memory_space<vmem>>, vector<16xf32>,
      %masked_sort3A_153 = arith.constant dense<true> : vector<16xi1>
      %masked_sort3A_154, %masked_sort3A_155, %masked_sort3A_156 = tpu.sort %get3A_152, %add3A_15 masked %masked_sort3A_153 {descending = true} : (vector<16xf32>, vector<16xi32>, vector<16xi1>) -> (vector<16xi1>, vector<16xf32>, vector<16xi32>)
      %add3A_157 = arith.constant 48 : i32
      %add3A_158 = arith.addi %add3A_132, %add3A_157 : i32
      %get3A_159 = arith.index_cast %add3A_158 : i32 to index
      %get3A_160 = tpu.vector_load %arg5[%get3A_159] {strides = array<i32>} : memref<8192xf32, #tpu.memory_space<vmem>>, vector<16xf32>,
      %masked_sort3A_161 = arith.constant dense<true> : vector<16xi1>
      %masked_sort3A_162, %masked_sort3A_163, %masked_sort3A_164 = tpu.sort %get3A_160, %add3A_18 masked %masked_sort3A_161 {descending = true} : (vector<16xf32>, vector<16xi32>, vector<16xi1>) -> (vector<16xi1>, vector<16xf32>, vector<16xi32>)
      %rev3A_165 = arith.constant 15 : i32
      %rev3A_166 = vector.broadcast %rev3A_165 : i32 to vector<16xi32>
      %rev3A_167 = tpu.iota {dimensions = array<i32: 0>} : vector<16xi32>
      %rev3A_168 = arith.subi %rev3A_166, %rev3A_167 : vector<16xi32>
      %rev3A_169 = tpu.dynamic_gather %masked_sort3A_147[%rev3A_168] in [0] : vector<16xf32>, vector<16xi32> -> vector<16xf32>
      %select_n3A_170 = arith.select %lt3A_6, %masked_sort3A_139, %rev3A_169 : vector<16xi1>, vector<16xf32>
      %rev3A_171 = arith.constant 15 : i32
      %rev3A_172 = vector.broadcast %rev3A_171 : i32 to vector<16xi32>
      %rev3A_173 = tpu.iota {dimensions = array<i32: 0>} : vector<16xi32>
      %rev3A_174 = arith.subi %rev3A_172, %rev3A_173 : vector<16xi32>
      %rev3A_175 = tpu.dynamic_gather %masked_sort3A_148[%rev3A_174] in [0] : vector<16xi32>, vector<16xi32> -> vector<16xi32>
      %select_n3A_176 = arith.select %lt3A_6, %masked_sort3A_140, %rev3A_175 : vector<16xi1>, vector<16xi32>
      %masked_sort3A_177 = arith.constant dense<true> : vector<16xi1>
      %masked_sort3A_178, %masked_sort3A_179, %masked_sort3A_180 = tpu.sort %select_n3A_170, %select_n3A_176 masked %masked_sort3A_177 {descending = true} : (vector<16xf32>, vector<16xi32>, vector<16xi1>) -> (vector<16xi1>, vector<16xf32>, vector<16xi32>)
      %rev3A_181 = arith.constant 15 : i32
      %rev3A_182 = vector.broadcast %rev3A_181 : i32 to vector<16xi32>
      %rev3A_183 = tpu.iota {dimensions = array<i32: 0>} : vector<16xi32>
      %rev3A_184 = arith.subi %rev3A_182, %rev3A_183 : vector<16xi32>
      %rev3A_185 = tpu.dynamic_gather %masked_sort3A_163[%rev3A_184] in [0] : vector<16xf32>, vector<16xi32> -> vector<16xf32>
      %select_n3A_186 = arith.select %lt3A_6, %masked_sort3A_155, %rev3A_185 : vector<16xi1>, vector<16xf32>
      %rev3A_187 = arith.constant 15 : i32
      %rev3A_188 = vector.broadcast %rev3A_187 : i32 to vector<16xi32>
      %rev3A_189 = tpu.iota {dimensions = array<i32: 0>} : vector<16xi32>
      %rev3A_190 = arith.subi %rev3A_188, %rev3A_189 : vector<16xi32>
      %rev3A_191 = tpu.dynamic_gather %masked_sort3A_164[%rev3A_190] in [0] : vector<16xi32>, vector<16xi32> -> vector<16xi32>
      %select_n3A_192 = arith.select %lt3A_6, %masked_sort3A_156, %rev3A_191 : vector<16xi1>, vector<16xi32>
      %masked_sort3A_193 = arith.constant dense<true> : vector<16xi1>
      %masked_sort3A_194, %masked_sort3A_195, %masked_sort3A_196 = tpu.sort %select_n3A_186, %select_n3A_192 masked %masked_sort3A_193 {descending = true} : (vector<16xf32>, vector<16xi32>, vector<16xi1>) -> (vector<16xi1>, vector<16xf32>, vector<16xi32>)
      %rev3A_197 = arith.constant 15 : i32
      %rev3A_198 = vector.broadcast %rev3A_197 : i32 to vector<16xi32>
      %rev3A_199 = tpu.iota {dimensions = array<i32: 0>} : vector<16xi32>
      %rev3A_200 = arith.subi %rev3A_198, %rev3A_199 : vector<16xi32>
      %rev3A_201 = tpu.dynamic_gather %masked_sort3A_195[%rev3A_200] in [0] : vector<16xf32>, vector<16xi32> -> vector<16xf32>
      %select_n3A_202 = arith.select %lt3A_6, %masked_sort3A_179, %rev3A_201 : vector<16xi1>, vector<16xf32>
      %rev3A_203 = arith.constant 15 : i32
      %rev3A_204 = vector.broadcast %rev3A_203 : i32 to vector<16xi32>
      %rev3A_205 = tpu.iota {dimensions = array<i32: 0>} : vector<16xi32>
      %rev3A_206 = arith.subi %rev3A_204, %rev3A_205 : vector<16xi32>
      %rev3A_207 = tpu.dynamic_gather %masked_sort3A_196[%rev3A_206] in [0] : vector<16xi32>, vector<16xi32> -> vector<16xi32>
      %select_n3A_208 = arith.select %lt3A_6, %masked_sort3A_180, %rev3A_207 : vector<16xi1>, vector<16xi32>
      %masked_sort3A_209 = arith.constant dense<true> : vector<16xi1>
      %masked_sort3A_210, %masked_sort3A_211, %masked_sort3A_212 = tpu.sort %select_n3A_202, %select_n3A_208 masked %masked_sort3A_209 {descending = true} : (vector<16xf32>, vector<16xi32>, vector<16xi1>) -> (vector<16xi1>, vector<16xf32>, vector<16xi32>)
      %neg3A_213 = arith.constant 0.000000e+00 : f32
      %neg3A_214 = vector.broadcast %neg3A_213 : f32 to vector<16xf32>
      %neg3A_215 = arith.subf %neg3A_214, %masked_sort3A_211 : vector<16xf32>
      %exp3A_216 = math.exp %neg3A_215 : vector<16xf32>
      %add3A_217 = arith.constant 1.000000e+00 : f32
      %add3A_218 = vector.broadcast %add3A_217 : f32 to vector<16xf32>
      %add3A_219 = arith.addf %add3A_218, %exp3A_216 : vector<16xf32>
      %div3A_220 = arith.constant 1.000000e+00 : f32
      %div3A_221 = vector.broadcast %div3A_220 : f32 to vector<16xf32>
      %div3A_222 = arith.divf %div3A_221, %add3A_219 : vector<16xf32>
      %jit3A_223 = arith.constant 0.000000e+00 : f32
      %broadcast_in_dim3A_224 = vector.broadcast %jit3A_223 : f32 to vector<16xf32>
      %select_n3A_225 = arith.select %lt3A_6, %div3A_222, %broadcast_in_dim3A_224 : vector<16xi1>, vector<16xf32>
      %reduce_sum3A_226 = arith.constant true
      %reduce_sum3A_227 = vector.broadcast %reduce_sum3A_226 : i1 to vector<16xi1>
      %reduce_sum3A_228 = tpu.scan <sum>, %select_n3A_225 masked %reduce_sum3A_227 : vector<16xf32>, vector<16xi1> -> vector<16xf32>
      %reduce_sum3A_229 = vector.extract %reduce_sum3A_228[15] : f32 from vector<16xf32>
      %div3A_230 = vector.broadcast %reduce_sum3A_229 : f32 to vector<16xf32>
      %div3A_231 = arith.divf %div3A_222, %div3A_230 : vector<16xf32>
      %broadcast_in_dim3A_232 = vector.shape_cast %and3A_23 : vector<16xi32> to vector<16x1xi32>
      %gather3A = vector.shape_cast %broadcast_in_dim3A_232 : vector<16x1xi32> to vector<16xi32>
      %gather3A_233 = tpu.dynamic_gather %div3A_231[%gather3A] in [0] : vector<16xf32>, vector<16xi32> -> vector<16xf32>
      %select_n3A_234 = arith.select %lt3A_6, %div3A_126, %gather3A_233 : vector<16xi1>, vector<16xf32>
      %broadcast_in_dim3A_235 = vector.shape_cast %and3A_23 : vector<16xi32> to vector<16x1xi32>
      %gather3A_236 = vector.shape_cast %broadcast_in_dim3A_235 : vector<16x1xi32> to vector<16xi32>
      %gather3A_237 = tpu.dynamic_gather %masked_sort3A_212[%gather3A_236] in [0] : vector<16xi32>, vector<16xi32> -> vector<16xi32>
      %select_n3A_238 = arith.select %lt3A_6, %masked_sort3A_113, %gather3A_237 : vector<16xi1>, vector<16xi32>
      %mul3A_239 = arith.constant 16 : i32
      %mul3A_240 = arith.muli %scan3A_33, %mul3A_239 : i32
      %swap3A = arith.index_cast %mul3A_240 : i32 to index
      %swap3A_241 = tpu.vector_load %arg6[%swap3A] {strides = array<i32>} : memref<1024xf32, #tpu.memory_space<vmem>>, vector<16xf32>,
      tpu.vector_store %arg6[%swap3A], %select_n3A_234 {strides = array<i32>} : memref<1024xf32, #tpu.memory_space<vmem>>, vector<16xf32>,
      %mul3A_242 = arith.constant 16 : i32
      %mul3A_243 = arith.muli %scan3A_33, %mul3A_242 : i32
      %swap3A_244 = arith.index_cast %mul3A_243 : i32 to index
      %swap3A_245 = tpu.vector_load %arg7[%swap3A_244] {strides = array<i32>} : memref<1024xi32, #tpu.memory_space<vmem>>, vector<16xi32>,
      tpu.vector_store %arg7[%swap3A_244], %select_n3A_238 {strides = array<i32>} : memref<1024xi32, #tpu.memory_space<vmem>>, vector<16xi32>,
    }
    %scan3A_28 = arith.constant 64 : i32
    %mul3A_29 = arith.constant 8 : i32
    %mul3A_30 = arith.muli %mul3A_2, %mul3A_29 : i32
    "tpu.region"() ({
      %run_scoped3A = tpu.sem_alloc : memref<!tpu.dma_semaphore, #tpu.memory_space<semaphore_mem>>
      %dma_start3A = tpu.memref_slice %arg3[%mul3A_30] : memref<32768xf32, #tpu.memory_space<hbm>> -> memref<1024xf32, #tpu.memory_space<hbm>>
      %dma_start3A_33 = tpu.memref_slice %arg3[%mul3A_30] : memref<32768xf32, #tpu.memory_space<hbm>> -> memref<1024xf32, #tpu.memory_space<hbm>>
      tpu.enqueue_dma source(%arg6 : memref<1024xf32, #tpu.memory_space<vmem>>) target(%dma_start3A_33 : memref<1024xf32, #tpu.memory_space<hbm>>) target_semaphore(%run_scoped3A : memref<!tpu.dma_semaphore, #tpu.memory_space<semaphore_mem>>)
      %dma_wait3A = tpu.memref_slice %arg3[%mul3A_30] : memref<32768xf32, #tpu.memory_space<hbm>> -> memref<1024xf32, #tpu.memory_space<hbm>>
      %dma_wait3A_34 = tpu.memref_slice %arg3[%mul3A_30] : memref<32768xf32, #tpu.memory_space<hbm>> -> memref<1024xf32, #tpu.memory_space<hbm>>
      tpu.wait_dma2 semaphore(%run_scoped3A : memref<!tpu.dma_semaphore, #tpu.memory_space<semaphore_mem>>) src(%arg6 : memref<1024xf32, #tpu.memory_space<vmem>>) dst(%dma_wait3A_34 : memref<1024xf32, #tpu.memory_space<hbm>>)
      tpu.yield
    }) : () -> ()
    %mul3A_31 = arith.constant 8 : i32
    %mul3A_32 = arith.muli %mul3A_2, %mul3A_31 : i32
    "tpu.region"() ({
      %run_scoped3A = tpu.sem_alloc : memref<!tpu.dma_semaphore, #tpu.memory_space<semaphore_mem>>
      %dma_start3A = tpu.memref_slice %arg4[%mul3A_32] : memref<32768xi32, #tpu.memory_space<hbm>> -> memref<1024xi32, #tpu.memory_space<hbm>>
      %dma_start3A_33 = tpu.memref_slice %arg4[%mul3A_32] : memref<32768xi32, #tpu.memory_space<hbm>> -> memref<1024xi32, #tpu.memory_space<hbm>>
      tpu.enqueue_dma source(%arg7 : memref<1024xi32, #tpu.memory_space<vmem>>) target(%dma_start3A_33 : memref<1024xi32, #tpu.memory_space<hbm>>) target_semaphore(%run_scoped3A : memref<!tpu.dma_semaphore, #tpu.memory_space<semaphore_mem>>)
      %dma_wait3A = tpu.memref_slice %arg4[%mul3A_32] : memref<32768xi32, #tpu.memory_space<hbm>> -> memref<1024xi32, #tpu.memory_space<hbm>>
      %dma_wait3A_34 = tpu.memref_slice %arg4[%mul3A_32] : memref<32768xi32, #tpu.memory_space<hbm>> -> memref<1024xi32, #tpu.memory_space<hbm>>
      tpu.wait_dma2 semaphore(%run_scoped3A : memref<!tpu.dma_semaphore, #tpu.memory_space<semaphore_mem>>) src(%arg7 : memref<1024xi32, #tpu.memory_space<vmem>>) dst(%dma_wait3A_34 : memref<1024xi32, #tpu.memory_space<hbm>>)
      tpu.yield
    }) : () -> ()
    return
  }
}

#map = affine_map<(d0, d1) -> (0)>
module attributes {stable_mosaic.version = 14 : i64} {
  func.func @router(%arg0: i32, %arg1: i32, %arg2: memref<262144xf32, #tpu.memory_space<hbm>>, %arg3: memref<32768xf32, #tpu.memory_space<hbm>>, %arg4: memref<32768xi32, #tpu.memory_space<hbm>>, %arg5: memref<8192xf32, #tpu.memory_space<vmem>>, %arg6: memref<1024xf32, #tpu.memory_space<vmem>>, %arg7: memref<1024xi32, #tpu.memory_space<vmem>>) attributes {dimension_semantics = [#tpu.dimension_semantics<core_parallel>, #tpu.dimension_semantics<subcore_parallel>], iteration_bounds = array<i64: 2, 16>, scalar_prefetch = 0 : i64, scratch_operands = 3 : i64, tpu.core_type = #tpu.core_type<sc_vector_subcore>, window_params = [{transform_indices = #map}, {transform_indices = #map}, {transform_indices = #map}]} {
    %mul3A = arith.constant 2 : i32
    %mul3A_0 = arith.muli %arg1, %mul3A : i32
    %add3A = arith.addi %mul3A_0, %arg0 : i32
    %mul3A_1 = arith.constant 128 : i32
    %mul3A_2 = arith.muli %add3A, %mul3A_1 : i32
    %mul3A_3 = arith.constant 64 : i32
    %mul3A_4 = arith.muli %mul3A_2, %mul3A_3 : i32
    "tpu.region"() ({
      %run_scoped3A = tpu.sem_alloc : memref<!tpu.dma_semaphore, #tpu.memory_space<semaphore_mem>>
      %dma_start3A = tpu.memref_slice %arg2[%mul3A_4] : memref<262144xf32, #tpu.memory_space<hbm>> -> memref<8192xf32, #tpu.memory_space<hbm>>
      %dma_start3A_33 = tpu.memref_slice %arg2[%mul3A_4] : memref<262144xf32, #tpu.memory_space<hbm>> -> memref<8192xf32, #tpu.memory_space<hbm>>
      tpu.enqueue_dma source(%dma_start3A_33 : memref<8192xf32, #tpu.memory_space<hbm>>) target(%arg5 : memref<8192xf32, #tpu.memory_space<vmem>>) target_semaphore(%run_scoped3A : memref<!tpu.dma_semaphore, #tpu.memory_space<semaphore_mem>>)
      %dma_wait3A = tpu.memref_slice %arg2[%mul3A_4] : memref<262144xf32, #tpu.memory_space<hbm>> -> memref<8192xf32, #tpu.memory_space<hbm>>
      %dma_wait3A_34 = tpu.memref_slice %arg2[%mul3A_4] : memref<262144xf32, #tpu.memory_space<hbm>> -> memref<8192xf32, #tpu.memory_space<hbm>>
      tpu.wait_dma2 semaphore(%run_scoped3A : memref<!tpu.dma_semaphore, #tpu.memory_space<semaphore_mem>>) src(%dma_wait3A_34 : memref<8192xf32, #tpu.memory_space<hbm>>) dst(%arg5 : memref<8192xf32, #tpu.memory_space<vmem>>)
      tpu.yield
    }) : () -> ()
    %iota3A = tpu.iota {dimensions = array<i32: 0>} : vector<16xi32>
    %lt3A = arith.constant 8 : i32
    %lt3A_5 = vector.broadcast %lt3A : i32 to vector<16xi32>
    %lt3A_6 = arith.cmpi slt, %iota3A, %lt3A_5 : vector<16xi32>
    %add3A_7 = arith.constant 0 : i32
    %add3A_8 = vector.broadcast %add3A_7 : i32 to vector<16xi32>
    %add3A_9 = arith.addi %iota3A, %add3A_8 : vector<16xi32>
    %add3A_10 = arith.constant 16 : i32
    %add3A_11 = vector.broadcast %add3A_10 : i32 to vector<16xi32>
    %add3A_12 = arith.addi %iota3A, %add3A_11 : vector<16xi32>
    %add3A_13 = arith.constant 32 : i32
    %add3A_14 = vector.broadcast %add3A_13 : i32 to vector<16xi32>
    %add3A_15 = arith.addi %iota3A, %add3A_14 : vector<16xi32>
    %add3A_16 = arith.constant 48 : i32
    %add3A_17 = vector.broadcast %add3A_16 : i32 to vector<16xi32>
    %add3A_18 = arith.addi %iota3A, %add3A_17 : vector<16xi32>
    %add3A_19 = arith.constant 8 : i32
    %add3A_20 = vector.broadcast %add3A_19 : i32 to vector<16xi32>
    %add3A_21 = arith.addi %iota3A, %add3A_20 : vector<16xi32>
    %and3A = arith.constant 15 : i32
    %and3A_22 = vector.broadcast %and3A : i32 to vector<16xi32>
    %and3A_23 = arith.andi %add3A_21, %and3A_22 : vector<16xi32>
    %scan3A = arith.constant 0 : i32
    %scan3A_24 = arith.constant 0 : i32
    %scan3A_25 = arith.constant 64 : i32
    %scan3A_26 = arith.addi %scan3A_24, %scan3A_25 : i32
    %scan3A_27 = arith.constant 1 : i32
    scf.for %scan3A_33 = %scan3A_24 to %scan3A_26 step %scan3A_27  : i32 {
      %mul3A_34 = arith.constant 2 : i32
      %mul3A_35 = arith.muli %scan3A_33, %mul3A_34 : i32
      %mul3A_36 = arith.constant 64 : i32
      %mul3A_37 = arith.muli %mul3A_35, %mul3A_36 : i32
      %add3A_38 = arith.constant 0 : i32
      %add3A_39 = arith.addi %mul3A_37, %add3A_38 : i32
      %get3A = arith.index_cast %add3A_39 : i32 to index
      %get3A_40 = tpu.vector_load %arg5[%get3A] {strides = array<i32>} : memref<8192xf32, #tpu.memory_space<vmem>>, vector<16xf32>,
      %masked_sort3A = arith.constant dense<true> : vector<16xi1>
      %masked_sort3A_41, %masked_sort3A_42, %masked_sort3A_43 = tpu.sort %get3A_40, %add3A_9 masked %masked_sort3A {descending = true} : (vector<16xf32>, vector<16xi32>, vector<16xi1>) -> (vector<16xi1>, vector<16xf32>, vector<16xi32>)
      %add3A_44 = arith.constant 16 : i32
      %add3A_45 = arith.addi %mul3A_37, %add3A_44 : i32
      %get3A_46 = arith.index_cast %add3A_45 : i32 to index
      %get3A_47 = tpu.vector_load %arg5[%get3A_46] {strides = array<i32>} : memref<8192xf32, #tpu.memory_space<vmem>>, vector<16xf32>,
      %masked_sort3A_48 = arith.constant dense<true> : vector<16xi1>
      %masked_sort3A_49, %masked_sort3A_50, %masked_sort3A_51 = tpu.sort %get3A_47, %add3A_12 masked %masked_sort3A_48 {descending = true} : (vector<16xf32>, vector<16xi32>, vector<16xi1>) -> (vector<16xi1>, vector<16xf32>, vector<16xi32>)
      %add3A_52 = arith.constant 32 : i32
      %add3A_53 = arith.addi %mul3A_37, %add3A_52 : i32
      %get3A_54 = arith.index_cast %add3A_53 : i32 to index
      %get3A_55 = tpu.vector_load %arg5[%get3A_54] {strides = array<i32>} : memref<8192xf32, #tpu.memory_space<vmem>>, vector<16xf32>,
      %masked_sort3A_56 = arith.constant dense<true> : vector<16xi1>
      %masked_sort3A_57, %masked_sort3A_58, %masked_sort3A_59 = tpu.sort %get3A_55, %add3A_15 masked %masked_sort3A_56 {descending = true} : (vector<16xf32>, vector<16xi32>, vector<16xi1>) -> (vector<16xi1>, vector<16xf32>, vector<16xi32>)
      %add3A_60 = arith.constant 48 : i32
      %add3A_61 = arith.addi %mul3A_37, %add3A_60 : i32
      %get3A_62 = arith.index_cast %add3A_61 : i32 to index
      %get3A_63 = tpu.vector_load %arg5[%get3A_62] {strides = array<i32>} : memref<8192xf32, #tpu.memory_space<vmem>>, vector<16xf32>,
      %masked_sort3A_64 = arith.constant dense<true> : vector<16xi1>
      %masked_sort3A_65, %masked_sort3A_66, %masked_sort3A_67 = tpu.sort %get3A_63, %add3A_18 masked %masked_sort3A_64 {descending = true} : (vector<16xf32>, vector<16xi32>, vector<16xi1>) -> (vector<16xi1>, vector<16xf32>, vector<16xi32>)
      %rev3A = arith.constant 15 : i32
      %rev3A_68 = vector.broadcast %rev3A : i32 to vector<16xi32>
      %rev3A_69 = tpu.iota {dimensions = array<i32: 0>} : vector<16xi32>
      %rev3A_70 = arith.subi %rev3A_68, %rev3A_69 : vector<16xi32>
      %rev3A_71 = tpu.dynamic_gather %masked_sort3A_50[%rev3A_70] in [0] : vector<16xf32>, vector<16xi32> -> vector<16xf32>
      %select_n3A = arith.select %lt3A_6, %masked_sort3A_42, %rev3A_71 : vector<16xi1>, vector<16xf32>
      %rev3A_72 = arith.constant 15 : i32
      %rev3A_73 = vector.broadcast %rev3A_72 : i32 to vector<16xi32>
      %rev3A_74 = tpu.iota {dimensions = array<i32: 0>} : vector<16xi32>
      %rev3A_75 = arith.subi %rev3A_73, %rev3A_74 : vector<16xi32>
      %rev3A_76 = tpu.dynamic_gather %masked_sort3A_51[%rev3A_75] in [0] : vector<16xi32>, vector<16xi32> -> vector<16xi32>
      %select_n3A_77 = arith.select %lt3A_6, %masked_sort3A_43, %rev3A_76 : vector<16xi1>, vector<16xi32>
      %masked_sort3A_78 = arith.constant dense<true> : vector<16xi1>
      %masked_sort3A_79, %masked_sort3A_80, %masked_sort3A_81 = tpu.sort %select_n3A, %select_n3A_77 masked %masked_sort3A_78 {descending = true} : (vector<16xf32>, vector<16xi32>, vector<16xi1>) -> (vector<16xi1>, vector<16xf32>, vector<16xi32>)
      %rev3A_82 = arith.constant 15 : i32
      %rev3A_83 = vector.broadcast %rev3A_82 : i32 to vector<16xi32>
      %rev3A_84 = tpu.iota {dimensions = array<i32: 0>} : vector<16xi32>
      %rev3A_85 = arith.subi %rev3A_83, %rev3A_84 : vector<16xi32>
      %rev3A_86 = tpu.dynamic_gather %masked_sort3A_66[%rev3A_85] in [0] : vector<16xf32>, vector<16xi32> -> vector<16xf32>
      %select_n3A_87 = arith.select %lt3A_6, %masked_sort3A_58, %rev3A_86 : vector<16xi1>, vector<16xf32>
      %rev3A_88 = arith.constant 15 : i32
      %rev3A_89 = vector.broadcast %rev3A_88 : i32 to vector<16xi32>
      %rev3A_90 = tpu.iota {dimensions = array<i32: 0>} : vector<16xi32>
      %rev3A_91 = arith.subi %rev3A_89, %rev3A_90 : vector<16xi32>
      %rev3A_92 = tpu.dynamic_gather %masked_sort3A_67[%rev3A_91] in [0] : vector<16xi32>, vector<16xi32> -> vector<16xi32>
      %select_n3A_93 = arith.select %lt3A_6, %masked_sort3A_59, %rev3A_92 : vector<16xi1>, vector<16xi32>
      %masked_sort3A_94 = arith.constant dense<true> : vector<16xi1>
      %masked_sort3A_95, %masked_sort3A_96, %masked_sort3A_97 = tpu.sort %select_n3A_87, %select_n3A_93 masked %masked_sort3A_94 {descending = true} : (vector<16xf32>, vector<16xi32>, vector<16xi1>) -> (vector<16xi1>, vector<16xf32>, vector<16xi32>)
      %rev3A_98 = arith.constant 15 : i32
      %rev3A_99 = vector.broadcast %rev3A_98 : i32 to vector<16xi32>
      %rev3A_100 = tpu.iota {dimensions = array<i32: 0>} : vector<16xi32>
      %rev3A_101 = arith.subi %rev3A_99, %rev3A_100 : vector<16xi32>
      %rev3A_102 = tpu.dynamic_gather %masked_sort3A_96[%rev3A_101] in [0] : vector<16xf32>, vector<16xi32> -> vector<16xf32>
      %select_n3A_103 = arith.select %lt3A_6, %masked_sort3A_80, %rev3A_102 : vector<16xi1>, vector<16xf32>
      %rev3A_104 = arith.constant 15 : i32
      %rev3A_105 = vector.broadcast %rev3A_104 : i32 to vector<16xi32>
      %rev3A_106 = tpu.iota {dimensions = array<i32: 0>} : vector<16xi32>
      %rev3A_107 = arith.subi %rev3A_105, %rev3A_106 : vector<16xi32>
      %rev3A_108 = tpu.dynamic_gather %masked_sort3A_97[%rev3A_107] in [0] : vector<16xi32>, vector<16xi32> -> vector<16xi32>
      %select_n3A_109 = arith.select %lt3A_6, %masked_sort3A_81, %rev3A_108 : vector<16xi1>, vector<16xi32>
      %masked_sort3A_110 = arith.constant dense<true> : vector<16xi1>
      %masked_sort3A_111, %masked_sort3A_112, %masked_sort3A_113 = tpu.sort %select_n3A_103, %select_n3A_109 masked %masked_sort3A_110 {descending = true} : (vector<16xf32>, vector<16xi32>, vector<16xi1>) -> (vector<16xi1>, vector<16xf32>, vector<16xi32>)
      %neg3A = arith.constant 0.000000e+00 : f32
      %neg3A_114 = vector.broadcast %neg3A : f32 to vector<16xf32>
      %neg3A_115 = arith.subf %neg3A_114, %masked_sort3A_112 : vector<16xf32>
      %exp3A = math.exp %neg3A_115 : vector<16xf32>
      %add3A_116 = arith.constant 1.000000e+00 : f32
      %add3A_117 = vector.broadcast %add3A_116 : f32 to vector<16xf32>
      %add3A_118 = arith.addf %add3A_117, %exp3A : vector<16xf32>
      %div3A = arith.constant 1.000000e+00 : f32
      %div3A_119 = vector.broadcast %div3A : f32 to vector<16xf32>
      %div3A_120 = arith.divf %div3A_119, %add3A_118 : vector<16xf32>
      %jit3A = arith.constant 0.000000e+00 : f32
      %broadcast_in_dim3A = vector.broadcast %jit3A : f32 to vector<16xf32>
      %select_n3A_121 = arith.select %lt3A_6, %div3A_120, %broadcast_in_dim3A : vector<16xi1>, vector<16xf32>
      %reduce_sum3A = arith.constant true
      %reduce_sum3A_122 = vector.broadcast %reduce_sum3A : i1 to vector<16xi1>
      %reduce_sum3A_123 = tpu.scan <sum>, %select_n3A_121 masked %reduce_sum3A_122 : vector<16xf32>, vector<16xi1> -> vector<16xf32>
      %reduce_sum3A_124 = vector.extract %reduce_sum3A_123[15] : f32 from vector<16xf32>
      %div3A_125 = vector.broadcast %reduce_sum3A_124 : f32 to vector<16xf32>
      %div3A_126 = arith.divf %div3A_120, %div3A_125 : vector<16xf32>
      %mul3A_127 = arith.constant 2 : i32
      %mul3A_128 = arith.muli %scan3A_33, %mul3A_127 : i32
      %mul3A_129 = arith.constant 64 : i32
      %mul3A_130 = arith.muli %mul3A_128, %mul3A_129 : i32
      %add3A_131 = arith.constant 64 : i32
      %add3A_132 = arith.addi %mul3A_130, %add3A_131 : i32
      %add3A_133 = arith.constant 0 : i32
      %add3A_134 = arith.addi %add3A_132, %add3A_133 : i32
      %get3A_135 = arith.index_cast %add3A_134 : i32 to index
      %get3A_136 = tpu.vector_load %arg5[%get3A_135] {strides = array<i32>} : memref<8192xf32, #tpu.memory_space<vmem>>, vector<16xf32>,
      %masked_sort3A_137 = arith.constant dense<true> : vector<16xi1>
      %masked_sort3A_138, %masked_sort3A_139, %masked_sort3A_140 = tpu.sort %get3A_136, %add3A_9 masked %masked_sort3A_137 {descending = true} : (vector<16xf32>, vector<16xi32>, vector<16xi1>) -> (vector<16xi1>, vector<16xf32>, vector<16xi32>)
      %add3A_141 = arith.constant 16 : i32
      %add3A_142 = arith.addi %add3A_132, %add3A_141 : i32
      %get3A_143 = arith.index_cast %add3A_142 : i32 to index
      %get3A_144 = tpu.vector_load %arg5[%get3A_143] {strides = array<i32>} : memref<8192xf32, #tpu.memory_space<vmem>>, vector<16xf32>,
      %masked_sort3A_145 = arith.constant dense<true> : vector<16xi1>
      %masked_sort3A_146, %masked_sort3A_147, %masked_sort3A_148 = tpu.sort %get3A_144, %add3A_12 masked %masked_sort3A_145 {descending = true} : (vector<16xf32>, vector<16xi32>, vector<16xi1>) -> (vector<16xi1>, vector<16xf32>, vector<16xi32>)
      %add3A_149 = arith.constant 32 : i32
      %add3A_150 = arith.addi %add3A_132, %add3A_149 : i32
      %get3A_151 = arith.index_cast %add3A_150 : i32 to index
      %get3A_152 = tpu.vector_load %arg5[%get3A_151] {strides = array<i32>} : memref<8192xf32, #tpu.memory_space<vmem>>, vector<16xf32>,
      %masked_sort3A_153 = arith.constant dense<true> : vector<16xi1>
      %masked_sort3A_154, %masked_sort3A_155, %masked_sort3A_156 = tpu.sort %get3A_152, %add3A_15 masked %masked_sort3A_153 {descending = true} : (vector<16xf32>, vector<16xi32>, vector<16xi1>) -> (vector<16xi1>, vector<16xf32>, vector<16xi32>)
      %add3A_157 = arith.constant 48 : i32
      %add3A_158 = arith.addi %add3A_132, %add3A_157 : i32
      %get3A_159 = arith.index_cast %add3A_158 : i32 to index
      %get3A_160 = tpu.vector_load %arg5[%get3A_159] {strides = array<i32>} : memref<8192xf32, #tpu.memory_space<vmem>>, vector<16xf32>,
      %masked_sort3A_161 = arith.constant dense<true> : vector<16xi1>
      %masked_sort3A_162, %masked_sort3A_163, %masked_sort3A_164 = tpu.sort %get3A_160, %add3A_18 masked %masked_sort3A_161 {descending = true} : (vector<16xf32>, vector<16xi32>, vector<16xi1>) -> (vector<16xi1>, vector<16xf32>, vector<16xi32>)
      %rev3A_165 = arith.constant 15 : i32
      %rev3A_166 = vector.broadcast %rev3A_165 : i32 to vector<16xi32>
      %rev3A_167 = tpu.iota {dimensions = array<i32: 0>} : vector<16xi32>
      %rev3A_168 = arith.subi %rev3A_166, %rev3A_167 : vector<16xi32>
      %rev3A_169 = tpu.dynamic_gather %masked_sort3A_147[%rev3A_168] in [0] : vector<16xf32>, vector<16xi32> -> vector<16xf32>
      %select_n3A_170 = arith.select %lt3A_6, %masked_sort3A_139, %rev3A_169 : vector<16xi1>, vector<16xf32>
      %rev3A_171 = arith.constant 15 : i32
      %rev3A_172 = vector.broadcast %rev3A_171 : i32 to vector<16xi32>
      %rev3A_173 = tpu.iota {dimensions = array<i32: 0>} : vector<16xi32>
      %rev3A_174 = arith.subi %rev3A_172, %rev3A_173 : vector<16xi32>
      %rev3A_175 = tpu.dynamic_gather %masked_sort3A_148[%rev3A_174] in [0] : vector<16xi32>, vector<16xi32> -> vector<16xi32>
      %select_n3A_176 = arith.select %lt3A_6, %masked_sort3A_140, %rev3A_175 : vector<16xi1>, vector<16xi32>
      %masked_sort3A_177 = arith.constant dense<true> : vector<16xi1>
      %masked_sort3A_178, %masked_sort3A_179, %masked_sort3A_180 = tpu.sort %select_n3A_170, %select_n3A_176 masked %masked_sort3A_177 {descending = true} : (vector<16xf32>, vector<16xi32>, vector<16xi1>) -> (vector<16xi1>, vector<16xf32>, vector<16xi32>)
      %rev3A_181 = arith.constant 15 : i32
      %rev3A_182 = vector.broadcast %rev3A_181 : i32 to vector<16xi32>
      %rev3A_183 = tpu.iota {dimensions = array<i32: 0>} : vector<16xi32>
      %rev3A_184 = arith.subi %rev3A_182, %rev3A_183 : vector<16xi32>
      %rev3A_185 = tpu.dynamic_gather %masked_sort3A_163[%rev3A_184] in [0] : vector<16xf32>, vector<16xi32> -> vector<16xf32>
      %select_n3A_186 = arith.select %lt3A_6, %masked_sort3A_155, %rev3A_185 : vector<16xi1>, vector<16xf32>
      %rev3A_187 = arith.constant 15 : i32
      %rev3A_188 = vector.broadcast %rev3A_187 : i32 to vector<16xi32>
      %rev3A_189 = tpu.iota {dimensions = array<i32: 0>} : vector<16xi32>
      %rev3A_190 = arith.subi %rev3A_188, %rev3A_189 : vector<16xi32>
      %rev3A_191 = tpu.dynamic_gather %masked_sort3A_164[%rev3A_190] in [0] : vector<16xi32>, vector<16xi32> -> vector<16xi32>
      %select_n3A_192 = arith.select %lt3A_6, %masked_sort3A_156, %rev3A_191 : vector<16xi1>, vector<16xi32>
      %masked_sort3A_193 = arith.constant dense<true> : vector<16xi1>
      %masked_sort3A_194, %masked_sort3A_195, %masked_sort3A_196 = tpu.sort %select_n3A_186, %select_n3A_192 masked %masked_sort3A_193 {descending = true} : (vector<16xf32>, vector<16xi32>, vector<16xi1>) -> (vector<16xi1>, vector<16xf32>, vector<16xi32>)
      %rev3A_197 = arith.constant 15 : i32
      %rev3A_198 = vector.broadcast %rev3A_197 : i32 to vector<16xi32>
      %rev3A_199 = tpu.iota {dimensions = array<i32: 0>} : vector<16xi32>
      %rev3A_200 = arith.subi %rev3A_198, %rev3A_199 : vector<16xi32>
      %rev3A_201 = tpu.dynamic_gather %masked_sort3A_195[%rev3A_200] in [0] : vector<16xf32>, vector<16xi32> -> vector<16xf32>
      %select_n3A_202 = arith.select %lt3A_6, %masked_sort3A_179, %rev3A_201 : vector<16xi1>, vector<16xf32>
      %rev3A_203 = arith.constant 15 : i32
      %rev3A_204 = vector.broadcast %rev3A_203 : i32 to vector<16xi32>
      %rev3A_205 = tpu.iota {dimensions = array<i32: 0>} : vector<16xi32>
      %rev3A_206 = arith.subi %rev3A_204, %rev3A_205 : vector<16xi32>
      %rev3A_207 = tpu.dynamic_gather %masked_sort3A_196[%rev3A_206] in [0] : vector<16xi32>, vector<16xi32> -> vector<16xi32>
      %select_n3A_208 = arith.select %lt3A_6, %masked_sort3A_180, %rev3A_207 : vector<16xi1>, vector<16xi32>
      %masked_sort3A_209 = arith.constant dense<true> : vector<16xi1>
      %masked_sort3A_210, %masked_sort3A_211, %masked_sort3A_212 = tpu.sort %select_n3A_202, %select_n3A_208 masked %masked_sort3A_209 {descending = true} : (vector<16xf32>, vector<16xi32>, vector<16xi1>) -> (vector<16xi1>, vector<16xf32>, vector<16xi32>)
      %neg3A_213 = arith.constant 0.000000e+00 : f32
      %neg3A_214 = vector.broadcast %neg3A_213 : f32 to vector<16xf32>
      %neg3A_215 = arith.subf %neg3A_214, %masked_sort3A_211 : vector<16xf32>
      %exp3A_216 = math.exp %neg3A_215 : vector<16xf32>
      %add3A_217 = arith.constant 1.000000e+00 : f32
      %add3A_218 = vector.broadcast %add3A_217 : f32 to vector<16xf32>
      %add3A_219 = arith.addf %add3A_218, %exp3A_216 : vector<16xf32>
      %div3A_220 = arith.constant 1.000000e+00 : f32
      %div3A_221 = vector.broadcast %div3A_220 : f32 to vector<16xf32>
      %div3A_222 = arith.divf %div3A_221, %add3A_219 : vector<16xf32>
      %jit3A_223 = arith.constant 0.000000e+00 : f32
      %broadcast_in_dim3A_224 = vector.broadcast %jit3A_223 : f32 to vector<16xf32>
      %select_n3A_225 = arith.select %lt3A_6, %div3A_222, %broadcast_in_dim3A_224 : vector<16xi1>, vector<16xf32>
      %reduce_sum3A_226 = arith.constant true
      %reduce_sum3A_227 = vector.broadcast %reduce_sum3A_226 : i1 to vector<16xi1>
      %reduce_sum3A_228 = tpu.scan <sum>, %select_n3A_225 masked %reduce_sum3A_227 : vector<16xf32>, vector<16xi1> -> vector<16xf32>
      %reduce_sum3A_229 = vector.extract %reduce_sum3A_228[15] : f32 from vector<16xf32>
      %div3A_230 = vector.broadcast %reduce_sum3A_229 : f32 to vector<16xf32>
      %div3A_231 = arith.divf %div3A_222, %div3A_230 : vector<16xf32>
      %broadcast_in_dim3A_232 = vector.shape_cast %and3A_23 : vector<16xi32> to vector<16x1xi32>
      %gather3A = vector.shape_cast %broadcast_in_dim3A_232 : vector<16x1xi32> to vector<16xi32>
      %gather3A_233 = tpu.dynamic_gather %div3A_231[%gather3A] in [0] : vector<16xf32>, vector<16xi32> -> vector<16xf32>
      %select_n3A_234 = arith.select %lt3A_6, %div3A_126, %gather3A_233 : vector<16xi1>, vector<16xf32>
      %broadcast_in_dim3A_235 = vector.shape_cast %and3A_23 : vector<16xi32> to vector<16x1xi32>
      %gather3A_236 = vector.shape_cast %broadcast_in_dim3A_235 : vector<16x1xi32> to vector<16xi32>
      %gather3A_237 = tpu.dynamic_gather %masked_sort3A_212[%gather3A_236] in [0] : vector<16xi32>, vector<16xi32> -> vector<16xi32>
      %select_n3A_238 = arith.select %lt3A_6, %masked_sort3A_113, %gather3A_237 : vector<16xi1>, vector<16xi32>
      %mul3A_239 = arith.constant 16 : i32
      %mul3A_240 = arith.muli %scan3A_33, %mul3A_239 : i32
      %swap3A = arith.index_cast %mul3A_240 : i32 to index
      %swap3A_241 = tpu.vector_load %arg6[%swap3A] {strides = array<i32>} : memref<1024xf32, #tpu.memory_space<vmem>>, vector<16xf32>,
      tpu.vector_store %arg6[%swap3A], %select_n3A_234 {strides = array<i32>} : memref<1024xf32, #tpu.memory_space<vmem>>, vector<16xf32>,
      %mul3A_242 = arith.constant 16 : i32
      %mul3A_243 = arith.muli %scan3A_33, %mul3A_242 : i32
      %swap3A_244 = arith.index_cast %mul3A_243 : i32 to index
      %swap3A_245 = tpu.vector_load %arg7[%swap3A_244] {strides = array<i32>} : memref<1024xi32, #tpu.memory_space<vmem>>, vector<16xi32>,
      tpu.vector_store %arg7[%swap3A_244], %select_n3A_238 {strides = array<i32>} : memref<1024xi32, #tpu.memory_space<vmem>>, vector<16xi32>,
    }
    %scan3A_28 = arith.constant 64 : i32
    %mul3A_29 = arith.constant 8 : i32
    %mul3A_30 = arith.muli %mul3A_2, %mul3A_29 : i32
    "tpu.region"() ({
      %run_scoped3A = tpu.sem_alloc : memref<!tpu.dma_semaphore, #tpu.memory_space<semaphore_mem>>
      %dma_start3A = tpu.memref_slice %arg3[%mul3A_30] : memref<32768xf32, #tpu.memory_space<hbm>> -> memref<1024xf32, #tpu.memory_space<hbm>>
      %dma_start3A_33 = tpu.memref_slice %arg3[%mul3A_30] : memref<32768xf32, #tpu.memory_space<hbm>> -> memref<1024xf32, #tpu.memory_space<hbm>>
      tpu.enqueue_dma source(%arg6 : memref<1024xf32, #tpu.memory_space<vmem>>) target(%dma_start3A_33 : memref<1024xf32, #tpu.memory_space<hbm>>) target_semaphore(%run_scoped3A : memref<!tpu.dma_semaphore, #tpu.memory_space<semaphore_mem>>)
      %dma_wait3A = tpu.memref_slice %arg3[%mul3A_30] : memref<32768xf32, #tpu.memory_space<hbm>> -> memref<1024xf32, #tpu.memory_space<hbm>>
      %dma_wait3A_34 = tpu.memref_slice %arg3[%mul3A_30] : memref<32768xf32, #tpu.memory_space<hbm>> -> memref<1024xf32, #tpu.memory_space<hbm>>
      tpu.wait_dma2 semaphore(%run_scoped3A : memref<!tpu.dma_semaphore, #tpu.memory_space<semaphore_mem>>) src(%arg6 : memref<1024xf32, #tpu.memory_space<vmem>>) dst(%dma_wait3A_34 : memref<1024xf32, #tpu.memory_space<hbm>>)
      tpu.yield
    }) : () -> ()
    %mul3A_31 = arith.constant 8 : i32
    %mul3A_32 = arith.muli %mul3A_2, %mul3A_31 : i32
    "tpu.region"() ({
      %run_scoped3A = tpu.sem_alloc : memref<!tpu.dma_semaphore, #tpu.memory_space<semaphore_mem>>
      %dma_start3A = tpu.memref_slice %arg4[%mul3A_32] : memref<32768xi32, #tpu.memory_space<hbm>> -> memref<1024xi32, #tpu.memory_space<hbm>>
      %dma_start3A_33 = tpu.memref_slice %arg4[%mul3A_32] : memref<32768xi32, #tpu.memory_space<hbm>> -> memref<1024xi32, #tpu.memory_space<hbm>>
      tpu.enqueue_dma source(%arg7 : memref<1024xi32, #tpu.memory_space<vmem>>) target(%dma_start3A_33 : memref<1024xi32, #tpu.memory_space<hbm>>) target_semaphore(%run_scoped3A : memref<!tpu.dma_semaphore, #tpu.memory_space<semaphore_mem>>)
      %dma_wait3A = tpu.memref_slice %arg4[%mul3A_32] : memref<32768xi32, #tpu.memory_space<hbm>> -> memref<1024xi32, #tpu.memory_space<hbm>>
      %dma_wait3A_34 = tpu.memref_slice %arg4[%mul3A_32] : memref<32768xi32, #tpu.memory_space<hbm>> -> memref<1024xi32, #tpu.memory_space<hbm>>
      tpu.wait_dma2 semaphore(%run_scoped3A : memref<!tpu.dma_semaphore, #tpu.memory_space<semaphore_mem>>) src(%arg7 : memref<1024xi32, #tpu.memory_space<vmem>>) dst(%dma_wait3A_34 : memref<1024xi32, #tpu.memory_space<hbm>>)
      tpu.yield
    }) : () -> ()
    return
  }
}

module attributes {stable_mosaic.version = 14 : i64} {
  func.func @_logits_body(%arg0: i32, %arg1: memref<512x2048xf32, #tpu.memory_space<vmem>>, %arg2: memref<2048x64xf32, #tpu.memory_space<vmem>>, %arg3: memref<512x64xf32, #tpu.memory_space<vmem>>) attributes {dimension_semantics = [#tpu.dimension_semantics<arbitrary>], iteration_bounds = array<i64: 8>, scalar_prefetch = 0 : i64, scratch_operands = 0 : i64, tpu.core_type = #tpu.core_type<tc>, window_params = [{transform_indices = @transform_0, window_bounds = array<i64: 512, 2048>}, {pipeline_mode = #tpu.pipeline_mode<synchronous>, transform_indices = @transform_1, window_bounds = array<i64: 2048, 64>}, {transform_indices = @transform_2, window_bounds = array<i64: 512, 64>}]} {
    %get3A = arith.constant 0 : index
    %get3A_0 = arith.constant 0 : index
    %get3A_1 = vector.load %arg1[%get3A, %get3A_0] : memref<512x2048xf32, #tpu.memory_space<vmem>>, vector<512x2048xf32>
    %get3A_2 = arith.constant 0 : index
    %get3A_3 = arith.constant 0 : index
    %get3A_4 = vector.load %arg2[%get3A_2, %get3A_3] : memref<2048x64xf32, #tpu.memory_space<vmem>>, vector<2048x64xf32>
    %dot_general3A = arith.constant dense<0.000000e+00> : vector<512x64xf32>
    %dot_general3A_5 = tpu.matmul %get3A_1, %get3A_4, %dot_general3A {dimension_numbers = #tpu.dot_dimension_numbers<[1], [0], [0], [1], [0, 0, 1, 1], [], []>, transpose_lhs_hint = false} : vector<512x2048xf32>, vector<2048x64xf32>, vector<512x64xf32> -> vector<512x64xf32>
    %swap3A = arith.constant 0 : index
    %swap3A_6 = arith.constant 0 : index
    %swap3A_7 = vector.load %arg3[%swap3A, %swap3A_6] : memref<512x64xf32, #tpu.memory_space<vmem>>, vector<512x64xf32>
    tpu.vector_store %arg3[%swap3A, %swap3A_6], %dot_general3A_5 {strides = array<i32>} : memref<512x64xf32, #tpu.memory_space<vmem>>, vector<512x64xf32>,
    return
  }
  func.func @transform_0(%arg0: i32) -> (i32, i32) {
    %c0_i32 = arith.constant 0 : i32
    %c0_i32_0 = arith.constant 0 : i32
    return %arg0, %c0_i32 : i32, i32
  }
  func.func @transform_1(%arg0: i32) -> (i32, i32) {
    %c0_i32 = arith.constant 0 : i32
    %c0_i32_0 = arith.constant 0 : i32
    %c0_i32_1 = arith.constant 0 : i32
    return %c0_i32, %c0_i32_0 : i32, i32
  }
  func.func @transform_2(%arg0: i32) -> (i32, i32) {
    %c0_i32 = arith.constant 0 : i32
    %c0_i32_0 = arith.constant 0 : i32
    return %arg0, %c0_i32 : i32, i32
  }
}

</mosaic_0001>

<sc_bundles>
// kernel: kernel.10.cloned.1.call-start
scs
__scs_entry_jumppad:
0x0: {  	(pc) =	sbr.rel $0x88, $3  }
0x1: {  	(tag) =	ssettag $0x0;
	lr =	simm.s32 $0x1  }
0x2: {  	[smem:$0x3F9F] =	sst lr;
	_ =	strace $0xD0000000  }
0x3: {  	_ = 	snop  }
0x4: {  	_ = 	snop  }
0x5: {  	_ = 	snop  }
0x6: {  	_ = 	snop  }
0x7: {  	_ = 	snop  }
__scs_overlays_trampoline_lowered:
0x8: {  	[smem:$0x3FAE] =	sst s0  }
0x9: {  	[smem:$0x3FAF] =	sst s1  }
0xa: {  	[smem:$0x3FB0] =	sst s2  }
0xb: {  	[smem:$0x3FB1] =	sst s3  }
0xc: {  	[smem:$0x3FB2] =	sst s4  }
0xd: {  	[smem:$0x3FB3] =	sst s5  }
0xe: {  	[smem:$0x3FB4] =	sst s6  }
0xf: {  	[smem:$0x3FB5] =	sst s7  }
0x10: {  	[smem:$0x3FB6] =	sst s8  }
0x11: {  	[smem:$0x3FB7] =	sst s9;
	s0 =	simm.s32 @!p0 $0x0  }
0x12: {  	s1 =	sld [smem:$0x3F9D];
	s0 =	simm.s32 @p0 $0x1  }
0x13: {  	[smem:$0x3FB8] =	sst s0;
	s0 =	simm.s32 @!p1 $0x0  }
0x14: {  	s2 =	sld [smem:$0x3F9C];
	s0 =	simm.s32 @p1 $0x1  }
0x15: {  	[smem:$0x3FB9] =	sst s0;
	s0 =	simm.s32 @!p2 $0x0  }
0x16: {  	s3 =	sld [smem:$0x3FDB];
	s0 =	simm.s32 @p2 $0x1  }
0x17: {  	s4 =	simm.s32 $0x1BF5;
	[smem:$0x3FBB] =	sst s0  }
0x18: {  	s0 =	sld [smem:$0x3F9E];
	_ =	swait.ge [sflag:s4], $0x0  }
0x19: {  	s7 =	sld [smem:$0x3F9F]  }
0x1a: {  	s8 =	sadd.s32 $0xFFFFE003, lr  }
0x1b: {  	s9 =	sadd.s32 $0xFFFFFEF7, lr;
	s5 =	simm.s32 $0xFFFFFFFF;
	p2 =	slt.u32 s8, $0xFFFFF086  }
0x1c: {  	p1 =	slt.u32 s9, $0xF7A;
	s5 =	simm.s32 @!p2 $0x0  }
0x1d: {  	s5 =	simm.s32 @p1 $0x1;
	p0 =	seq.s32 s7, s2  }
0x1e: {  	s7 =	smul.u32 @!p0 $0xF7A, s2;
	p2 =	seq.s32 @!p0 s5, $0x0  }
0x1f: {  	s9 =	smul.u32 $0xF7A, s1;
	s8 =	simm.s32 @!p0 $0x1BF5;
	p2 =	por !p2, p0  }
0x20: {  	[sflag:s8] =	ssyncset.s32 @!p0 $0xFFFFF086;
	s6 =	sadd.s32 @!p0 s3, s7;
	s7 =	simm.s32 @!p0 $0x108  }
0x21: {  	s3 =	sadd.s32 s3, s9;
	s6 =	sadd.s32 @!p0 $0x88, s6;
	s7 =	simm.s32 @p2 $0x1082  }
0x22: {  	[simem:s7], [sflag:s8] =	dma.local @!p0 [hbm:s6], $0xF7A  }
0x23: {  	s9 =	sor.u32 $0xD0000000, s2;
	s6 =	simm.s32 $0x108;
	_ =	swait.ge @!p0 [sflag:s8], $0x0  }
0x24: {  	s3 =	sadd.s32 $0x88, s3;
	s6 =	simm.s32 @!p1 $0x1082;
	[sflag:s4] =	ssyncset.s32 $0xFFFFF086  }
0x25: {  	[simem:s6], [sflag:s4] =	dma.local [hbm:s3], $0xF7A  }
0x26: {  	[smem:$0x3F9F] =	sst s1;
	(tag) =	ssettag s2;
	_ =	strace s9  }
0x27: {  	s1 =	sld [smem:$0x3FAF]  }
0x28: {  	s2 =	sld [smem:$0x3FB0]  }
0x29: {  	s4 =	sld [smem:$0x3FB2]  }
0x2a: {  	p0 =	seq.s32 s5, $0x0;
	s5 =	sld [smem:$0x3FB3]  }
0x2b: {  	s6 =	sld [smem:$0x3FB4]  }
0x2c: {  	s7 =	sld [smem:$0x3FB5]  }
0x2d: {  	s3 =	simm.s32 $0x108;
	s8 =	sld [smem:$0x3FB6]  }
0x2e: {  	s3 =	simm.s32 @!p0 $0x1082;
	s9 =	sld [smem:$0x3FB7]  }
0x2f: {  	lr =	sadd.s32 s0, s3;
	s0 =	sld [smem:$0x3FAE]  }
0x30: {  	s3 =	sld [smem:$0x3FB1]  }
0x31: {  	[smem:$0x3FBA] =	sst s10  }
0x32: {  	s10 =	sld [smem:$0x3FB8];
	_ =	sdelay $0x3  }
0x33: {  	p0 =	seq.s32 s10, $0x1;
	s10 =	sld [smem:$0x3FBA];
	_ =	sdelay $0x3  }
0x34: {  	[smem:$0x3FBA] =	sst s10  }
0x35: {  	s10 =	sld [smem:$0x3FB9];
	_ =	sdelay $0x3  }
0x36: {  	p1 =	seq.s32 s10, $0x1;
	s10 =	sld [smem:$0x3FBA];
	_ =	sdelay $0x3  }
0x37: {  	[smem:$0x3FBA] =	sst s10  }
0x38: {  	s10 =	sld [smem:$0x3FBB]  }
0x39: {  	_ = 	snop;
	(pc) =	sbr.ind lr, $3  }
0x3a: {  	_ = 	snop  }
0x3b: {  	_ = 	snop  }
0x3c: {  	p2 =	seq.s32 s10, $0x1;
	s10 =	sld [smem:$0x3FBA]  }
0x3d: {  	_ =	shalt  }
0x3e: {  	_ =	shalt  }
0x3f: {  	_ =	shalt  }
0x40: {  	_ =	shalt  }
0x41: {  	_ =	shalt  }
0x42: {  	_ =	shalt  }
0x43: {  	_ =	shalt  }
0x44: {  	_ =	shalt  }
0x45: {  	_ =	shalt  }
0x46: {  	_ =	shalt  }
0x47: {  	_ =	shalt  }
0x48: {  	_ =	shalt  }
0x49: {  	_ =	shalt  }
0x4a: {  	_ =	shalt  }
0x4b: {  	_ =	shalt  }
0x4c: {  	_ =	shalt  }
0x4d: {  	_ =	shalt  }
0x4e: {  	_ =	shalt  }
0x4f: {  	_ =	shalt  }
0x50: {  	_ =	shalt  }
0x51: {  	_ =	shalt  }
0x52: {  	_ =	shalt  }
0x53: {  	_ =	shalt  }
0x54: {  	_ =	shalt  }
0x55: {  	_ =	shalt  }
0x56: {  	_ =	shalt  }
0x57: {  	_ =	shalt  }
0x58: {  	_ =	shalt  }
0x59: {  	_ =	shalt  }
0x5a: {  	_ =	shalt  }
0x5b: {  	_ =	shalt  }
0x5c: {  	_ =	shalt  }
0x5d: {  	_ =	shalt  }
0x5e: {  	_ =	shalt  }
0x5f: {  	_ =	shalt  }
0x60: {  	_ =	shalt  }
0x61: {  	_ =	shalt  }
0x62: {  	_ =	shalt  }
0x63: {  	_ =	shalt  }
0x64: {  	_ =	shalt  }
0x65: {  	_ =	shalt  }
0x66: {  	_ =	shalt  }
0x67: {  	_ =	shalt  }
0x68: {  	_ =	shalt  }
0x69: {  	_ =	shalt  }
0x6a: {  	_ =	shalt  }
0x6b: {  	_ =	shalt  }
0x6c: {  	_ =	shalt  }
0x6d: {  	_ =	shalt  }
0x6e: {  	_ =	shalt  }
0x6f: {  	_ =	shalt  }
0x70: {  	_ =	shalt  }
0x71: {  	_ =	shalt  }
0x72: {  	_ =	shalt  }
0x73: {  	_ =	shalt  }
0x74: {  	_ =	shalt  }
0x75: {  	_ =	shalt  }
0x76: {  	_ =	shalt  }
0x77: {  	_ =	shalt  }
0x78: {  	_ =	shalt  }
0x79: {  	_ =	shalt  }
0x7a: {  	_ =	shalt  }
0x7b: {  	_ =	shalt  }
0x7c: {  	_ =	shalt  }
0x7d: {  	_ =	shalt  }
0x7e: {  	_ =	shalt  }
0x7f: {  	_ =	shalt  }
0x80: {  	_ =	shalt  }
0x81: {  	_ =	shalt  }
0x82: {  	_ =	shalt  }
0x83: {  	_ =	shalt  }
0x84: {  	_ =	shalt  }
0x85: {  	_ =	shalt  }
0x86: {  	_ =	shalt  }
0x87: {  	_ =	shalt  }
.Lfunc_end0:
.L_simem_size_0:
called_computation_lowered:
.L_overlay_start_0:
0x88: {  	s2 =	sld [smem:$0x3FD9]  }
0x89: {  	s3 =	sld [smem:$0x3FFE];
	_ =	sdelay $0x1  }
0x8a: {  	s1 =	srdreg.scid  }
0x8b: {  	s0 =	sand.u32 $0x1, s1  }
0x8c: {  	s16 =	sshll.u32 s0, $0xA;
	s2 =	sadd.s32 s3, s2  }
0x8d: {  	s2 =	sadd.s32 s2, s16  }
0x8e: {  	[smem:$0x3FC6] =	sst s2  }
0x8f: {  	_ = 	snop  }
0x90: {  	(tm) =	ssettm $0x1  }
0x91: {  	s17 =	sld [smem:$0x3FFB];
	_ =	sdelay $0x3  }
0x92: {  	_ =	strace s17  }
0x93: {  	s2 =	sld [smem:$0x3FFC];
	_ =	sdelay $0x3  }
0x94: {  	_ =	strace s2  }
0x95: {  	s2 =	sld [smem:$0x3FFD];
	_ =	sdelay $0x3  }
0x96: {  	_ =	strace s2  }
0x97: {  	_ =	strace $0x8FFFFFFF  }
0x98: {  	s18 =	sld [smem:$0x3FDB];
	_ =	sdelay $0x1  }
0x99: {  	s19 =	simm.s32 $_scs_section_size  }
0x9a: {  	s4 =	simm.s32 $_size__tile_overlayer_lowered;
	s5 =	simm.s32 $_tile_overlayer_lowered  }
0x9b: {  	s22 =	simm.s32 $0x1BFF;
	s21 =	sshll.u32 s5, $0x1;
	s2 =	sadd.s32 s19, s18  }
0x9c: {  	s6 =	simm.s32 $0x0;
	s20 =	sshll.u32 s4, $0x1;
	s4 =	sadd.s32 s21, s2  }
0x9d: {  	[timem:s6], [sflag:s22] =	dma.local [hbm:s4], s20  }
0x9e: {  	_ =	swait.ge [sflag:s22], s20  }
0x9f: {  	s3 =	ssub.s32 $0x0, s20;
	[sflag:s22] =	ssyncset.done $0x0  }
0xa0: {  	[sflag:s22] =	ssyncadd.s32 s3;
	_ =	sdelay $0x1  }
0xa1: {  	s23 =	simm.s32 $0x1B8B  }
0xa2: {  	_ =	swait.ge [sflag:s23], $0x1  }
0xa3: {  	[sflag:s23] =	ssyncset.done $0x0  }
0xa4: {  	s25 =	simm.s32 $0x1B8E;
	s24 =	sld [smem:$0x3FFE];
	[sflag:s23] =	ssyncadd.s32 $0xFFFFFFFF  }
0xa5: {  	s26 =	simm.s32 $execute0_lowered;
	[smem:$0x3FD2] =	sst s25  }
0xa6: {  	s4 =	sshll.u32 s26, $0x1;
	_ =	strace $0x80000046;
	[dreg:$0x1] =	wrdreg $0xFFFFFFFF  }
0xa7: {  	s28 =	simm.s32 $_size_execute0_lowered;
	s2 =	sadd.s32 s2, s4;
	[dreg:$0x0] =	wrdreg $0x0  }
0xa8: {  	s4 =	sshll.u32 s28, $0x1;
	[dreg:$0x2] =	wrdreg s2  }
0xa9: {  	[dreg:$0x3] =	wrdreg s4  }
0xaa: {  	[dreg:$0x4] =	wrdreg $0xC0  }
0xab: {  	_ =	task [dreg:s6], $0x5FFFF  }
0xac: {  	[dreg:$0x1] =	wrdreg $0xFFFFFFFF  }
0xad: {  	[dreg:$0x0] =	wrdreg $0x60  }
0xae: {  	[dreg:$0x2] =	wrdreg s24  }
0xaf: {  	[dreg:$0x3] =	wrdreg $0x9  }
0xb0: {  	_ =	task.clear_ibuf [dreg:s6], $0x4FFFF;
	_ =	strace $0x90000046  }
0xb1: {  	s29 =	simm.s32 $0x9;
	_ =	strace $0x80000048  }
0xb2: {  	_ =	swait.ge [sflag:s29], $0x1  }
0xb3: {  	[sflag:s29] =	ssyncadd.s32 $0xFFFFFFFF  }
0xb4: {  	_ =	strace $0x90000048  }
0xb5: {  	_ =	sfence  }
0xb6: {  	s30 =	sld [smem:$0x0];
	_ =	sdelay $0x2  }
0xb7: {  	s31 =	sshll.u32 s1, $0xD;
	s1 =	sshrl.u32 s1, $0x2  }
0xb8: {  	s3 =	sand.u32 $0x4000, s31;
	s1 =	sadd.s32 s1, s30  }
0xb9: {  	s0 =	sor.u32 s3, s0;
	s1 =	sshll.u32 s1, $0x11  }
0xba: {  	s0 =	sor.u32 s1, s0  }
0xbb: {  	s0 =	sadd.s32 $0x8F2B, s0  }
0xbc: {  	[sflag:s0] =	ssyncadd.remote.s32 $0x1  }
0xbd: {  	_ =	sfence.sel $0xFFFF  }
0xbe: {  	[dreg:$0x0] =	wrdreg $0xFFFFFFFF;
	(pc) =	sbr.abs _section_cstart, $3  }
0xbf: {  	[dreg:$0x1] =	wrdreg $0xFFFFFFFF  }
0xc0: {  	_ =	task.clear_ibuf [dreg:s6], $0x2FFFF;
	_ =	strace $0x9FFFFFFF  }
0xc1: {  	(tm) =	ssettm $0x7FFFFFFF  }
tec
execute0_lowered:
.L_overlay_start_1:
0x0: {  	(tag) =	ssettag $0x1  }
0x1: {  	s3 =	rddreg [dreg:$0x0]  }
0x2: {  	s0 =	rddreg [dreg:$0x1];
	s2 =	simm.s32 $0x0;
	s4 =	srdreg.scid  }
0x3: {  	s1 =	stileid.u32;
	v0 =	vimm.s32 $0xFEDCBA98;
	s8 =	simm.s32 $0x2000;
	s9 =	simm.s32 $0x2400  }
0x4: {  	v1 =	vimm.s32 $0x76543210;
	[smem:$0x7FF] =	sst s2;
	s4 =	sand.u32 $0x1, s4;
	s5 =	sshll.u32 s1, $0x1;
	v2 =	vunpack.c.l.s4.s8 v0  }
0x5: {  	s10 =	simm.s32 $0x0;
	v3 =	vunpack.c.l.s4.s8 v1;
	_ =	strace $0x80000047;
	s5 =	sor.u32 s4, s5  }
0x6: {  	v0 =	vlaneseq.u32;
	s4 =	ssub.s32 $0x2, s4;
	s6 =	sshll.u32 s5, $0xA;
	s5 =	sshll.u32 s5, $0x7;
	v4 =	vunpack.c.0.s8.s32 v2  }
0x7: {  	vm0 =	vmmov $0xff;
	v5 =	vmul.u32 $0xFFFFFFFF, v0;
	s31 =	sshrl.u32 s4, $0x1;
	v6 =	vunpack.c.0.s8.s32 v3;
	s6 =	sadd.s32 s6, s3;
	s5 =	sadd.s32 s5, s3  }
0x8: {  	v1 =	vor.u32 $0x10, v0;
	v2 =	vor.u32 $0x20, v0;
	s7 =	ssub.s32 s4, s31;
	s3 =	sadd.s32 $0x2A00, s6;
	s4 =	sadd.s32 $0xAA00, s5;
	v7 =	vand.u32 $0xF, v4  }
0x9: {  	v3 =	vor.u32 $0x30, v0;
	s5 =	sadd.s32 $0xBA00, s5;
	s6 =	smax.u32 s7, $0x1;
	s7 =	simm.s32 $0x1;
	v4 =	vadd.s32 $0xF, v5;
	v5 =	vcombine.low v7, v6  }
.LBB2_1:
0xa: {  	[tilespmem:s2], [sflag:$0x1] =	stream.linear.gather [hbm4b:s3+s2], $0x2000, $0x38;
	[tilespmem:$0x2800] =	vst v63  }
0xb: {  	_ =	swait.ge [sflag:s7], $0x2000  }
0xc: {  	[sflag:s7] =	ssyncset.done $0x0  }
0xd: {  	s11 =	simm.s32 $0x40;
	[sflag:s7] =	ssyncadd.s32 $0xFFFFE000  }
0xe: {  	v6 =	vld [tilespmem:s11+$0x30]  }
0xf: {  	v7 =	vld [tilespmem:s11+$0x20]  }
0x10: {  	v8 =	vld [tilespmem:s11+$0x10]  }
0x11: {  	v9 =	vld [tilespmem:s11+$0xFFFFFFF0]  }
0x12: {  	v10 =	vld [tilespmem:s11+$0x0]  }
0x13: {  	(xrf1) =	vsort.dscd.msk.f32 $0xffff, v6, v3  }
0x14: {  	v11 =	vld [tilespmem:s11+$0xFFFFFFD0];
	(xrf1) =	vsort.dscd.msk.f32 $0xffff, v7, v2  }
0x15: {  	v6 =	vld [tilespmem:s11+$0xFFFFFFE0];
	(xrf1) =	vsort.dscd.msk.f32 $0xffff, v8, v1  }
0x16: {  	(xrf1) =	vsort.dscd.msk.f32 $0xffff, v9, v3  }
0x17: {  	v7 =	vld [tilespmem:s11+$0xFFFFFFC0];
	(xrf1) =	vsort.dscd.msk.f32 $0xffff, v10, v0;
	_ =	sdelay $0x1  }
0x18: {  	(xrf1) =	vsort.dscd.msk.f32 $0xffff, v11, v1  }
0x19: {  	(xrf1) =	vsort.dscd.msk.f32 $0xffff, v6, v2;
	_ =	sdelay $0x1  }
0x1a: {  	(xrf1) =	vsort.dscd.msk.f32 $0xffff, v7, v0;
	_ =	sdelay $0x4  }
0x1b: {  	v6, v7, _ =	vpop (xrf1)  }
0x1c: {  	v8, v51, _ =	vpop (xrf1)  }
0x1d: {  	v6 =	vperm.xlane v6, v4;
	v52, v53, _ =	vpop (xrf1)  }
0x1e: {  	v7 =	vperm.xlane v7, v4;
	v11 =	vperm.xlane v53, v4;
	v12, v13, _ =	vpop (xrf1)  }
0x1f: {  	v10 =	vperm.xlane v52, v4;
	v6 =	vsel vm0, v8, v6;
	v8, v54, _ =	vpop (xrf1)  }
0x20: {  	v7 =	vsel vm0, v51, v7;
	v12 =	vperm.xlane v12, v4;
	v9 =	vsel vm0, v54, v11  }
0x21: {  	v13 =	vperm.xlane v13, v4;
	(xrf1) =	vsort.dscd.msk.f32 $0xffff, v6, v7;
	v8 =	vsel vm0, v8, v10;
	v55, v14, _ =	vpop (xrf1)  }
0x22: {  	v6 =	vperm.xlane v55, v4;
	v7 =	vperm.xlane v14, v4;
	v56, v57, _ =	vpop (xrf1)  }
0x23: {  	(xrf1) =	vsort.dscd.msk.f32 $0xffff, v8, v9;
	v10 =	vsel vm0, v56, v12;
	v11 =	vsel vm0, v57, v13  }
0x24: {  	(xrf1) =	vsort.dscd.msk.f32 $0xffff, v10, v11;
	v8, v9, _ =	vpop (xrf1)  }
0x25: {  	v6 =	vsel vm0, v8, v6;
	v7 =	vsel vm0, v9, v7  }
0x26: {  	(xrf1) =	vsort.dscd.msk.f32 $0xffff, v6, v7;
	_ =	sdelay $0x8  }
0x27: {  	v6, v7, _ =	vpop (xrf1)  }
0x28: {  	v6 =	vperm.xlane v6, v4;
	v7 =	vperm.xlane v7, v4  }
0x29: {  	v8, v58, _ =	vpop (xrf1)  }
0x2a: {  	v6 =	vsel vm0, v8, v6;
	v7 =	vsel vm0, v58, v7;
	v10, v11, _ =	vpop (xrf1)  }
0x2b: {  	(xrf1) =	vsort.dscd.msk.f32 $0xffff, v6, v7;
	v10 =	vperm.xlane v10, v4;
	v11 =	vperm.xlane v11, v4  }
0x2c: {  	v8, v59, _ =	vpop (xrf1)  }
0x2d: {  	v6 =	vsel vm0, v8, v10;
	v7 =	vsel vm0, v59, v11  }
0x2e: {  	(xrf1) =	vsort.dscd.msk.f32 $0xffff, v6, v7;
	_ =	sdelay $0xa  }
0x2f: {  	v6, v8, _ =	vpop (xrf1)  }
0x30: {  	v6 =	vsub.f32 $0.0e+00, v6;
	_ =	sdelay $0x1  }
0x31: {  	v6 =	vmul.f32 $1.442695020e+00, v6;
	v7, v9, _ =	vpop (xrf1)  }
0x32: {  	v7 =	vsub.f32 $0.0e+00, v7  }
0x33: {  	(erf) = vpow2.f32 v6  }
0x34: {  	v7 =	vmul.f32 $1.442695020e+00, v7;
	_ =	sdelay $0x1  }
0x35: {  	(erf) = vpow2.f32 v7;
	_ =	sdelay $0x5  }
0x36: {  	v6 =	vpop (erf)  }
0x37: {  	v6 =	vadd.f32 $1.000000000e+00, v6;
	_ =	sdelay $0x1  }
0x38: {  	(erf) = vrcp.f32 v6;
	v7 =	vpop (erf)  }
0x39: {  	v7 =	vadd.f32 $1.000000000e+00, v7;
	_ =	sdelay $0x1  }
0x3a: {  	(erf) = vrcp.f32 v7;
	_ =	sdelay $0x5  }
0x3b: {  	v6 =	vpop (erf)  }
0x3c: {  	v60 =	vnsel vm0, $0x0, v6  }
0x3d: {  	(xrf2) =	vadd.scan.msk.f32 $0xffff, v60  }
0x3e: {  	v7 =	vpop (erf)  }
0x3f: {  	v61 =	vnsel vm0, $0x0, v7  }
0x40: {  	(xrf2) =	vadd.scan.msk.f32 $0xffff, v61;
	_ =	sdelay $0x6  }
0x41: {  	v62, _, _ =	vpop (xrf2)  }
0x42: {  	v10 =	vbroadcast v62, $0xF;
	_ =	sdelay $0x1  }
0x43: {  	v8 =	vperm.xlane v8, v5;
	(erf) = vrcp.f32 v10;
	v63, _, _ =	vpop (xrf2)  }
0x44: {  	v11 =	vbroadcast v63, $0xF  }
0x45: {  	s16 =	simm.s32 $0x0;
	s13 =	simm.s32 $0x80;
	v8 =	vsel vm0, v9, v8  }
0x46: {  	s14 =	simm.s32 $0xC0;
	s12 =	simm.s32 $0xC0;
	s11 =	simm.s32 $0x40;
	[tilespmem:s16+$0x2400] =	vst v8;
	(erf) = vrcp.f32 v11  }
.LBB2_2:
0x47: {  	_ =	sdelay $0x1  }
0x48: {  	p0 =	sne.s32 s13, $0xFC0  }
0x49: {  	s14 =	sadd.s32 $0x80, s14;
	s15 =	smov.u32 s13;
	s13 =	sadd.s32 $0x40, s13  }
0x4a: {  	_ = 	snop  }
0x4b: {  	v8 =	vpop (erf)  }
0x4c: {  	v6 =	vmul.f32 v8, v6;
	_ =	sdelay $0x1  }
0x4d: {  	v8 =	vpop (erf)  }
0x4e: {  	v6 =	vperm.xlane v6, v5;
	v7 =	vmul.f32 v8, v7;
	_ =	sdelay $0x1  }
0x4f: {  	v6 =	vsel vm0, v7, v6  }
0x50: {  	[tilespmem:s16+$0x2000] =	vst v6  }
0x51: {  	v6 =	vld [tilespmem:s12+$0x30]  }
0x52: {  	v7 =	vld [tilespmem:s12+$0x20]  }
0x53: {  	v8 =	vld [tilespmem:s12+$0x10]  }
0x54: {  	v9 =	vld [tilespmem:s12+$0xFFFFFFF0]  }
0x55: {  	v10 =	vld [tilespmem:s12+$0x0]  }
0x56: {  	v11 =	vld [tilespmem:s12+$0xFFFFFFD0];
	(xrf1) =	vsort.dscd.msk.f32 $0xffff, v6, v3  }
0x57: {  	v6 =	vld [tilespmem:s12+$0xFFFFFFE0];
	(xrf1) =	vsort.dscd.msk.f32 $0xffff, v7, v2  }
0x58: {  	v7 =	vld [tilespmem:s12+$0xFFFFFFC0];
	(xrf1) =	vsort.dscd.msk.f32 $0xffff, v8, v1;
	s12 =	smov.u32 s14  }
0x59: {  	(xrf1) =	vsort.dscd.msk.f32 $0xffff, v9, v3  }
0x5a: {  	(xrf1) =	vsort.dscd.msk.f32 $0xffff, v10, v0  }
0x5b: {  	(xrf1) =	vsort.dscd.msk.f32 $0xffff, v11, v1  }
0x5c: {  	(xrf1) =	vsort.dscd.msk.f32 $0xffff, v6, v2  }
0x5d: {  	(xrf1) =	vsort.dscd.msk.f32 $0xffff, v7, v0;
	_ =	sdelay $0x6  }
0x5e: {  	v6, v7, _ =	vpop (xrf1)  }
0x5f: {  	v8, v9, _ =	vpop (xrf1)  }
0x60: {  	v6 =	vperm.xlane v6, v4;
	v7 =	vperm.xlane v7, v4;
	v10, v11, _ =	vpop (xrf1)  }
0x61: {  	v15 =	vperm.xlane v10, v4;
	v16 =	vperm.xlane v11, v4;
	v12, v13, _ =	vpop (xrf1)  }
0x62: {  	v6 =	vsel vm0, v8, v6;
	v7 =	vsel vm0, v9, v7;
	v18 =	vperm.xlane v12, v4;
	v8, v9, _ =	vpop (xrf1)  }
0x63: {  	v17 =	vperm.xlane v13, v4;
	v8 =	vsel vm0, v8, v15;
	v10, v14, _ =	vpop (xrf1);
	(xrf1) =	vsort.dscd.msk.f32 $0xffff, v6, v7  }
0x64: {  	v9 =	vsel vm0, v9, v16;
	v6 =	vperm.xlane v10, v4;
	v7 =	vperm.xlane v14, v4;
	v10, v11, _ =	vpop (xrf1)  }
0x65: {  	v10 =	vsel vm0, v10, v18;
	v11 =	vsel vm0, v11, v17;
	v12, v13, _ =	vpop (xrf1);
	(xrf1) =	vsort.dscd.msk.f32 $0xffff, v8, v9  }
0x66: {  	v6 =	vsel vm0, v12, v6;
	v7 =	vsel vm0, v13, v7;
	(xrf1) =	vsort.dscd.msk.f32 $0xffff, v10, v11  }
0x67: {  	(xrf1) =	vsort.dscd.msk.f32 $0xffff, v6, v7;
	_ =	sdelay $0x9  }
0x68: {  	v6, v7, _ =	vpop (xrf1)  }
0x69: {  	v6 =	vperm.xlane v6, v4;
	v7 =	vperm.xlane v7, v4  }
0x6a: {  	v8, v9, _ =	vpop (xrf1)  }
0x6b: {  	v6 =	vsel vm0, v8, v6;
	v7 =	vsel vm0, v9, v7;
	v8, v9, _ =	vpop (xrf1)  }
0x6c: {  	v8 =	vperm.xlane v8, v4;
	v9 =	vperm.xlane v9, v4;
	v10, v11, _ =	vpop (xrf1);
	(xrf1) =	vsort.dscd.msk.f32 $0xffff, v6, v7;
	_ =	sdelay $0x1  }
0x6d: {  	v6 =	vsel vm0, v10, v8;
	v7 =	vsel vm0, v11, v9  }
0x6e: {  	(xrf1) =	vsort.dscd.msk.f32 $0xffff, v6, v7;
	_ =	sdelay $0xa  }
0x6f: {  	v6, v7, _ =	vpop (xrf1)  }
0x70: {  	v6 =	vsub.f32 $0.0e+00, v6  }
0x71: {  	v7 =	vperm.xlane v7, v5  }
0x72: {  	v6 =	vmul.f32 $1.442695020e+00, v6;
	v8, v9, _ =	vpop (xrf1)  }
0x73: {  	s16 =	sshra.s32 s11, $0x2;
	s11 =	smov.u32 s15;
	v8 =	vsub.f32 $0.0e+00, v8;
	v7 =	vsel vm0, v9, v7  }
0x74: {  	[tilespmem:s16+$0x2400] =	vst v7;
	(erf) = vpow2.f32 v6  }
0x75: {  	v6 =	vmul.f32 $1.442695020e+00, v8;
	_ =	sdelay $0x1  }
0x76: {  	(erf) = vpow2.f32 v6;
	_ =	sdelay $0x5  }
0x77: {  	v6 =	vpop (erf)  }
0x78: {  	v6 =	vadd.f32 $1.000000000e+00, v6;
	_ =	sdelay $0x1  }
0x79: {  	v7 =	vpop (erf);
	(erf) = vrcp.f32 v6  }
0x7a: {  	v6 =	vadd.f32 $1.000000000e+00, v7;
	_ =	sdelay $0x1  }
0x7b: {  	(erf) = vrcp.f32 v6;
	_ =	sdelay $0x5  }
0x7c: {  	v6 =	vpop (erf)  }
0x7d: {  	v8 =	vnsel vm0, $0x0, v6  }
0x7e: {  	(xrf2) =	vadd.scan.msk.f32 $0xffff, v8  }
0x7f: {  	v7 =	vpop (erf)  }
0x80: {  	v8 =	vnsel vm0, $0x0, v7  }
0x81: {  	(xrf2) =	vadd.scan.msk.f32 $0xffff, v8;
	_ =	sdelay $0x6  }
0x82: {  	v8, _, _ =	vpop (xrf2)  }
0x83: {  	v8 =	vbroadcast v8, $0xF  }
.Ltmp0:
0x84: {  	(pc) =	sbr.rel @p0 .LBB2_2-.Ltmp0, $3  }
0x85: {  	v9, _, _ =	vpop (xrf2);
	(erf) = vrcp.f32 v8  }
0x86: {  	v8 =	vbroadcast v9, $0xF;
	_ =	sdelay $0x1  }
0x87: {  	(erf) = vrcp.f32 v8  }
0x88: {  	_ =	sdelay $0x5  }
0x89: {  	v8 =	vpop (erf)  }
0x8a: {  	v6 =	vmul.f32 v8, v6  }
0x8b: {  	v36 =	vpop (erf)  }
0x8c: {  	v6 =	vperm.xlane v6, v5;
	v7 =	vmul.f32 v36, v7;
	_ =	sdelay $0x1  }
0x8d: {  	v6 =	vsel vm0, v7, v6  }
0x8e: {  	[tilespmem:s16+$0x2000] =	vst v6  }
0x8f: {  	v6 =	vld [tilespmem:s12+$0x30]  }
0x90: {  	v7 =	vld [tilespmem:s12+$0x20]  }
0x91: {  	v37 =	vld [tilespmem:s12+$0x10]  }
0x92: {  	v9 =	vld [tilespmem:s12+$0xFFFFFFF0]  }
0x93: {  	v10 =	vld [tilespmem:s12+$0x0]  }
0x94: {  	(xrf1) =	vsort.dscd.msk.f32 $0xffff, v6, v3  }
0x95: {  	v11 =	vld [tilespmem:s12+$0xFFFFFFD0];
	(xrf1) =	vsort.dscd.msk.f32 $0xffff, v7, v2  }
0x96: {  	v6 =	vld [tilespmem:s12+$0xFFFFFFE0];
	(xrf1) =	vsort.dscd.msk.f32 $0xffff, v37, v1  }
0x97: {  	(xrf1) =	vsort.dscd.msk.f32 $0xffff, v9, v3  }
0x98: {  	v7 =	vld [tilespmem:s12+$0xFFFFFFC0];
	(xrf1) =	vsort.dscd.msk.f32 $0xffff, v10, v0;
	_ =	sdelay $0x1  }
0x99: {  	(xrf1) =	vsort.dscd.msk.f32 $0xffff, v11, v1  }
0x9a: {  	(xrf1) =	vsort.dscd.msk.f32 $0xffff, v6, v2;
	_ =	sdelay $0x1  }
0x9b: {  	(xrf1) =	vsort.dscd.msk.f32 $0xffff, v7, v0;
	_ =	sdelay $0x4  }
0x9c: {  	v6, v7, _ =	vpop (xrf1)  }
0x9d: {  	v38, v39, _ =	vpop (xrf1)  }
0x9e: {  	v6 =	vperm.xlane v6, v4;
	v40, v41, _ =	vpop (xrf1)  }
0x9f: {  	v7 =	vperm.xlane v7, v4;
	v11 =	vperm.xlane v41, v4;
	v12, v13, _ =	vpop (xrf1)  }
0xa0: {  	v10 =	vperm.xlane v40, v4;
	v6 =	vsel vm0, v38, v6;
	v42, v43, _ =	vpop (xrf1)  }
0xa1: {  	v7 =	vsel vm0, v39, v7;
	v12 =	vperm.xlane v12, v4;
	v9 =	vsel vm0, v43, v11  }
0xa2: {  	v13 =	vperm.xlane v13, v4;
	(xrf1) =	vsort.dscd.msk.f32 $0xffff, v6, v7;
	v8 =	vsel vm0, v42, v10;
	v44, v14, _ =	vpop (xrf1)  }
0xa3: {  	v6 =	vperm.xlane v44, v4;
	v7 =	vperm.xlane v14, v4;
	v45, v46, _ =	vpop (xrf1)  }
0xa4: {  	(xrf1) =	vsort.dscd.msk.f32 $0xffff, v8, v9;
	v10 =	vsel vm0, v45, v12;
	v11 =	vsel vm0, v46, v13  }
0xa5: {  	(xrf1) =	vsort.dscd.msk.f32 $0xffff, v10, v11;
	v8, v9, _ =	vpop (xrf1)  }
0xa6: {  	v6 =	vsel vm0, v8, v6;
	v7 =	vsel vm0, v9, v7  }
0xa7: {  	(xrf1) =	vsort.dscd.msk.f32 $0xffff, v6, v7;
	_ =	sdelay $0x8  }
0xa8: {  	v6, v7, _ =	vpop (xrf1)  }
0xa9: {  	v6 =	vperm.xlane v6, v4  }
0xaa: {  	v7 =	vperm.xlane v7, v4;
	v47, v48, _ =	vpop (xrf1)  }
0xab: {  	v6 =	vsel vm0, v47, v6;
	v49, v10, _ =	vpop (xrf1)  }
0xac: {  	v7 =	vsel vm0, v48, v7;
	v8 =	vperm.xlane v49, v4;
	v50 =	vperm.xlane v10, v4  }
0xad: {  	(xrf1) =	vsort.dscd.msk.f32 $0xffff, v6, v7;
	v52, v51, _ =	vpop (xrf1)  }
0xae: {  	v6 =	vsel vm0, v52, v8;
	v7 =	vsel vm0, v51, v50  }
0xaf: {  	(xrf1) =	vsort.dscd.msk.f32 $0xffff, v6, v7;
	_ =	sdelay $0xb  }
0xb0: {  	v6, v7, _ =	vpop (xrf1)  }
0xb1: {  	v6 =	vsub.f32 $0.0e+00, v6  }
0xb2: {  	v53, v54, _ =	vpop (xrf1)  }
0xb3: {  	v6 =	vmul.f32 $1.442695020e+00, v6;
	v8 =	vsub.f32 $0.0e+00, v53;
	_ =	sdelay $0x1  }
0xb4: {  	(erf) = vpow2.f32 v6;
	v6 =	vmul.f32 $1.442695020e+00, v8;
	_ =	sdelay $0x1  }
0xb5: {  	(erf) = vpow2.f32 v6;
	_ =	sdelay $0x6  }
0xb6: {  	v6 =	vpop (erf)  }
0xb7: {  	v6 =	vadd.f32 $1.000000000e+00, v6  }
0xb8: {  	v55 =	vpop (erf)  }
0xb9: {  	(erf) = vrcp.f32 v6;
	v6 =	vadd.f32 $1.000000000e+00, v55;
	_ =	sdelay $0x1  }
0xba: {  	(erf) = vrcp.f32 v6;
	_ =	sdelay $0x6  }
0xbb: {  	v6 =	vpop (erf)  }
0xbc: {  	v56 =	vnsel vm0, $0x0, v6  }
0xbd: {  	(xrf2) =	vadd.scan.msk.f32 $0xffff, v56;
	v57 =	vpop (erf)  }
0xbe: {  	v58 =	vnsel vm0, $0x0, v57  }
0xbf: {  	(xrf2) =	vadd.scan.msk.f32 $0xffff, v58;
	_ =	sdelay $0x7  }
0xc0: {  	v59, _, _ =	vpop (xrf2)  }
0xc1: {  	v10 =	vbroadcast v59, $0xF  }
0xc2: {  	v60, _, _ =	vpop (xrf2)  }
0xc3: {  	(erf) = vrcp.f32 v10;
	v61 =	vbroadcast v60, $0xF;
	_ =	sdelay $0x1  }
0xc4: {  	(erf) = vrcp.f32 v61;
	_ =	sdelay $0x6  }
0xc5: {  	v62 =	vpop (erf)  }
0xc6: {  	v6 =	vmul.f32 v62, v6  }
0xc7: {  	v7 =	vperm.xlane v7, v5;
	v63 =	vpop (erf)  }
0xc8: {  	v6 =	vperm.xlane v6, v5;
	v8 =	vmul.f32 v63, v57  }
0xc9: {  	s11 =	sshra.s32 s11, $0x2;
	v7 =	vsel vm0, v54, v7  }
0xca: {  	[tilespmem:s11+$0x2400] =	vst v7;
	v6 =	vsel vm0, v8, v6  }
0xcb: {  	[tilespmem:s11+$0x2000] =	vst v6  }
0xcc: {  	[hbm4b:s4+s2] =	stream.linear.scatter [tilespmem:s8], [sflag:$0x1], $0x400, $0x38;
	[tilespmem:$0x2800] =	vst v63  }
0xcd: {  	s10 =	sadd.s32 $0x1, s10;
	_ =	swait.ge [sflag:s7], $0x400  }
0xce: {  	p0 =	sne.s32 s10, s6;
	[sflag:s7] =	ssyncset.done $0x0  }
.Ltmp1:
0xcf: {  	[sflag:s7] =	ssyncadd.s32 $0xFFFFFC00;
	(pc) =	sbr.rel @p0 .LBB2_1-.Ltmp1, $4  }
0xd0: {  	[hbm4b:s5+s2] =	stream.linear.scatter [tilespmem:s9], [sflag:$0x1], $0x400, $0x38;
	[tilespmem:$0x2800] =	vst v63  }
0xd1: {  	_ =	swait.ge [sflag:s7], $0x400  }
0xd2: {  	[sflag:s7] =	ssyncset.done $0x0  }
0xd3: {  	[sflag:s7] =	ssyncadd.s32 $0xFFFFFC00  }
0xd4: {  	_ =	sfence.sel $0x180000  }
0xd5: {  	[bflag:$0x0] =	sbarrier.arrive $0xFFFF  }
0xd6: {  	p0 =	sne.s32 s1, $0x0;
	_ =	strace $0x90000047  }
0xd7: {  	s0 =	sadd.s32 @!p0 $0x100000, s0;
	[bflag:$0x2] =	sbarrier.arrive $0xFFFF  }
0xd8: {  	[sflag:s0] =	ssyncadd.tile.s32 @!p0 $0x1;
	_ =	shalt  }
.Lfunc_end2:
_tile_overlayer_lowered:
.L_overlay_start_2:
0xd9: {  	(tag) =	ssettag $0x2  }
0xda: {  	s0 =	rddreg [dreg:$0x0];
	s2 =	stileid.u32  }
0xdb: {  	s1 =	rddreg [dreg:$0x1];
	p0 =	sne.s32 s2, $0x0  }
0xdc: {  	s3 =	rddreg [dreg:$0x2];
	[bflag:$0x3] =	sbarrier.arrive $0xFFFF;
	s2 =	simm.s32 @!p0 $0x1C01  }
0xdd: {  	[timem:s3], [sflag:s2] =	dma.local @!p0 [hbm:s0], s1  }
0xde: {  	s0 =	simm.s32 @!p0 $0x1  }
0xdf: {  	_ =	swait.ge @!p0 [sflag:s0], s1  }
0xe0: {  	s1 =	ssub.s32 @!p0 $0x0, s1;
	[sflag:s0] =	ssyncset.done @!p0 $0x0  }
0xe1: {  	[sflag:s0] =	ssyncadd.s32 @!p0 s1  }
0xe2: {  	[bflag:$0x3] =	sbarrier.arrive $0xFFFF  }
0xe3: {  	_ =	shalt  }

// kernel: kernel.13.cloned.1.call-start
scs
__scs_entry_jumppad:
0x0: {  	(pc) =	sbr.rel $0x88, $3  }
0x1: {  	(tag) =	ssettag $0x0;
	lr =	simm.s32 $0x1  }
0x2: {  	[smem:$0x3F9F] =	sst lr;
	_ =	strace $0xD0000000  }
0x3: {  	_ = 	snop  }
0x4: {  	_ = 	snop  }
0x5: {  	_ = 	snop  }
0x6: {  	_ = 	snop  }
0x7: {  	_ = 	snop  }
__scs_overlays_trampoline_lowered:
0x8: {  	[smem:$0x3FAE] =	sst s0  }
0x9: {  	[smem:$0x3FAF] =	sst s1  }
0xa: {  	[smem:$0x3FB0] =	sst s2  }
0xb: {  	[smem:$0x3FB1] =	sst s3  }
0xc: {  	[smem:$0x3FB2] =	sst s4  }
0xd: {  	[smem:$0x3FB3] =	sst s5  }
0xe: {  	[smem:$0x3FB4] =	sst s6  }
0xf: {  	[smem:$0x3FB5] =	sst s7  }
0x10: {  	[smem:$0x3FB6] =	sst s8  }
0x11: {  	[smem:$0x3FB7] =	sst s9;
	s0 =	simm.s32 @!p0 $0x0  }
0x12: {  	s1 =	sld [smem:$0x3F9D];
	s0 =	simm.s32 @p0 $0x1  }
0x13: {  	[smem:$0x3FB8] =	sst s0;
	s0 =	simm.s32 @!p1 $0x0  }
0x14: {  	s2 =	sld [smem:$0x3F9C];
	s0 =	simm.s32 @p1 $0x1  }
0x15: {  	[smem:$0x3FB9] =	sst s0;
	s0 =	simm.s32 @!p2 $0x0  }
0x16: {  	s3 =	sld [smem:$0x3FDB];
	s0 =	simm.s32 @p2 $0x1  }
0x17: {  	s4 =	simm.s32 $0x1BF5;
	[smem:$0x3FBB] =	sst s0  }
0x18: {  	s0 =	sld [smem:$0x3F9E];
	_ =	swait.ge [sflag:s4], $0x0  }
0x19: {  	s7 =	sld [smem:$0x3F9F]  }
0x1a: {  	s8 =	sadd.s32 $0xFFFFE003, lr  }
0x1b: {  	s9 =	sadd.s32 $0xFFFFFEF7, lr;
	s5 =	simm.s32 $0xFFFFFFFF;
	p2 =	slt.u32 s8, $0xFFFFF086  }
0x1c: {  	p1 =	slt.u32 s9, $0xF7A;
	s5 =	simm.s32 @!p2 $0x0  }
0x1d: {  	s5 =	simm.s32 @p1 $0x1;
	p0 =	seq.s32 s7, s2  }
0x1e: {  	s7 =	smul.u32 @!p0 $0xF7A, s2;
	p2 =	seq.s32 @!p0 s5, $0x0  }
0x1f: {  	s9 =	smul.u32 $0xF7A, s1;
	s8 =	simm.s32 @!p0 $0x1BF5;
	p2 =	por !p2, p0  }
0x20: {  	[sflag:s8] =	ssyncset.s32 @!p0 $0xFFFFF086;
	s6 =	sadd.s32 @!p0 s3, s7;
	s7 =	simm.s32 @!p0 $0x108  }
0x21: {  	s3 =	sadd.s32 s3, s9;
	s6 =	sadd.s32 @!p0 $0x88, s6;
	s7 =	simm.s32 @p2 $0x1082  }
0x22: {  	[simem:s7], [sflag:s8] =	dma.local @!p0 [hbm:s6], $0xF7A  }
0x23: {  	s9 =	sor.u32 $0xD0000000, s2;
	s6 =	simm.s32 $0x108;
	_ =	swait.ge @!p0 [sflag:s8], $0x0  }
0x24: {  	s3 =	sadd.s32 $0x88, s3;
	s6 =	simm.s32 @!p1 $0x1082;
	[sflag:s4] =	ssyncset.s32 $0xFFFFF086  }
0x25: {  	[simem:s6], [sflag:s4] =	dma.local [hbm:s3], $0xF7A  }
0x26: {  	[smem:$0x3F9F] =	sst s1;
	(tag) =	ssettag s2;
	_ =	strace s9  }
0x27: {  	s1 =	sld [smem:$0x3FAF]  }
0x28: {  	s2 =	sld [smem:$0x3FB0]  }
0x29: {  	s4 =	sld [smem:$0x3FB2]  }
0x2a: {  	p0 =	seq.s32 s5, $0x0;
	s5 =	sld [smem:$0x3FB3]  }
0x2b: {  	s6 =	sld [smem:$0x3FB4]  }
0x2c: {  	s7 =	sld [smem:$0x3FB5]  }
0x2d: {  	s3 =	simm.s32 $0x108;
	s8 =	sld [smem:$0x3FB6]  }
0x2e: {  	s3 =	simm.s32 @!p0 $0x1082;
	s9 =	sld [smem:$0x3FB7]  }
0x2f: {  	lr =	sadd.s32 s0, s3;
	s0 =	sld [smem:$0x3FAE]  }
0x30: {  	s3 =	sld [smem:$0x3FB1]  }
0x31: {  	[smem:$0x3FBA] =	sst s10  }
0x32: {  	s10 =	sld [smem:$0x3FB8];
	_ =	sdelay $0x3  }
0x33: {  	p0 =	seq.s32 s10, $0x1;
	s10 =	sld [smem:$0x3FBA];
	_ =	sdelay $0x3  }
0x34: {  	[smem:$0x3FBA] =	sst s10  }
0x35: {  	s10 =	sld [smem:$0x3FB9];
	_ =	sdelay $0x3  }
0x36: {  	p1 =	seq.s32 s10, $0x1;
	s10 =	sld [smem:$0x3FBA];
	_ =	sdelay $0x3  }
0x37: {  	[smem:$0x3FBA] =	sst s10  }
0x38: {  	s10 =	sld [smem:$0x3FBB]  }
0x39: {  	_ = 	snop;
	(pc) =	sbr.ind lr, $3  }
0x3a: {  	_ = 	snop  }
0x3b: {  	_ = 	snop  }
0x3c: {  	p2 =	seq.s32 s10, $0x1;
	s10 =	sld [smem:$0x3FBA]  }
0x3d: {  	_ =	shalt  }
0x3e: {  	_ =	shalt  }
0x3f: {  	_ =	shalt  }
0x40: {  	_ =	shalt  }
0x41: {  	_ =	shalt  }
0x42: {  	_ =	shalt  }
0x43: {  	_ =	shalt  }
0x44: {  	_ =	shalt  }
0x45: {  	_ =	shalt  }
0x46: {  	_ =	shalt  }
0x47: {  	_ =	shalt  }
0x48: {  	_ =	shalt  }
0x49: {  	_ =	shalt  }
0x4a: {  	_ =	shalt  }
0x4b: {  	_ =	shalt  }
0x4c: {  	_ =	shalt  }
0x4d: {  	_ =	shalt  }
0x4e: {  	_ =	shalt  }
0x4f: {  	_ =	shalt  }
0x50: {  	_ =	shalt  }
0x51: {  	_ =	shalt  }
0x52: {  	_ =	shalt  }
0x53: {  	_ =	shalt  }
0x54: {  	_ =	shalt  }
0x55: {  	_ =	shalt  }
0x56: {  	_ =	shalt  }
0x57: {  	_ =	shalt  }
0x58: {  	_ =	shalt  }
0x59: {  	_ =	shalt  }
0x5a: {  	_ =	shalt  }
0x5b: {  	_ =	shalt  }
0x5c: {  	_ =	shalt  }
0x5d: {  	_ =	shalt  }
0x5e: {  	_ =	shalt  }
0x5f: {  	_ =	shalt  }
0x60: {  	_ =	shalt  }
0x61: {  	_ =	shalt  }
0x62: {  	_ =	shalt  }
0x63: {  	_ =	shalt  }
0x64: {  	_ =	shalt  }
0x65: {  	_ =	shalt  }
0x66: {  	_ =	shalt  }
0x67: {  	_ =	shalt  }
0x68: {  	_ =	shalt  }
0x69: {  	_ =	shalt  }
0x6a: {  	_ =	shalt  }
0x6b: {  	_ =	shalt  }
0x6c: {  	_ =	shalt  }
0x6d: {  	_ =	shalt  }
0x6e: {  	_ =	shalt  }
0x6f: {  	_ =	shalt  }
0x70: {  	_ =	shalt  }
0x71: {  	_ =	shalt  }
0x72: {  	_ =	shalt  }
0x73: {  	_ =	shalt  }
0x74: {  	_ =	shalt  }
0x75: {  	_ =	shalt  }
0x76: {  	_ =	shalt  }
0x77: {  	_ =	shalt  }
0x78: {  	_ =	shalt  }
0x79: {  	_ =	shalt  }
0x7a: {  	_ =	shalt  }
0x7b: {  	_ =	shalt  }
0x7c: {  	_ =	shalt  }
0x7d: {  	_ =	shalt  }
0x7e: {  	_ =	shalt  }
0x7f: {  	_ =	shalt  }
0x80: {  	_ =	shalt  }
0x81: {  	_ =	shalt  }
0x82: {  	_ =	shalt  }
0x83: {  	_ =	shalt  }
0x84: {  	_ =	shalt  }
0x85: {  	_ =	shalt  }
0x86: {  	_ =	shalt  }
0x87: {  	_ =	shalt  }
.Lfunc_end0:
.L_simem_size_0:
called_computation.1_lowered:
.L_overlay_start_0:
0x88: {  	s2 =	sld [smem:$0x3FD9]  }
0x89: {  	s3 =	sld [smem:$0x3FFE];
	_ =	sdelay $0x1  }
0x8a: {  	s1 =	srdreg.scid  }
0x8b: {  	s0 =	sand.u32 $0x1, s1  }
0x8c: {  	s17 =	sshll.u32 s0, $0xA;
	s2 =	sadd.s32 s3, s2  }
0x8d: {  	s2 =	sadd.s32 s2, s17  }
0x8e: {  	[smem:$0x3FC6] =	sst s2  }
0x8f: {  	_ = 	snop  }
0x90: {  	(tm) =	ssettm $0x1  }
0x91: {  	s18 =	sld [smem:$0x3FFB];
	_ =	sdelay $0x3  }
0x92: {  	_ =	strace s18  }
0x93: {  	s2 =	sld [smem:$0x3FFC];
	_ =	sdelay $0x3  }
0x94: {  	_ =	strace s2  }
0x95: {  	s2 =	sld [smem:$0x3FFD];
	_ =	sdelay $0x3  }
0x96: {  	_ =	strace s2  }
0x97: {  	_ =	strace $0x8FFFFFFF  }
0x98: {  	s19 =	sld [smem:$0x3FDB];
	_ =	sdelay $0x1  }
0x99: {  	s20 =	simm.s32 $_scs_section_size  }
0x9a: {  	s4 =	simm.s32 $_size__tile_overlayer_lowered;
	s5 =	simm.s32 $_tile_overlayer_lowered  }
0x9b: {  	s6 =	simm.s32 $0x1BFF;
	s21 =	sshll.u32 s5, $0x1;
	s3 =	sadd.s32 s20, s19  }
0x9c: {  	s22 =	simm.s32 $0x0;
	s4 =	sshll.u32 s4, $0x1;
	s5 =	sadd.s32 s21, s3  }
0x9d: {  	[timem:s22], [sflag:s6] =	dma.local [hbm:s5], s4  }
0x9e: {  	_ =	swait.ge [sflag:s6], s4  }
0x9f: {  	s4 =	ssub.s32 $0x0, s4;
	[sflag:s6] =	ssyncset.done $0x0  }
0xa0: {  	[sflag:s6] =	ssyncadd.s32 s4;
	_ =	sdelay $0x1  }
0xa1: {  	s23 =	simm.s32 $0x1B8B  }
0xa2: {  	_ =	swait.ge [sflag:s23], $0x1  }
0xa3: {  	[sflag:s23] =	ssyncset.done $0x0  }
0xa4: {  	[sflag:s23] =	ssyncadd.s32 $0xFFFFFFFF  }
0xa5: {  	s4 =	sld [smem:$0x0]  }
0xa6: {  	s5 =	sand.u32 $0xFFFFFFFE, s1  }
0xa7: {  	p0 =	sne.s32 s1, s5  }
0xa8: {  	s5 =	sshll.u32 @p0 s5, $0xE  }
0xa9: {  	s5 =	sadd.s32 @p0 $0x11B8D, s5;
	s6 =	sshll.u32 @p0 s4, $0x11  }
0xaa: {  	s5 =	sor.u32 @p0 s6, s5  }
0xab: {  	[sflag:s5] =	ssyncadd.remote.s32 @p0 $0x1;
	_ =	sdelay $0x1  }
0xac: {  	s5 =	simm.s32 @p0 $0x1B8D  }
0xad: {  	_ =	swait.eq @p0 [sflag:s5], $0x1  }
0xae: {  	[sflag:s5] =	ssyncadd.s32 @p0 $0xFFFFFFFF  }
0xaf: {  	s6 =	sshll.u32 @!p0 s1, $0xE  }
0xb0: {  	s6 =	sor.u32 @!p0 $0x4000, s6;
	s5 =	simm.s32 @!p0 $0x1B8D  }
0xb1: {  	s4 =	sshll.u32 @!p0 s4, $0x11;
	s6 =	sadd.s32 @!p0 $0x11B8D, s6;
	_ =	swait.eq @!p0 [sflag:s5], $0x1  }
0xb2: {  	s4 =	sor.u32 @!p0 s4, s6;
	[sflag:s5] =	ssyncadd.s32 @!p0 $0xFFFFFFFF  }
0xb3: {  	s25 =	simm.s32 $0x1B8E;
	s24 =	sld [smem:$0x3FFE];
	[sflag:s4] =	ssyncadd.remote.s32 @!p0 $0x1  }
0xb4: {  	s26 =	simm.s32 $execute0_lowered;
	[smem:$0x3FD2] =	sst s25  }
0xb5: {  	s5 =	sshll.u32 s26, $0x1;
	_ =	strace $0x8000004C;
	[dreg:$0x1] =	wrdreg $0xFFFFFFFF  }
0xb6: {  	s28 =	simm.s32 $_size_execute0_lowered;
	s3 =	sadd.s32 s3, s5;
	[dreg:$0x0] =	wrdreg $0x0  }
0xb7: {  	s5 =	sshll.u32 s28, $0x1;
	[dreg:$0x2] =	wrdreg s3  }
0xb8: {  	[dreg:$0x3] =	wrdreg s5  }
0xb9: {  	[dreg:$0x4] =	wrdreg $0xC0  }
0xba: {  	_ =	task [dreg:s22], $0x5FFFF  }
0xbb: {  	[dreg:$0x1] =	wrdreg $0xFFFFFFFF  }
0xbc: {  	[dreg:$0x0] =	wrdreg $0x60  }
0xbd: {  	[dreg:$0x2] =	wrdreg s24  }
0xbe: {  	[dreg:$0x3] =	wrdreg $0xA  }
0xbf: {  	_ =	task.clear_ibuf [dreg:s22], $0x4FFFF;
	_ =	strace $0x9000004C  }
0xc0: {  	s29 =	simm.s32 $0xA;
	_ =	strace $0x8000004E  }
0xc1: {  	_ =	swait.ge [sflag:s29], $0x1  }
0xc2: {  	[sflag:s29] =	ssyncadd.s32 $0xFFFFFFFF  }
0xc3: {  	_ =	strace $0x9000004E  }
0xc4: {  	_ =	sfence  }
0xc5: {  	s30 =	sld [smem:$0x0];
	_ =	sdelay $0x2  }
0xc6: {  	s31 =	sshll.u32 s1, $0xD;
	s1 =	sshrl.u32 s1, $0x2  }
0xc7: {  	s4 =	sand.u32 $0x4000, s31;
	s1 =	sadd.s32 s1, s30  }
0xc8: {  	s0 =	sor.u32 s4, s0;
	s1 =	sshll.u32 s1, $0x11  }
0xc9: {  	s0 =	sor.u32 s1, s0  }
0xca: {  	s0 =	sadd.s32 $0x8F2B, s0  }
0xcb: {  	[sflag:s0] =	ssyncadd.remote.s32 $0x1  }
0xcc: {  	_ =	sfence.sel $0xFFFF  }
0xcd: {  	[dreg:$0x0] =	wrdreg $0xFFFFFFFF;
	(pc) =	sbr.abs _section_cstart, $3  }
0xce: {  	[dreg:$0x1] =	wrdreg $0xFFFFFFFF  }
0xcf: {  	_ =	task.clear_ibuf [dreg:s22], $0x2FFFF;
	_ =	strace $0x9FFFFFFF  }
0xd0: {  	(tm) =	ssettm $0x7FFFFFFF  }
0xd1: {  	_ =	shalt  }
tec
execute0_lowered:
.L_overlay_start_1:
0x0: {  	(tag) =	ssettag $0x1  }
0x1: {  	s3 =	rddreg [dreg:$0x0]  }
0x2: {  	s0 =	rddreg [dreg:$0x1];
	s2 =	simm.s32 $0x0;
	s4 =	srdreg.scid  }
0x3: {  	s1 =	stileid.u32;
	v0 =	vimm.s32 $0xFEDCBA98;
	s8 =	simm.s32 $0x2000;
	s9 =	simm.s32 $0x2400  }
0x4: {  	v1 =	vimm.s32 $0x76543210;
	[smem:$0x7FF] =	sst s2;
	s4 =	sand.u32 $0x1, s4;
	s5 =	sshll.u32 s1, $0x1;
	v2 =	vunpack.c.l.s4.s8 v0  }
0x5: {  	s10 =	simm.s32 $0x0;
	v3 =	vunpack.c.l.s4.s8 v1;
	_ =	strace $0x8000004D;
	s5 =	sor.u32 s4, s5  }
0x6: {  	v0 =	vlaneseq.u32;
	s4 =	ssub.s32 $0x2, s4;
	s6 =	sshll.u32 s5, $0xA;
	s5 =	sshll.u32 s5, $0x7;
	v4 =	vunpack.c.0.s8.s32 v2  }
0x7: {  	vm0 =	vmmov $0xff;
	v5 =	vmul.u32 $0xFFFFFFFF, v0;
	s31 =	sshrl.u32 s4, $0x1;
	v6 =	vunpack.c.0.s8.s32 v3;
	s6 =	sadd.s32 s6, s3;
	s5 =	sadd.s32 s5, s3  }
0x8: {  	v1 =	vor.u32 $0x10, v0;
	v2 =	vor.u32 $0x20, v0;
	s7 =	ssub.s32 s4, s31;
	s3 =	sadd.s32 $0x16A00, s6;
	s4 =	sadd.s32 $0x1EA00, s5;
	v7 =	vand.u32 $0xF, v4  }
0x9: {  	v3 =	vor.u32 $0x30, v0;
	s5 =	sadd.s32 $0x1FA00, s5;
	s6 =	smax.u32 s7, $0x1;
	s7 =	simm.s32 $0x1;
	v4 =	vadd.s32 $0xF, v5;
	v5 =	vcombine.low v7, v6  }
.LBB2_1:
0xa: {  	[tilespmem:s2], [sflag:$0x1] =	stream.linear.gather [hbm4b:s3+s2], $0x2000, $0x38;
	[tilespmem:$0x2800] =	vst v63  }
0xb: {  	_ =	swait.ge [sflag:s7], $0x2000  }
0xc: {  	[sflag:s7] =	ssyncset.done $0x0  }
0xd: {  	s11 =	simm.s32 $0x40;
	[sflag:s7] =	ssyncadd.s32 $0xFFFFE000  }
0xe: {  	v6 =	vld [tilespmem:s11+$0x30]  }
0xf: {  	v7 =	vld [tilespmem:s11+$0x20]  }
0x10: {  	v8 =	vld [tilespmem:s11+$0x10]  }
0x11: {  	v9 =	vld [tilespmem:s11+$0xFFFFFFF0]  }
0x12: {  	v10 =	vld [tilespmem:s11+$0x0]  }
0x13: {  	(xrf1) =	vsort.dscd.msk.f32 $0xffff, v6, v3  }
0x14: {  	v11 =	vld [tilespmem:s11+$0xFFFFFFD0];
	(xrf1) =	vsort.dscd.msk.f32 $0xffff, v7, v2  }
0x15: {  	v6 =	vld [tilespmem:s11+$0xFFFFFFE0];
	(xrf1) =	vsort.dscd.msk.f32 $0xffff, v8, v1  }
0x16: {  	(xrf1) =	vsort.dscd.msk.f32 $0xffff, v9, v3  }
0x17: {  	v7 =	vld [tilespmem:s11+$0xFFFFFFC0];
	(xrf1) =	vsort.dscd.msk.f32 $0xffff, v10, v0;
	_ =	sdelay $0x1  }
0x18: {  	(xrf1) =	vsort.dscd.msk.f32 $0xffff, v11, v1  }
0x19: {  	(xrf1) =	vsort.dscd.msk.f32 $0xffff, v6, v2;
	_ =	sdelay $0x1  }
0x1a: {  	(xrf1) =	vsort.dscd.msk.f32 $0xffff, v7, v0;
	_ =	sdelay $0x4  }
0x1b: {  	v6, v7, _ =	vpop (xrf1)  }
0x1c: {  	v8, v51, _ =	vpop (xrf1)  }
0x1d: {  	v6 =	vperm.xlane v6, v4;
	v52, v53, _ =	vpop (xrf1)  }
0x1e: {  	v7 =	vperm.xlane v7, v4;
	v11 =	vperm.xlane v53, v4;
	v12, v13, _ =	vpop (xrf1)  }
0x1f: {  	v10 =	vperm.xlane v52, v4;
	v6 =	vsel vm0, v8, v6;
	v8, v54, _ =	vpop (xrf1)  }
0x20: {  	v7 =	vsel vm0, v51, v7;
	v12 =	vperm.xlane v12, v4;
	v9 =	vsel vm0, v54, v11  }
0x21: {  	v13 =	vperm.xlane v13, v4;
	(xrf1) =	vsort.dscd.msk.f32 $0xffff, v6, v7;
	v8 =	vsel vm0, v8, v10;
	v55, v14, _ =	vpop (xrf1)  }
0x22: {  	v6 =	vperm.xlane v55, v4;
	v7 =	vperm.xlane v14, v4;
	v56, v57, _ =	vpop (xrf1)  }
0x23: {  	(xrf1) =	vsort.dscd.msk.f32 $0xffff, v8, v9;
	v10 =	vsel vm0, v56, v12;
	v11 =	vsel vm0, v57, v13  }
0x24: {  	(xrf1) =	vsort.dscd.msk.f32 $0xffff, v10, v11;
	v8, v9, _ =	vpop (xrf1)  }
0x25: {  	v6 =	vsel vm0, v8, v6;
	v7 =	vsel vm0, v9, v7  }
0x26: {  	(xrf1) =	vsort.dscd.msk.f32 $0xffff, v6, v7;
	_ =	sdelay $0x8  }
0x27: {  	v6, v7, _ =	vpop (xrf1)  }
0x28: {  	v6 =	vperm.xlane v6, v4;
	v7 =	vperm.xlane v7, v4  }
0x29: {  	v8, v58, _ =	vpop (xrf1)  }
0x2a: {  	v6 =	vsel vm0, v8, v6;
	v7 =	vsel vm0, v58, v7;
	v10, v11, _ =	vpop (xrf1)  }
0x2b: {  	(xrf1) =	vsort.dscd.msk.f32 $0xffff, v6, v7;
	v10 =	vperm.xlane v10, v4;
	v11 =	vperm.xlane v11, v4  }
0x2c: {  	v8, v59, _ =	vpop (xrf1)  }
0x2d: {  	v6 =	vsel vm0, v8, v10;
	v7 =	vsel vm0, v59, v11  }
0x2e: {  	(xrf1) =	vsort.dscd.msk.f32 $0xffff, v6, v7;
	_ =	sdelay $0xa  }
0x2f: {  	v6, v8, _ =	vpop (xrf1)  }
0x30: {  	v6 =	vsub.f32 $0.0e+00, v6;
	_ =	sdelay $0x1  }
0x31: {  	v6 =	vmul.f32 $1.442695020e+00, v6;
	v7, v9, _ =	vpop (xrf1)  }
0x32: {  	v7 =	vsub.f32 $0.0e+00, v7  }
0x33: {  	(erf) = vpow2.f32 v6  }
0x34: {  	v7 =	vmul.f32 $1.442695020e+00, v7;
	_ =	sdelay $0x1  }
0x35: {  	(erf) = vpow2.f32 v7;
	_ =	sdelay $0x5  }
0x36: {  	v6 =	vpop (erf)  }
0x37: {  	v6 =	vadd.f32 $1.000000000e+00, v6;
	_ =	sdelay $0x1  }
0x38: {  	(erf) = vrcp.f32 v6;
	v7 =	vpop (erf)  }
0x39: {  	v7 =	vadd.f32 $1.000000000e+00, v7;
	_ =	sdelay $0x1  }
0x3a: {  	(erf) = vrcp.f32 v7;
	_ =	sdelay $0x5  }
0x3b: {  	v6 =	vpop (erf)  }
0x3c: {  	v60 =	vnsel vm0, $0x0, v6  }
0x3d: {  	(xrf2) =	vadd.scan.msk.f32 $0xffff, v60  }
0x3e: {  	v7 =	vpop (erf)  }
0x3f: {  	v61 =	vnsel vm0, $0x0, v7  }
0x40: {  	(xrf2) =	vadd.scan.msk.f32 $0xffff, v61;
	_ =	sdelay $0x6  }
0x41: {  	v62, _, _ =	vpop (xrf2)  }
0x42: {  	v10 =	vbroadcast v62, $0xF;
	_ =	sdelay $0x1  }
0x43: {  	v8 =	vperm.xlane v8, v5;
	(erf) = vrcp.f32 v10;
	v63, _, _ =	vpop (xrf2)  }
0x44: {  	v11 =	vbroadcast v63, $0xF  }
0x45: {  	s16 =	simm.s32 $0x0;
	s13 =	simm.s32 $0x80;
	v8 =	vsel vm0, v9, v8  }
0x46: {  	s14 =	simm.s32 $0xC0;
	s12 =	simm.s32 $0xC0;
	s11 =	simm.s32 $0x40;
	[tilespmem:s16+$0x2400] =	vst v8;
	(erf) = vrcp.f32 v11  }
.LBB2_2:
0x47: {  	_ =	sdelay $0x1  }
0x48: {  	p0 =	sne.s32 s13, $0xFC0  }
0x49: {  	s14 =	sadd.s32 $0x80, s14;
	s15 =	smov.u32 s13;
	s13 =	sadd.s32 $0x40, s13  }
0x4a: {  	_ = 	snop  }
0x4b: {  	v8 =	vpop (erf)  }
0x4c: {  	v6 =	vmul.f32 v8, v6;
	_ =	sdelay $0x1  }
0x4d: {  	v8 =	vpop (erf)  }
0x4e: {  	v6 =	vperm.xlane v6, v5;
	v7 =	vmul.f32 v8, v7;
	_ =	sdelay $0x1  }
0x4f: {  	v6 =	vsel vm0, v7, v6  }
0x50: {  	[tilespmem:s16+$0x2000] =	vst v6  }
0x51: {  	v6 =	vld [tilespmem:s12+$0x30]  }
0x52: {  	v7 =	vld [tilespmem:s12+$0x20]  }
0x53: {  	v8 =	vld [tilespmem:s12+$0x10]  }
0x54: {  	v9 =	vld [tilespmem:s12+$0xFFFFFFF0]  }
0x55: {  	v10 =	vld [tilespmem:s12+$0x0]  }
0x56: {  	v11 =	vld [tilespmem:s12+$0xFFFFFFD0];
	(xrf1) =	vsort.dscd.msk.f32 $0xffff, v6, v3  }
0x57: {  	v6 =	vld [tilespmem:s12+$0xFFFFFFE0];
	(xrf1) =	vsort.dscd.msk.f32 $0xffff, v7, v2  }
0x58: {  	v7 =	vld [tilespmem:s12+$0xFFFFFFC0];
	(xrf1) =	vsort.dscd.msk.f32 $0xffff, v8, v1;
	s12 =	smov.u32 s14  }
0x59: {  	(xrf1) =	vsort.dscd.msk.f32 $0xffff, v9, v3  }
0x5a: {  	(xrf1) =	vsort.dscd.msk.f32 $0xffff, v10, v0  }
0x5b: {  	(xrf1) =	vsort.dscd.msk.f32 $0xffff, v11, v1  }
0x5c: {  	(xrf1) =	vsort.dscd.msk.f32 $0xffff, v6, v2  }
0x5d: {  	(xrf1) =	vsort.dscd.msk.f32 $0xffff, v7, v0;
	_ =	sdelay $0x6  }
0x5e: {  	v6, v7, _ =	vpop (xrf1)  }
0x5f: {  	v8, v9, _ =	vpop (xrf1)  }
0x60: {  	v6 =	vperm.xlane v6, v4;
	v7 =	vperm.xlane v7, v4;
	v10, v11, _ =	vpop (xrf1)  }
0x61: {  	v15 =	vperm.xlane v10, v4;
	v16 =	vperm.xlane v11, v4;
	v12, v13, _ =	vpop (xrf1)  }
0x62: {  	v6 =	vsel vm0, v8, v6;
	v7 =	vsel vm0, v9, v7;
	v18 =	vperm.xlane v12, v4;
	v8, v9, _ =	vpop (xrf1)  }
0x63: {  	v17 =	vperm.xlane v13, v4;
	v8 =	vsel vm0, v8, v15;
	v10, v14, _ =	vpop (xrf1);
	(xrf1) =	vsort.dscd.msk.f32 $0xffff, v6, v7  }
0x64: {  	v9 =	vsel vm0, v9, v16;
	v6 =	vperm.xlane v10, v4;
	v7 =	vperm.xlane v14, v4;
	v10, v11, _ =	vpop (xrf1)  }
0x65: {  	v10 =	vsel vm0, v10, v18;
	v11 =	vsel vm0, v11, v17;
	v12, v13, _ =	vpop (xrf1);
	(xrf1) =	vsort.dscd.msk.f32 $0xffff, v8, v9  }
0x66: {  	v6 =	vsel vm0, v12, v6;
	v7 =	vsel vm0, v13, v7;
	(xrf1) =	vsort.dscd.msk.f32 $0xffff, v10, v11  }
0x67: {  	(xrf1) =	vsort.dscd.msk.f32 $0xffff, v6, v7;
	_ =	sdelay $0x9  }
0x68: {  	v6, v7, _ =	vpop (xrf1)  }
0x69: {  	v6 =	vperm.xlane v6, v4;
	v7 =	vperm.xlane v7, v4  }
0x6a: {  	v8, v9, _ =	vpop (xrf1)  }
0x6b: {  	v6 =	vsel vm0, v8, v6;
	v7 =	vsel vm0, v9, v7;
	v8, v9, _ =	vpop (xrf1)  }
0x6c: {  	v8 =	vperm.xlane v8, v4;
	v9 =	vperm.xlane v9, v4;
	v10, v11, _ =	vpop (xrf1);
	(xrf1) =	vsort.dscd.msk.f32 $0xffff, v6, v7;
	_ =	sdelay $0x1  }
0x6d: {  	v6 =	vsel vm0, v10, v8;
	v7 =	vsel vm0, v11, v9  }
0x6e: {  	(xrf1) =	vsort.dscd.msk.f32 $0xffff, v6, v7;
	_ =	sdelay $0xa  }
0x6f: {  	v6, v7, _ =	vpop (xrf1)  }
0x70: {  	v6 =	vsub.f32 $0.0e+00, v6  }
0x71: {  	v7 =	vperm.xlane v7, v5  }
0x72: {  	v6 =	vmul.f32 $1.442695020e+00, v6;
	v8, v9, _ =	vpop (xrf1)  }
0x73: {  	s16 =	sshra.s32 s11, $0x2;
	s11 =	smov.u32 s15;
	v8 =	vsub.f32 $0.0e+00, v8;
	v7 =	vsel vm0, v9, v7  }
0x74: {  	[tilespmem:s16+$0x2400] =	vst v7;
	(erf) = vpow2.f32 v6  }
0x75: {  	v6 =	vmul.f32 $1.442695020e+00, v8;
	_ =	sdelay $0x1  }
0x76: {  	(erf) = vpow2.f32 v6;
	_ =	sdelay $0x5  }
0x77: {  	v6 =	vpop (erf)  }
0x78: {  	v6 =	vadd.f32 $1.000000000e+00, v6;
	_ =	sdelay $0x1  }
0x79: {  	v7 =	vpop (erf);
	(erf) = vrcp.f32 v6  }
0x7a: {  	v6 =	vadd.f32 $1.000000000e+00, v7;
	_ =	sdelay $0x1  }
0x7b: {  	(erf) = vrcp.f32 v6;
	_ =	sdelay $0x5  }
0x7c: {  	v6 =	vpop (erf)  }
0x7d: {  	v8 =	vnsel vm0, $0x0, v6  }
0x7e: {  	(xrf2) =	vadd.scan.msk.f32 $0xffff, v8  }
0x7f: {  	v7 =	vpop (erf)  }
0x80: {  	v8 =	vnsel vm0, $0x0, v7  }
0x81: {  	(xrf2) =	vadd.scan.msk.f32 $0xffff, v8;
	_ =	sdelay $0x6  }
0x82: {  	v8, _, _ =	vpop (xrf2)  }
0x83: {  	v8 =	vbroadcast v8, $0xF  }
.Ltmp0:
0x84: {  	(pc) =	sbr.rel @p0 .LBB2_2-.Ltmp0, $3  }
0x85: {  	v9, _, _ =	vpop (xrf2);
	(erf) = vrcp.f32 v8  }
0x86: {  	v8 =	vbroadcast v9, $0xF;
	_ =	sdelay $0x1  }
0x87: {  	(erf) = vrcp.f32 v8  }
0x88: {  	_ =	sdelay $0x5  }
0x89: {  	v8 =	vpop (erf)  }
0x8a: {  	v6 =	vmul.f32 v8, v6  }
0x8b: {  	v36 =	vpop (erf)  }
0x8c: {  	v6 =	vperm.xlane v6, v5;
	v7 =	vmul.f32 v36, v7;
	_ =	sdelay $0x1  }
0x8d: {  	v6 =	vsel vm0, v7, v6  }
0x8e: {  	[tilespmem:s16+$0x2000] =	vst v6  }
0x8f: {  	v6 =	vld [tilespmem:s12+$0x30]  }
0x90: {  	v7 =	vld [tilespmem:s12+$0x20]  }
0x91: {  	v37 =	vld [tilespmem:s12+$0x10]  }
0x92: {  	v9 =	vld [tilespmem:s12+$0xFFFFFFF0]  }
0x93: {  	v10 =	vld [tilespmem:s12+$0x0]  }
0x94: {  	(xrf1) =	vsort.dscd.msk.f32 $0xffff, v6, v3  }
0x95: {  	v11 =	vld [tilespmem:s12+$0xFFFFFFD0];
	(xrf1) =	vsort.dscd.msk.f32 $0xffff, v7, v2  }
0x96: {  	v6 =	vld [tilespmem:s12+$0xFFFFFFE0];
	(xrf1) =	vsort.dscd.msk.f32 $0xffff, v37, v1  }
0x97: {  	(xrf1) =	vsort.dscd.msk.f32 $0xffff, v9, v3  }
0x98: {  	v7 =	vld [tilespmem:s12+$0xFFFFFFC0];
	(xrf1) =	vsort.dscd.msk.f32 $0xffff, v10, v0;
	_ =	sdelay $0x1  }
0x99: {  	(xrf1) =	vsort.dscd.msk.f32 $0xffff, v11, v1  }
0x9a: {  	(xrf1) =	vsort.dscd.msk.f32 $0xffff, v6, v2;
	_ =	sdelay $0x1  }
0x9b: {  	(xrf1) =	vsort.dscd.msk.f32 $0xffff, v7, v0;
	_ =	sdelay $0x4  }
0x9c: {  	v6, v7, _ =	vpop (xrf1)  }
0x9d: {  	v38, v39, _ =	vpop (xrf1)  }
0x9e: {  	v6 =	vperm.xlane v6, v4;
	v40, v41, _ =	vpop (xrf1)  }
0x9f: {  	v7 =	vperm.xlane v7, v4;
	v11 =	vperm.xlane v41, v4;
	v12, v13, _ =	vpop (xrf1)  }
0xa0: {  	v10 =	vperm.xlane v40, v4;
	v6 =	vsel vm0, v38, v6;
	v42, v43, _ =	vpop (xrf1)  }
0xa1: {  	v7 =	vsel vm0, v39, v7;
	v12 =	vperm.xlane v12, v4;
	v9 =	vsel vm0, v43, v11  }
0xa2: {  	v13 =	vperm.xlane v13, v4;
	(xrf1) =	vsort.dscd.msk.f32 $0xffff, v6, v7;
	v8 =	vsel vm0, v42, v10;
	v44, v14, _ =	vpop (xrf1)  }
0xa3: {  	v6 =	vperm.xlane v44, v4;
	v7 =	vperm.xlane v14, v4;
	v45, v46, _ =	vpop (xrf1)  }
0xa4: {  	(xrf1) =	vsort.dscd.msk.f32 $0xffff, v8, v9;
	v10 =	vsel vm0, v45, v12;
	v11 =	vsel vm0, v46, v13  }
0xa5: {  	(xrf1) =	vsort.dscd.msk.f32 $0xffff, v10, v11;
	v8, v9, _ =	vpop (xrf1)  }
0xa6: {  	v6 =	vsel vm0, v8, v6;
	v7 =	vsel vm0, v9, v7  }
0xa7: {  	(xrf1) =	vsort.dscd.msk.f32 $0xffff, v6, v7;
	_ =	sdelay $0x8  }
0xa8: {  	v6, v7, _ =	vpop (xrf1)  }
0xa9: {  	v6 =	vperm.xlane v6, v4  }
0xaa: {  	v7 =	vperm.xlane v7, v4;
	v47, v48, _ =	vpop (xrf1)  }
0xab: {  	v6 =	vsel vm0, v47, v6;
	v49, v10, _ =	vpop (xrf1)  }
0xac: {  	v7 =	vsel vm0, v48, v7;
	v8 =	vperm.xlane v49, v4;
	v50 =	vperm.xlane v10, v4  }
0xad: {  	(xrf1) =	vsort.dscd.msk.f32 $0xffff, v6, v7;
	v52, v51, _ =	vpop (xrf1)  }
0xae: {  	v6 =	vsel vm0, v52, v8;
	v7 =	vsel vm0, v51, v50  }
0xaf: {  	(xrf1) =	vsort.dscd.msk.f32 $0xffff, v6, v7;
	_ =	sdelay $0xb  }
0xb0: {  	v6, v7, _ =	vpop (xrf1)  }
0xb1: {  	v6 =	vsub.f32 $0.0e+00, v6  }
0xb2: {  	v53, v54, _ =	vpop (xrf1)  }
0xb3: {  	v6 =	vmul.f32 $1.442695020e+00, v6;
	v8 =	vsub.f32 $0.0e+00, v53;
	_ =	sdelay $0x1  }
0xb4: {  	(erf) = vpow2.f32 v6;
	v6 =	vmul.f32 $1.442695020e+00, v8;
	_ =	sdelay $0x1  }
0xb5: {  	(erf) = vpow2.f32 v6;
	_ =	sdelay $0x6  }
0xb6: {  	v6 =	vpop (erf)  }
0xb7: {  	v6 =	vadd.f32 $1.000000000e+00, v6  }
0xb8: {  	v55 =	vpop (erf)  }
0xb9: {  	(erf) = vrcp.f32 v6;
	v6 =	vadd.f32 $1.000000000e+00, v55;
	_ =	sdelay $0x1  }
0xba: {  	(erf) = vrcp.f32 v6;
	_ =	sdelay $0x6  }
0xbb: {  	v6 =	vpop (erf)  }
0xbc: {  	v56 =	vnsel vm0, $0x0, v6  }
0xbd: {  	(xrf2) =	vadd.scan.msk.f32 $0xffff, v56;
	v57 =	vpop (erf)  }
0xbe: {  	v58 =	vnsel vm0, $0x0, v57  }
0xbf: {  	(xrf2) =	vadd.scan.msk.f32 $0xffff, v58;
	_ =	sdelay $0x7  }
0xc0: {  	v59, _, _ =	vpop (xrf2)  }
0xc1: {  	v10 =	vbroadcast v59, $0xF  }
0xc2: {  	v60, _, _ =	vpop (xrf2)  }
0xc3: {  	(erf) = vrcp.f32 v10;
	v61 =	vbroadcast v60, $0xF;
	_ =	sdelay $0x1  }
0xc4: {  	(erf) = vrcp.f32 v61;
	_ =	sdelay $0x6  }
0xc5: {  	v62 =	vpop (erf)  }
0xc6: {  	v6 =	vmul.f32 v62, v6  }
0xc7: {  	v7 =	vperm.xlane v7, v5;
	v63 =	vpop (erf)  }
0xc8: {  	v6 =	vperm.xlane v6, v5;
	v8 =	vmul.f32 v63, v57  }
0xc9: {  	s11 =	sshra.s32 s11, $0x2;
	v7 =	vsel vm0, v54, v7  }
0xca: {  	[tilespmem:s11+$0x2400] =	vst v7;
	v6 =	vsel vm0, v8, v6  }
0xcb: {  	[tilespmem:s11+$0x2000] =	vst v6  }
0xcc: {  	[hbm4b:s4+s2] =	stream.linear.scatter [tilespmem:s8], [sflag:$0x1], $0x400, $0x38;
	[tilespmem:$0x2800] =	vst v63  }
0xcd: {  	s10 =	sadd.s32 $0x1, s10;
	_ =	swait.ge [sflag:s7], $0x400  }
0xce: {  	p0 =	sne.s32 s10, s6;
	[sflag:s7] =	ssyncset.done $0x0  }
.Ltmp1:
0xcf: {  	[sflag:s7] =	ssyncadd.s32 $0xFFFFFC00;
	(pc) =	sbr.rel @p0 .LBB2_1-.Ltmp1, $4  }
0xd0: {  	[hbm4b:s5+s2] =	stream.linear.scatter [tilespmem:s9], [sflag:$0x1], $0x400, $0x38;
	[tilespmem:$0x2800] =	vst v63  }
0xd1: {  	_ =	swait.ge [sflag:s7], $0x400  }
0xd2: {  	[sflag:s7] =	ssyncset.done $0x0  }
0xd3: {  	[sflag:s7] =	ssyncadd.s32 $0xFFFFFC00  }
0xd4: {  	_ =	sfence.sel $0x180000  }
0xd5: {  	[bflag:$0x0] =	sbarrier.arrive $0xFFFF  }
0xd6: {  	p0 =	sne.s32 s1, $0x0;
	_ =	strace $0x9000004D  }
0xd7: {  	s0 =	sadd.s32 @!p0 $0x100000, s0;
	[bflag:$0x2] =	sbarrier.arrive $0xFFFF  }
0xd8: {  	[sflag:s0] =	ssyncadd.tile.s32 @!p0 $0x1;
	_ =	shalt  }
.Lfunc_end2:
_tile_overlayer_lowered:
.L_overlay_start_2:
0xd9: {  	(tag) =	ssettag $0x2  }
0xda: {  	s0 =	rddreg [dreg:$0x0];
	s2 =	stileid.u32  }
0xdb: {  	s1 =	rddreg [dreg:$0x1];
	p0 =	sne.s32 s2, $0x0  }
0xdc: {  	s3 =	rddreg [dreg:$0x2];
	[bflag:$0x3] =	sbarrier.arrive $0xFFFF;
	s2 =	simm.s32 @!p0 $0x1C01  }
0xdd: {  	[timem:s3], [sflag:s2] =	dma.local @!p0 [hbm:s0], s1  }
0xde: {  	s0 =	simm.s32 @!p0 $0x1  }
0xdf: {  	_ =	swait.ge @!p0 [sflag:s0], s1  }
0xe0: {  	s1 =	ssub.s32 @!p0 $0x0, s1;
	[sflag:s0] =	ssyncset.done @!p0 $0x0  }
0xe1: {  	[sflag:s0] =	ssyncadd.s32 @!p0 s1  }
0xe2: {  	[bflag:$0x3] =	sbarrier.arrive $0xFFFF  }
0xe3: {  	_ =	shalt  }

// kernel: kernel.16.cloned.1.call-start
scs
__scs_entry_jumppad:
0x0: {  	(pc) =	sbr.rel $0x88, $3  }
0x1: {  	(tag) =	ssettag $0x0;
	lr =	simm.s32 $0x1  }
0x2: {  	[smem:$0x3F9F] =	sst lr;
	_ =	strace $0xD0000000  }
0x3: {  	_ = 	snop  }
0x4: {  	_ = 	snop  }
0x5: {  	_ = 	snop  }
0x6: {  	_ = 	snop  }
0x7: {  	_ = 	snop  }
__scs_overlays_trampoline_lowered:
0x8: {  	[smem:$0x3FAE] =	sst s0  }
0x9: {  	[smem:$0x3FAF] =	sst s1  }
0xa: {  	[smem:$0x3FB0] =	sst s2  }
0xb: {  	[smem:$0x3FB1] =	sst s3  }
0xc: {  	[smem:$0x3FB2] =	sst s4  }
0xd: {  	[smem:$0x3FB3] =	sst s5  }
0xe: {  	[smem:$0x3FB4] =	sst s6  }
0xf: {  	[smem:$0x3FB5] =	sst s7  }
0x10: {  	[smem:$0x3FB6] =	sst s8  }
0x11: {  	[smem:$0x3FB7] =	sst s9;
	s0 =	simm.s32 @!p0 $0x0  }
0x12: {  	s1 =	sld [smem:$0x3F9D];
	s0 =	simm.s32 @p0 $0x1  }
0x13: {  	[smem:$0x3FB8] =	sst s0;
	s0 =	simm.s32 @!p1 $0x0  }
0x14: {  	s2 =	sld [smem:$0x3F9C];
	s0 =	simm.s32 @p1 $0x1  }
0x15: {  	[smem:$0x3FB9] =	sst s0;
	s0 =	simm.s32 @!p2 $0x0  }
0x16: {  	s3 =	sld [smem:$0x3FDB];
	s0 =	simm.s32 @p2 $0x1  }
0x17: {  	s4 =	simm.s32 $0x1BF5;
	[smem:$0x3FBB] =	sst s0  }
0x18: {  	s0 =	sld [smem:$0x3F9E];
	_ =	swait.ge [sflag:s4], $0x0  }
0x19: {  	s7 =	sld [smem:$0x3F9F]  }
0x1a: {  	s8 =	sadd.s32 $0xFFFFE003, lr  }
0x1b: {  	s9 =	sadd.s32 $0xFFFFFEF7, lr;
	s5 =	simm.s32 $0xFFFFFFFF;
	p2 =	slt.u32 s8, $0xFFFFF086  }
0x1c: {  	p1 =	slt.u32 s9, $0xF7A;
	s5 =	simm.s32 @!p2 $0x0  }
0x1d: {  	s5 =	simm.s32 @p1 $0x1;
	p0 =	seq.s32 s7, s2  }
0x1e: {  	s7 =	smul.u32 @!p0 $0xF7A, s2;
	p2 =	seq.s32 @!p0 s5, $0x0  }
0x1f: {  	s9 =	smul.u32 $0xF7A, s1;
	s8 =	simm.s32 @!p0 $0x1BF5;
	p2 =	por !p2, p0  }
0x20: {  	[sflag:s8] =	ssyncset.s32 @!p0 $0xFFFFF086;
	s6 =	sadd.s32 @!p0 s3, s7;
	s7 =	simm.s32 @!p0 $0x108  }
0x21: {  	s3 =	sadd.s32 s3, s9;
	s6 =	sadd.s32 @!p0 $0x88, s6;
	s7 =	simm.s32 @p2 $0x1082  }
0x22: {  	[simem:s7], [sflag:s8] =	dma.local @!p0 [hbm:s6], $0xF7A  }
0x23: {  	s9 =	sor.u32 $0xD0000000, s2;
	s6 =	simm.s32 $0x108;
	_ =	swait.ge @!p0 [sflag:s8], $0x0  }
0x24: {  	s3 =	sadd.s32 $0x88, s3;
	s6 =	simm.s32 @!p1 $0x1082;
	[sflag:s4] =	ssyncset.s32 $0xFFFFF086  }
0x25: {  	[simem:s6], [sflag:s4] =	dma.local [hbm:s3], $0xF7A  }
0x26: {  	[smem:$0x3F9F] =	sst s1;
	(tag) =	ssettag s2;
	_ =	strace s9  }
0x27: {  	s1 =	sld [smem:$0x3FAF]  }
0x28: {  	s2 =	sld [smem:$0x3FB0]  }
0x29: {  	s4 =	sld [smem:$0x3FB2]  }
0x2a: {  	p0 =	seq.s32 s5, $0x0;
	s5 =	sld [smem:$0x3FB3]  }
0x2b: {  	s6 =	sld [smem:$0x3FB4]  }
0x2c: {  	s7 =	sld [smem:$0x3FB5]  }
0x2d: {  	s3 =	simm.s32 $0x108;
	s8 =	sld [smem:$0x3FB6]  }
0x2e: {  	s3 =	simm.s32 @!p0 $0x1082;
	s9 =	sld [smem:$0x3FB7]  }
0x2f: {  	lr =	sadd.s32 s0, s3;
	s0 =	sld [smem:$0x3FAE]  }
0x30: {  	s3 =	sld [smem:$0x3FB1]  }
0x31: {  	[smem:$0x3FBA] =	sst s10  }
0x32: {  	s10 =	sld [smem:$0x3FB8];
	_ =	sdelay $0x3  }
0x33: {  	p0 =	seq.s32 s10, $0x1;
	s10 =	sld [smem:$0x3FBA];
	_ =	sdelay $0x3  }
0x34: {  	[smem:$0x3FBA] =	sst s10  }
0x35: {  	s10 =	sld [smem:$0x3FB9];
	_ =	sdelay $0x3  }
0x36: {  	p1 =	seq.s32 s10, $0x1;
	s10 =	sld [smem:$0x3FBA];
	_ =	sdelay $0x3  }
0x37: {  	[smem:$0x3FBA] =	sst s10  }
0x38: {  	s10 =	sld [smem:$0x3FBB]  }
0x39: {  	_ = 	snop;
	(pc) =	sbr.ind lr, $3  }
0x3a: {  	_ = 	snop  }
0x3b: {  	_ = 	snop  }
0x3c: {  	p2 =	seq.s32 s10, $0x1;
	s10 =	sld [smem:$0x3FBA]  }
0x3d: {  	_ =	shalt  }
0x3e: {  	_ =	shalt  }
0x3f: {  	_ =	shalt  }
0x40: {  	_ =	shalt  }
0x41: {  	_ =	shalt  }
0x42: {  	_ =	shalt  }
0x43: {  	_ =	shalt  }
0x44: {  	_ =	shalt  }
0x45: {  	_ =	shalt  }
0x46: {  	_ =	shalt  }
0x47: {  	_ =	shalt  }
0x48: {  	_ =	shalt  }
0x49: {  	_ =	shalt  }
0x4a: {  	_ =	shalt  }
0x4b: {  	_ =	shalt  }
0x4c: {  	_ =	shalt  }
0x4d: {  	_ =	shalt  }
0x4e: {  	_ =	shalt  }
0x4f: {  	_ =	shalt  }
0x50: {  	_ =	shalt  }
0x51: {  	_ =	shalt  }
0x52: {  	_ =	shalt  }
0x53: {  	_ =	shalt  }
0x54: {  	_ =	shalt  }
0x55: {  	_ =	shalt  }
0x56: {  	_ =	shalt  }
0x57: {  	_ =	shalt  }
0x58: {  	_ =	shalt  }
0x59: {  	_ =	shalt  }
0x5a: {  	_ =	shalt  }
0x5b: {  	_ =	shalt  }
0x5c: {  	_ =	shalt  }
0x5d: {  	_ =	shalt  }
0x5e: {  	_ =	shalt  }
0x5f: {  	_ =	shalt  }
0x60: {  	_ =	shalt  }
0x61: {  	_ =	shalt  }
0x62: {  	_ =	shalt  }
0x63: {  	_ =	shalt  }
0x64: {  	_ =	shalt  }
0x65: {  	_ =	shalt  }
0x66: {  	_ =	shalt  }
0x67: {  	_ =	shalt  }
0x68: {  	_ =	shalt  }
0x69: {  	_ =	shalt  }
0x6a: {  	_ =	shalt  }
0x6b: {  	_ =	shalt  }
0x6c: {  	_ =	shalt  }
0x6d: {  	_ =	shalt  }
0x6e: {  	_ =	shalt  }
0x6f: {  	_ =	shalt  }
0x70: {  	_ =	shalt  }
0x71: {  	_ =	shalt  }
0x72: {  	_ =	shalt  }
0x73: {  	_ =	shalt  }
0x74: {  	_ =	shalt  }
0x75: {  	_ =	shalt  }
0x76: {  	_ =	shalt  }
0x77: {  	_ =	shalt  }
0x78: {  	_ =	shalt  }
0x79: {  	_ =	shalt  }
0x7a: {  	_ =	shalt  }
0x7b: {  	_ =	shalt  }
0x7c: {  	_ =	shalt  }
0x7d: {  	_ =	shalt  }
0x7e: {  	_ =	shalt  }
0x7f: {  	_ =	shalt  }
0x80: {  	_ =	shalt  }
0x81: {  	_ =	shalt  }
0x82: {  	_ =	shalt  }
0x83: {  	_ =	shalt  }
0x84: {  	_ =	shalt  }
0x85: {  	_ =	shalt  }
0x86: {  	_ =	shalt  }
0x87: {  	_ =	shalt  }
.Lfunc_end0:
.L_simem_size_0:
called_computation.2_lowered:
.L_overlay_start_0:
0x88: {  	s2 =	sld [smem:$0x3FD9]  }
0x89: {  	s3 =	sld [smem:$0x3FFE];
	_ =	sdelay $0x1  }
0x8a: {  	s1 =	srdreg.scid  }
0x8b: {  	s0 =	sand.u32 $0x1, s1  }
0x8c: {  	s15 =	sshll.u32 s0, $0xA;
	s2 =	sadd.s32 s3, s2  }
0x8d: {  	s2 =	sadd.s32 s2, s15  }
0x8e: {  	[smem:$0x3FC6] =	sst s2  }
0x8f: {  	_ = 	snop  }
0x90: {  	s2 =	sld [smem:$0x3FD0];
	_ =	sdelay $0x2  }
0x91: {  	s4 =	simm.s32 $0xD;
	s16 =	simm.s32 $0x10  }
0x92: {  	[smem:s16], [sflag:s4] =	dma.local [hbm:s2], $0x1  }
0x93: {  	_ =	swait.eq [sflag:s4], $0x1  }
0x94: {  	[sflag:s4] =	ssyncset.done $0x0  }
0x95: {  	s17 =	sld [smem:$0x10];
	[sflag:s4] =	ssyncadd.s32 $0xFFFFFFFF  }
0x96: {  	s18 =	sld [smem:$0x11];
	(tm) =	ssettm $0x1  }
0x97: {  	s19 =	sld [smem:$0x3FFB];
	_ =	sdelay $0x3  }
0x98: {  	_ =	strace s19  }
0x99: {  	s2 =	sld [smem:$0x3FFC];
	_ =	sdelay $0x3  }
0x9a: {  	_ =	strace s2  }
0x9b: {  	s2 =	sld [smem:$0x3FFD];
	_ =	sdelay $0x3  }
0x9c: {  	_ =	strace s2  }
0x9d: {  	_ =	strace $0x8FFFFFFF  }
0x9e: {  	s20 =	sld [smem:$0x3FDB];
	_ =	sdelay $0x1  }
0x9f: {  	s5 =	simm.s32 $_scs_section_size  }
0xa0: {  	s6 =	simm.s32 $_size__tile_overlayer_lowered;
	s7 =	simm.s32 $_tile_overlayer_lowered  }
0xa1: {  	s8 =	simm.s32 $0x1BFF;
	s21 =	sshll.u32 s7, $0x1;
	s5 =	sadd.s32 s5, s20  }
0xa2: {  	s22 =	simm.s32 $0x0;
	s6 =	sshll.u32 s6, $0x1;
	s7 =	sadd.s32 s21, s5  }
0xa3: {  	[timem:s22], [sflag:s8] =	dma.local [hbm:s7], s6  }
0xa4: {  	_ =	swait.ge [sflag:s8], s6  }
0xa5: {  	s6 =	ssub.s32 $0x0, s6;
	[sflag:s8] =	ssyncset.done $0x0  }
0xa6: {  	[sflag:s8] =	ssyncadd.s32 s6;
	_ =	sdelay $0x1  }
0xa7: {  	s23 =	simm.s32 $0x1B8B  }
0xa8: {  	_ =	swait.ge [sflag:s23], $0x1  }
0xa9: {  	[sflag:s23] =	ssyncset.done $0x0  }
0xaa: {  	[sflag:s23] =	ssyncadd.s32 $0xFFFFFFFF  }
0xab: {  	s6 =	sld [smem:$0x0]  }
0xac: {  	s7 =	sand.u32 $0xFFFFFFFE, s1  }
0xad: {  	p0 =	sne.s32 s1, s7  }
0xae: {  	s7 =	sshll.u32 @p0 s7, $0xE  }
0xaf: {  	s7 =	sadd.s32 @p0 $0x11B8D, s7;
	s8 =	sshll.u32 @p0 s6, $0x11  }
0xb0: {  	s7 =	sor.u32 @p0 s8, s7  }
0xb1: {  	[sflag:s7] =	ssyncadd.remote.s32 @p0 $0x1;
	_ =	sdelay $0x1  }
0xb2: {  	s7 =	simm.s32 @p0 $0x1B8D  }
0xb3: {  	_ =	swait.eq @p0 [sflag:s7], $0x1  }
0xb4: {  	[sflag:s7] =	ssyncadd.s32 @p0 $0xFFFFFFFF  }
0xb5: {  	s8 =	sshll.u32 @!p0 s1, $0xE  }
0xb6: {  	s8 =	sor.u32 @!p0 $0x4000, s8;
	s7 =	simm.s32 @!p0 $0x1B8D  }
0xb7: {  	s6 =	sshll.u32 @!p0 s6, $0x11;
	s8 =	sadd.s32 @!p0 $0x11B8D, s8;
	_ =	swait.eq @!p0 [sflag:s7], $0x1  }
0xb8: {  	s6 =	sor.u32 @!p0 s6, s8;
	[sflag:s7] =	ssyncadd.s32 @!p0 $0xFFFFFFFF  }
0xb9: {  	s25 =	simm.s32 $0x1B8E;
	s24 =	sld [smem:$0x3FFE];
	[sflag:s6] =	ssyncadd.remote.s32 @!p0 $0x1  }
0xba: {  	s26 =	simm.s32 $execute0_lowered;
	[smem:$0x3FD2] =	sst s25  }
0xbb: {  	s7 =	sshll.u32 s26, $0x1;
	_ =	strace $0x8000004F;
	[dreg:$0x1] =	wrdreg $0xFFFFFFFF  }
0xbc: {  	s28 =	simm.s32 $_size_execute0_lowered;
	s5 =	sadd.s32 s5, s7;
	[dreg:$0x0] =	wrdreg $0x0  }
0xbd: {  	s7 =	sshll.u32 s28, $0x1;
	[dreg:$0x2] =	wrdreg s5  }
0xbe: {  	[dreg:$0x3] =	wrdreg s7  }
0xbf: {  	[dreg:$0x4] =	wrdreg $0xC0  }
0xc0: {  	_ =	task [dreg:s22], $0x5FFFF  }
0xc1: {  	[dreg:$0x1] =	wrdreg $0xFFFFFFFF  }
0xc2: {  	[dreg:$0x0] =	wrdreg $0x60  }
0xc3: {  	[dreg:$0x2] =	wrdreg s24  }
0xc4: {  	[dreg:$0x3] =	wrdreg s18  }
0xc5: {  	[dreg:$0x4] =	wrdreg s17  }
0xc6: {  	[dreg:$0x5] =	wrdreg $0xB  }
0xc7: {  	_ =	task.clear_ibuf [dreg:s22], $0x6FFFF;
	_ =	strace $0x9000004F  }
0xc8: {  	s29 =	simm.s32 $0xB;
	_ =	strace $0x80000051  }
0xc9: {  	_ =	swait.ge [sflag:s29], $0x1  }
0xca: {  	[sflag:s29] =	ssyncadd.s32 $0xFFFFFFFF  }
0xcb: {  	_ =	strace $0x90000051  }
0xcc: {  	_ =	sfence  }
0xcd: {  	s30 =	sld [smem:$0x0];
	_ =	sdelay $0x2  }
0xce: {  	s31 =	sshll.u32 s1, $0xD;
	s1 =	sshrl.u32 s1, $0x2  }
0xcf: {  	s4 =	sand.u32 $0x4000, s31;
	s1 =	sadd.s32 s1, s30  }
0xd0: {  	s0 =	sor.u32 s4, s0;
	s1 =	sshll.u32 s1, $0x11  }
0xd1: {  	s0 =	sor.u32 s1, s0  }
0xd2: {  	s0 =	sadd.s32 $0x8F2B, s0  }
0xd3: {  	[sflag:s0] =	ssyncadd.remote.s32 $0x1  }
0xd4: {  	_ =	sfence.sel $0xFFFF  }
0xd5: {  	[dreg:$0x0] =	wrdreg $0xFFFFFFFF;
	(pc) =	sbr.abs _section_cstart, $3  }
0xd6: {  	[dreg:$0x1] =	wrdreg $0xFFFFFFFF  }
0xd7: {  	_ =	task.clear_ibuf [dreg:s22], $0x2FFFF;
	_ =	strace $0x9FFFFFFF  }
0xd8: {  	(tm) =	ssettm $0x7FFFFFFF  }
0xd9: {  	_ =	shalt  }
tec
execute0_lowered:
.L_overlay_start_1:
0x0: {  	(tag) =	ssettag $0x1  }
0x1: {  	s3 =	rddreg [dreg:$0x0]  }
0x2: {  	s4 =	rddreg [dreg:$0x1]  }
0x3: {  	s5 =	rddreg [dreg:$0x2]  }
0x4: {  	s0 =	rddreg [dreg:$0x3];
	s6 =	srdreg.scid  }
0x5: {  	s1 =	stileid.u32;
	s2 =	simm.s32 $0x0;
	v0 =	vimm.s32 $0xFEDCBA98;
	s9 =	simm.s32 $0x2400  }
0x6: {  	v1 =	vimm.s32 $0x76543210;
	s10 =	simm.s32 $0x0;
	s6 =	sand.u32 $0x1, s6;
	s7 =	sshll.u32 s1, $0x1;
	v2 =	vunpack.c.l.s4.s8 v0  }
0x7: {  	[smem:$0x7FF] =	sst s2;
	v3 =	vunpack.c.l.s4.s8 v1;
	s7 =	sor.u32 s6, s7;
	s6 =	ssub.s32 $0x2, s6  }
0x8: {  	v0 =	vlaneseq.u32;
	_ =	strace $0x80000050;
	s8 =	sshll.u32 s7, $0xA;
	s31 =	sshrl.u32 s6, $0x1;
	v4 =	vunpack.c.0.s8.s32 v2  }
0x9: {  	vm0 =	vmmov $0xff;
	v5 =	vmul.u32 $0xFFFFFFFF, v0;
	s7 =	sshll.u32 s7, $0x7;
	v6 =	vunpack.c.0.s8.s32 v3;
	s3 =	sadd.s32 s8, s3;
	s6 =	ssub.s32 s6, s31  }
0xa: {  	v1 =	vor.u32 $0x10, v0;
	v2 =	vor.u32 $0x20, v0;
	s4 =	sadd.s32 s4, s7;
	s5 =	sadd.s32 s5, s7;
	s7 =	simm.s32 $0x1;
	v7 =	vand.u32 $0xF, v4  }
0xb: {  	v3 =	vor.u32 $0x30, v0;
	s8 =	simm.s32 $0x2000;
	s3 =	sadd.s32 $0x20A00, s3;
	s6 =	smax.u32 s6, $0x1;
	v4 =	vadd.s32 $0xF, v5;
	v5 =	vcombine.low v7, v6  }
.LBB2_1:
0xc: {  	[tilespmem:s2], [sflag:$0x1] =	stream.linear.gather [hbm4b:s3+s2], $0x2000, $0x38;
	[tilespmem:$0x2800] =	vst v63  }
0xd: {  	_ =	swait.ge [sflag:s7], $0x2000  }
0xe: {  	[sflag:s7] =	ssyncset.done $0x0  }
0xf: {  	s11 =	simm.s32 $0x40;
	[sflag:s7] =	ssyncadd.s32 $0xFFFFE000  }
0x10: {  	v6 =	vld [tilespmem:s11+$0x30]  }
0x11: {  	v7 =	vld [tilespmem:s11+$0x20]  }
0x12: {  	v8 =	vld [tilespmem:s11+$0x10]  }
0x13: {  	v9 =	vld [tilespmem:s11+$0xFFFFFFF0]  }
0x14: {  	v10 =	vld [tilespmem:s11+$0x0]  }
0x15: {  	(xrf1) =	vsort.dscd.msk.f32 $0xffff, v6, v3  }
0x16: {  	v11 =	vld [tilespmem:s11+$0xFFFFFFD0];
	(xrf1) =	vsort.dscd.msk.f32 $0xffff, v7, v2  }
0x17: {  	v6 =	vld [tilespmem:s11+$0xFFFFFFE0];
	(xrf1) =	vsort.dscd.msk.f32 $0xffff, v8, v1  }
0x18: {  	(xrf1) =	vsort.dscd.msk.f32 $0xffff, v9, v3  }
0x19: {  	v7 =	vld [tilespmem:s11+$0xFFFFFFC0];
	(xrf1) =	vsort.dscd.msk.f32 $0xffff, v10, v0;
	_ =	sdelay $0x1  }
0x1a: {  	(xrf1) =	vsort.dscd.msk.f32 $0xffff, v11, v1  }
0x1b: {  	(xrf1) =	vsort.dscd.msk.f32 $0xffff, v6, v2;
	_ =	sdelay $0x1  }
0x1c: {  	(xrf1) =	vsort.dscd.msk.f32 $0xffff, v7, v0;
	_ =	sdelay $0x4  }
0x1d: {  	v6, v7, _ =	vpop (xrf1)  }
0x1e: {  	v8, v51, _ =	vpop (xrf1)  }
0x1f: {  	v6 =	vperm.xlane v6, v4;
	v52, v53, _ =	vpop (xrf1)  }
0x20: {  	v7 =	vperm.xlane v7, v4;
	v11 =	vperm.xlane v53, v4;
	v12, v13, _ =	vpop (xrf1)  }
0x21: {  	v10 =	vperm.xlane v52, v4;
	v6 =	vsel vm0, v8, v6;
	v8, v54, _ =	vpop (xrf1)  }
0x22: {  	v7 =	vsel vm0, v51, v7;
	v12 =	vperm.xlane v12, v4;
	v9 =	vsel vm0, v54, v11  }
0x23: {  	v13 =	vperm.xlane v13, v4;
	(xrf1) =	vsort.dscd.msk.f32 $0xffff, v6, v7;
	v8 =	vsel vm0, v8, v10;
	v55, v14, _ =	vpop (xrf1)  }
0x24: {  	v6 =	vperm.xlane v55, v4;
	v7 =	vperm.xlane v14, v4;
	v56, v57, _ =	vpop (xrf1)  }
0x25: {  	(xrf1) =	vsort.dscd.msk.f32 $0xffff, v8, v9;
	v10 =	vsel vm0, v56, v12;
	v11 =	vsel vm0, v57, v13  }
0x26: {  	(xrf1) =	vsort.dscd.msk.f32 $0xffff, v10, v11;
	v8, v9, _ =	vpop (xrf1)  }
0x27: {  	v6 =	vsel vm0, v8, v6;
	v7 =	vsel vm0, v9, v7  }
0x28: {  	(xrf1) =	vsort.dscd.msk.f32 $0xffff, v6, v7;
	_ =	sdelay $0x8  }
0x29: {  	v6, v7, _ =	vpop (xrf1)  }
0x2a: {  	v6 =	vperm.xlane v6, v4;
	v7 =	vperm.xlane v7, v4  }
0x2b: {  	v8, v58, _ =	vpop (xrf1)  }
0x2c: {  	v6 =	vsel vm0, v8, v6;
	v7 =	vsel vm0, v58, v7;
	v10, v11, _ =	vpop (xrf1)  }
0x2d: {  	(xrf1) =	vsort.dscd.msk.f32 $0xffff, v6, v7;
	v10 =	vperm.xlane v10, v4;
	v11 =	vperm.xlane v11, v4  }
0x2e: {  	v8, v59, _ =	vpop (xrf1)  }
0x2f: {  	v6 =	vsel vm0, v8, v10;
	v7 =	vsel vm0, v59, v11  }
0x30: {  	(xrf1) =	vsort.dscd.msk.f32 $0xffff, v6, v7;
	_ =	sdelay $0xa  }
0x31: {  	v6, v8, _ =	vpop (xrf1)  }
0x32: {  	v6 =	vsub.f32 $0.0e+00, v6;
	_ =	sdelay $0x1  }
0x33: {  	v6 =	vmul.f32 $1.442695020e+00, v6;
	v7, v9, _ =	vpop (xrf1)  }
0x34: {  	v7 =	vsub.f32 $0.0e+00, v7  }
0x35: {  	(erf) = vpow2.f32 v6  }
0x36: {  	v7 =	vmul.f32 $1.442695020e+00, v7;
	_ =	sdelay $0x1  }
0x37: {  	(erf) = vpow2.f32 v7;
	_ =	sdelay $0x5  }
0x38: {  	v6 =	vpop (erf)  }
0x39: {  	v6 =	vadd.f32 $1.000000000e+00, v6;
	_ =	sdelay $0x1  }
0x3a: {  	(erf) = vrcp.f32 v6;
	v7 =	vpop (erf)  }
0x3b: {  	v7 =	vadd.f32 $1.000000000e+00, v7;
	_ =	sdelay $0x1  }
0x3c: {  	(erf) = vrcp.f32 v7;
	_ =	sdelay $0x5  }
0x3d: {  	v6 =	vpop (erf)  }
0x3e: {  	v60 =	vnsel vm0, $0x0, v6  }
0x3f: {  	(xrf2) =	vadd.scan.msk.f32 $0xffff, v60  }
0x40: {  	v7 =	vpop (erf)  }
0x41: {  	v61 =	vnsel vm0, $0x0, v7  }
0x42: {  	(xrf2) =	vadd.scan.msk.f32 $0xffff, v61;
	_ =	sdelay $0x6  }
0x43: {  	v62, _, _ =	vpop (xrf2)  }
0x44: {  	v10 =	vbroadcast v62, $0xF;
	_ =	sdelay $0x1  }
0x45: {  	v8 =	vperm.xlane v8, v5;
	(erf) = vrcp.f32 v10;
	v63, _, _ =	vpop (xrf2)  }
0x46: {  	v11 =	vbroadcast v63, $0xF  }
0x47: {  	s16 =	simm.s32 $0x0;
	s13 =	simm.s32 $0x80;
	v8 =	vsel vm0, v9, v8  }
0x48: {  	s14 =	simm.s32 $0xC0;
	s12 =	simm.s32 $0xC0;
	s11 =	simm.s32 $0x40;
	[tilespmem:s16+$0x2400] =	vst v8;
	(erf) = vrcp.f32 v11  }
.LBB2_2:
0x49: {  	_ =	sdelay $0x1  }
0x4a: {  	p0 =	sne.s32 s13, $0xFC0  }
0x4b: {  	s14 =	sadd.s32 $0x80, s14;
	s15 =	smov.u32 s13;
	s13 =	sadd.s32 $0x40, s13  }
0x4c: {  	_ = 	snop  }
0x4d: {  	v8 =	vpop (erf)  }
0x4e: {  	v6 =	vmul.f32 v8, v6;
	_ =	sdelay $0x1  }
0x4f: {  	v8 =	vpop (erf)  }
0x50: {  	v6 =	vperm.xlane v6, v5;
	v7 =	vmul.f32 v8, v7;
	_ =	sdelay $0x1  }
0x51: {  	v6 =	vsel vm0, v7, v6  }
0x52: {  	[tilespmem:s16+$0x2000] =	vst v6  }
0x53: {  	v6 =	vld [tilespmem:s12+$0x30]  }
0x54: {  	v7 =	vld [tilespmem:s12+$0x20]  }
0x55: {  	v8 =	vld [tilespmem:s12+$0x10]  }
0x56: {  	v9 =	vld [tilespmem:s12+$0xFFFFFFF0]  }
0x57: {  	v10 =	vld [tilespmem:s12+$0x0]  }
0x58: {  	v11 =	vld [tilespmem:s12+$0xFFFFFFD0];
	(xrf1) =	vsort.dscd.msk.f32 $0xffff, v6, v3  }
0x59: {  	v6 =	vld [tilespmem:s12+$0xFFFFFFE0];
	(xrf1) =	vsort.dscd.msk.f32 $0xffff, v7, v2  }
0x5a: {  	v7 =	vld [tilespmem:s12+$0xFFFFFFC0];
	(xrf1) =	vsort.dscd.msk.f32 $0xffff, v8, v1;
	s12 =	smov.u32 s14  }
0x5b: {  	(xrf1) =	vsort.dscd.msk.f32 $0xffff, v9, v3  }
0x5c: {  	(xrf1) =	vsort.dscd.msk.f32 $0xffff, v10, v0  }
0x5d: {  	(xrf1) =	vsort.dscd.msk.f32 $0xffff, v11, v1  }
0x5e: {  	(xrf1) =	vsort.dscd.msk.f32 $0xffff, v6, v2  }
0x5f: {  	(xrf1) =	vsort.dscd.msk.f32 $0xffff, v7, v0;
	_ =	sdelay $0x6  }
0x60: {  	v6, v7, _ =	vpop (xrf1)  }
0x61: {  	v8, v9, _ =	vpop (xrf1)  }
0x62: {  	v6 =	vperm.xlane v6, v4;
	v7 =	vperm.xlane v7, v4;
	v10, v11, _ =	vpop (xrf1)  }
0x63: {  	v15 =	vperm.xlane v10, v4;
	v16 =	vperm.xlane v11, v4;
	v12, v13, _ =	vpop (xrf1)  }
0x64: {  	v6 =	vsel vm0, v8, v6;
	v7 =	vsel vm0, v9, v7;
	v18 =	vperm.xlane v12, v4;
	v8, v9, _ =	vpop (xrf1)  }
0x65: {  	v17 =	vperm.xlane v13, v4;
	v8 =	vsel vm0, v8, v15;
	v10, v14, _ =	vpop (xrf1);
	(xrf1) =	vsort.dscd.msk.f32 $0xffff, v6, v7  }
0x66: {  	v9 =	vsel vm0, v9, v16;
	v6 =	vperm.xlane v10, v4;
	v7 =	vperm.xlane v14, v4;
	v10, v11, _ =	vpop (xrf1)  }
0x67: {  	v10 =	vsel vm0, v10, v18;
	v11 =	vsel vm0, v11, v17;
	v12, v13, _ =	vpop (xrf1);
	(xrf1) =	vsort.dscd.msk.f32 $0xffff, v8, v9  }
0x68: {  	v6 =	vsel vm0, v12, v6;
	v7 =	vsel vm0, v13, v7;
	(xrf1) =	vsort.dscd.msk.f32 $0xffff, v10, v11  }
0x69: {  	(xrf1) =	vsort.dscd.msk.f32 $0xffff, v6, v7;
	_ =	sdelay $0x9  }
0x6a: {  	v6, v7, _ =	vpop (xrf1)  }
0x6b: {  	v6 =	vperm.xlane v6, v4;
	v7 =	vperm.xlane v7, v4  }
0x6c: {  	v8, v9, _ =	vpop (xrf1)  }
0x6d: {  	v6 =	vsel vm0, v8, v6;
	v7 =	vsel vm0, v9, v7;
	v8, v9, _ =	vpop (xrf1)  }
0x6e: {  	v8 =	vperm.xlane v8, v4;
	v9 =	vperm.xlane v9, v4;
	v10, v11, _ =	vpop (xrf1);
	(xrf1) =	vsort.dscd.msk.f32 $0xffff, v6, v7;
	_ =	sdelay $0x1  }
0x6f: {  	v6 =	vsel vm0, v10, v8;
	v7 =	vsel vm0, v11, v9  }
0x70: {  	(xrf1) =	vsort.dscd.msk.f32 $0xffff, v6, v7;
	_ =	sdelay $0xa  }
0x71: {  	v6, v7, _ =	vpop (xrf1)  }
0x72: {  	v6 =	vsub.f32 $0.0e+00, v6  }
0x73: {  	v7 =	vperm.xlane v7, v5  }
0x74: {  	v6 =	vmul.f32 $1.442695020e+00, v6;
	v8, v9, _ =	vpop (xrf1)  }
0x75: {  	s16 =	sshra.s32 s11, $0x2;
	s11 =	smov.u32 s15;
	v8 =	vsub.f32 $0.0e+00, v8;
	v7 =	vsel vm0, v9, v7  }
0x76: {  	[tilespmem:s16+$0x2400] =	vst v7;
	(erf) = vpow2.f32 v6  }
0x77: {  	v6 =	vmul.f32 $1.442695020e+00, v8;
	_ =	sdelay $0x1  }
0x78: {  	(erf) = vpow2.f32 v6;
	_ =	sdelay $0x5  }
0x79: {  	v6 =	vpop (erf)  }
0x7a: {  	v6 =	vadd.f32 $1.000000000e+00, v6;
	_ =	sdelay $0x1  }
0x7b: {  	v7 =	vpop (erf);
	(erf) = vrcp.f32 v6  }
0x7c: {  	v6 =	vadd.f32 $1.000000000e+00, v7;
	_ =	sdelay $0x1  }
0x7d: {  	(erf) = vrcp.f32 v6;
	_ =	sdelay $0x5  }
0x7e: {  	v6 =	vpop (erf)  }
0x7f: {  	v8 =	vnsel vm0, $0x0, v6  }
0x80: {  	(xrf2) =	vadd.scan.msk.f32 $0xffff, v8  }
0x81: {  	v7 =	vpop (erf)  }
0x82: {  	v8 =	vnsel vm0, $0x0, v7  }
0x83: {  	(xrf2) =	vadd.scan.msk.f32 $0xffff, v8;
	_ =	sdelay $0x6  }
0x84: {  	v8, _, _ =	vpop (xrf2)  }
0x85: {  	v8 =	vbroadcast v8, $0xF  }
.Ltmp0:
0x86: {  	(pc) =	sbr.rel @p0 .LBB2_2-.Ltmp0, $3  }
0x87: {  	v9, _, _ =	vpop (xrf2);
	(erf) = vrcp.f32 v8  }
0x88: {  	v8 =	vbroadcast v9, $0xF;
	_ =	sdelay $0x1  }
0x89: {  	(erf) = vrcp.f32 v8  }
0x8a: {  	_ =	sdelay $0x5  }
0x8b: {  	v8 =	vpop (erf)  }
0x8c: {  	v6 =	vmul.f32 v8, v6  }
0x8d: {  	v36 =	vpop (erf)  }
0x8e: {  	v6 =	vperm.xlane v6, v5;
	v7 =	vmul.f32 v36, v7;
	_ =	sdelay $0x1  }
0x8f: {  	v6 =	vsel vm0, v7, v6  }
0x90: {  	[tilespmem:s16+$0x2000] =	vst v6  }
0x91: {  	v6 =	vld [tilespmem:s12+$0x30]  }
0x92: {  	v7 =	vld [tilespmem:s12+$0x20]  }
0x93: {  	v37 =	vld [tilespmem:s12+$0x10]  }
0x94: {  	v9 =	vld [tilespmem:s12+$0xFFFFFFF0]  }
0x95: {  	v10 =	vld [tilespmem:s12+$0x0]  }
0x96: {  	(xrf1) =	vsort.dscd.msk.f32 $0xffff, v6, v3  }
0x97: {  	v11 =	vld [tilespmem:s12+$0xFFFFFFD0];
	(xrf1) =	vsort.dscd.msk.f32 $0xffff, v7, v2  }
0x98: {  	v6 =	vld [tilespmem:s12+$0xFFFFFFE0];
	(xrf1) =	vsort.dscd.msk.f32 $0xffff, v37, v1  }
0x99: {  	(xrf1) =	vsort.dscd.msk.f32 $0xffff, v9, v3  }
0x9a: {  	v7 =	vld [tilespmem:s12+$0xFFFFFFC0];
	(xrf1) =	vsort.dscd.msk.f32 $0xffff, v10, v0;
	_ =	sdelay $0x1  }
0x9b: {  	(xrf1) =	vsort.dscd.msk.f32 $0xffff, v11, v1  }
0x9c: {  	(xrf1) =	vsort.dscd.msk.f32 $0xffff, v6, v2;
	_ =	sdelay $0x1  }
0x9d: {  	(xrf1) =	vsort.dscd.msk.f32 $0xffff, v7, v0;
	_ =	sdelay $0x4  }
0x9e: {  	v6, v7, _ =	vpop (xrf1)  }
0x9f: {  	v38, v39, _ =	vpop (xrf1)  }
0xa0: {  	v6 =	vperm.xlane v6, v4;
	v40, v41, _ =	vpop (xrf1)  }
0xa1: {  	v7 =	vperm.xlane v7, v4;
	v11 =	vperm.xlane v41, v4;
	v12, v13, _ =	vpop (xrf1)  }
0xa2: {  	v10 =	vperm.xlane v40, v4;
	v6 =	vsel vm0, v38, v6;
	v42, v43, _ =	vpop (xrf1)  }
0xa3: {  	v7 =	vsel vm0, v39, v7;
	v12 =	vperm.xlane v12, v4;
	v9 =	vsel vm0, v43, v11  }
0xa4: {  	v13 =	vperm.xlane v13, v4;
	(xrf1) =	vsort.dscd.msk.f32 $0xffff, v6, v7;
	v8 =	vsel vm0, v42, v10;
	v44, v14, _ =	vpop (xrf1)  }
0xa5: {  	v6 =	vperm.xlane v44, v4;
	v7 =	vperm.xlane v14, v4;
	v45, v46, _ =	vpop (xrf1)  }
0xa6: {  	(xrf1) =	vsort.dscd.msk.f32 $0xffff, v8, v9;
	v10 =	vsel vm0, v45, v12;
	v11 =	vsel vm0, v46, v13  }
0xa7: {  	(xrf1) =	vsort.dscd.msk.f32 $0xffff, v10, v11;
	v8, v9, _ =	vpop (xrf1)  }
0xa8: {  	v6 =	vsel vm0, v8, v6;
	v7 =	vsel vm0, v9, v7  }
0xa9: {  	(xrf1) =	vsort.dscd.msk.f32 $0xffff, v6, v7;
	_ =	sdelay $0x8  }
0xaa: {  	v6, v7, _ =	vpop (xrf1)  }
0xab: {  	v6 =	vperm.xlane v6, v4  }
0xac: {  	v7 =	vperm.xlane v7, v4;
	v47, v48, _ =	vpop (xrf1)  }
0xad: {  	v6 =	vsel vm0, v47, v6;
	v49, v10, _ =	vpop (xrf1)  }
0xae: {  	v7 =	vsel vm0, v48, v7;
	v8 =	vperm.xlane v49, v4;
	v50 =	vperm.xlane v10, v4  }
0xaf: {  	(xrf1) =	vsort.dscd.msk.f32 $0xffff, v6, v7;
	v52, v51, _ =	vpop (xrf1)  }
0xb0: {  	v6 =	vsel vm0, v52, v8;
	v7 =	vsel vm0, v51, v50  }
0xb1: {  	(xrf1) =	vsort.dscd.msk.f32 $0xffff, v6, v7;
	_ =	sdelay $0xb  }
0xb2: {  	v6, v7, _ =	vpop (xrf1)  }
0xb3: {  	v6 =	vsub.f32 $0.0e+00, v6  }
0xb4: {  	v53, v54, _ =	vpop (xrf1)  }
0xb5: {  	v6 =	vmul.f32 $1.442695020e+00, v6;
	v8 =	vsub.f32 $0.0e+00, v53;
	_ =	sdelay $0x1  }
0xb6: {  	(erf) = vpow2.f32 v6;
	v6 =	vmul.f32 $1.442695020e+00, v8;
	_ =	sdelay $0x1  }
0xb7: {  	(erf) = vpow2.f32 v6;
	_ =	sdelay $0x6  }
0xb8: {  	v6 =	vpop (erf)  }
0xb9: {  	v6 =	vadd.f32 $1.000000000e+00, v6  }
0xba: {  	v55 =	vpop (erf)  }
0xbb: {  	(erf) = vrcp.f32 v6;
	v6 =	vadd.f32 $1.000000000e+00, v55;
	_ =	sdelay $0x1  }
0xbc: {  	(erf) = vrcp.f32 v6;
	_ =	sdelay $0x6  }
0xbd: {  	v6 =	vpop (erf)  }
0xbe: {  	v56 =	vnsel vm0, $0x0, v6  }
0xbf: {  	(xrf2) =	vadd.scan.msk.f32 $0xffff, v56;
	v57 =	vpop (erf)  }
0xc0: {  	v58 =	vnsel vm0, $0x0, v57  }
0xc1: {  	(xrf2) =	vadd.scan.msk.f32 $0xffff, v58;
	_ =	sdelay $0x7  }
0xc2: {  	v59, _, _ =	vpop (xrf2)  }
0xc3: {  	v10 =	vbroadcast v59, $0xF  }
0xc4: {  	v60, _, _ =	vpop (xrf2)  }
0xc5: {  	(erf) = vrcp.f32 v10;
	v61 =	vbroadcast v60, $0xF;
	_ =	sdelay $0x1  }
0xc6: {  	(erf) = vrcp.f32 v61;
	_ =	sdelay $0x6  }
0xc7: {  	v62 =	vpop (erf)  }
0xc8: {  	v6 =	vmul.f32 v62, v6  }
0xc9: {  	v7 =	vperm.xlane v7, v5;
	v63 =	vpop (erf)  }
0xca: {  	v6 =	vperm.xlane v6, v5;
	v8 =	vmul.f32 v63, v57  }
0xcb: {  	s11 =	sshra.s32 s11, $0x2;
	v7 =	vsel vm0, v54, v7  }
0xcc: {  	[tilespmem:s11+$0x2400] =	vst v7;
	v6 =	vsel vm0, v8, v6  }
0xcd: {  	[tilespmem:s11+$0x2000] =	vst v6  }
0xce: {  	[hbm4b:s4+s2] =	stream.linear.scatter [tilespmem:s8], [sflag:$0x1], $0x400, $0x38;
	[tilespmem:$0x2800] =	vst v63  }
0xcf: {  	s10 =	sadd.s32 $0x1, s10;
	_ =	swait.ge [sflag:s7], $0x400  }
0xd0: {  	p0 =	sne.s32 s10, s6;
	[sflag:s7] =	ssyncset.done $0x0  }
.Ltmp1:
0xd1: {  	[sflag:s7] =	ssyncadd.s32 $0xFFFFFC00;
	(pc) =	sbr.rel @p0 .LBB2_1-.Ltmp1, $4  }
0xd2: {  	[hbm4b:s5+s2] =	stream.linear.scatter [tilespmem:s9], [sflag:$0x1], $0x400, $0x38;
	[tilespmem:$0x2800] =	vst v63  }
0xd3: {  	_ =	swait.ge [sflag:s7], $0x400  }
0xd4: {  	[sflag:s7] =	ssyncset.done $0x0  }
0xd5: {  	[sflag:s7] =	ssyncadd.s32 $0xFFFFFC00  }
0xd6: {  	_ =	sfence.sel $0x180000  }
0xd7: {  	[bflag:$0x0] =	sbarrier.arrive $0xFFFF  }
0xd8: {  	p0 =	sne.s32 s1, $0x0;
	_ =	strace $0x90000050  }
0xd9: {  	s0 =	sadd.s32 @!p0 $0x100000, s0;
	[bflag:$0x2] =	sbarrier.arrive $0xFFFF  }
0xda: {  	[sflag:s0] =	ssyncadd.tile.s32 @!p0 $0x1;
	_ =	shalt  }
.Lfunc_end2:
_tile_overlayer_lowered:
.L_overlay_start_2:
0xdb: {  	(tag) =	ssettag $0x2  }
0xdc: {  	s0 =	rddreg [dreg:$0x0];
	s2 =	stileid.u32  }
0xdd: {  	s1 =	rddreg [dreg:$0x1];
	p0 =	sne.s32 s2, $0x0  }
0xde: {  	s3 =	rddreg [dreg:$0x2];
	[bflag:$0x3] =	sbarrier.arrive $0xFFFF;
	s2 =	simm.s32 @!p0 $0x1C01  }
0xdf: {  	[timem:s3], [sflag:s2] =	dma.local @!p0 [hbm:s0], s1  }
0xe0: {  	s0 =	simm.s32 @!p0 $0x1  }
0xe1: {  	_ =	swait.ge @!p0 [sflag:s0], s1  }
0xe2: {  	s1 =	ssub.s32 @!p0 $0x0, s1;
	[sflag:s0] =	ssyncset.done @!p0 $0x0  }
0xe3: {  	[sflag:s0] =	ssyncadd.s32 @!p0 s1  }
0xe4: {  	[bflag:$0x3] =	sbarrier.arrive $0xFFFF  }
0xe5: {  	_ =	shalt  }

// kernel: kernel.19.cloned.1.call-start
scs
__scs_entry_jumppad:
0x0: {  	(pc) =	sbr.rel $0x88, $3  }
0x1: {  	(tag) =	ssettag $0x0;
	lr =	simm.s32 $0x1  }
0x2: {  	[smem:$0x3F9F] =	sst lr;
	_ =	strace $0xD0000000  }
0x3: {  	_ = 	snop  }
0x4: {  	_ = 	snop  }
0x5: {  	_ = 	snop  }
0x6: {  	_ = 	snop  }
0x7: {  	_ = 	snop  }
__scs_overlays_trampoline_lowered:
0x8: {  	[smem:$0x3FAE] =	sst s0  }
0x9: {  	[smem:$0x3FAF] =	sst s1  }
0xa: {  	[smem:$0x3FB0] =	sst s2  }
0xb: {  	[smem:$0x3FB1] =	sst s3  }
0xc: {  	[smem:$0x3FB2] =	sst s4  }
0xd: {  	[smem:$0x3FB3] =	sst s5  }
0xe: {  	[smem:$0x3FB4] =	sst s6  }
0xf: {  	[smem:$0x3FB5] =	sst s7  }
0x10: {  	[smem:$0x3FB6] =	sst s8  }
0x11: {  	[smem:$0x3FB7] =	sst s9;
	s0 =	simm.s32 @!p0 $0x0  }
0x12: {  	s1 =	sld [smem:$0x3F9D];
	s0 =	simm.s32 @p0 $0x1  }
0x13: {  	[smem:$0x3FB8] =	sst s0;
	s0 =	simm.s32 @!p1 $0x0  }
0x14: {  	s2 =	sld [smem:$0x3F9C];
	s0 =	simm.s32 @p1 $0x1  }
0x15: {  	[smem:$0x3FB9] =	sst s0;
	s0 =	simm.s32 @!p2 $0x0  }
0x16: {  	s3 =	sld [smem:$0x3FDB];
	s0 =	simm.s32 @p2 $0x1  }
0x17: {  	s4 =	simm.s32 $0x1BF5;
	[smem:$0x3FBB] =	sst s0  }
0x18: {  	s0 =	sld [smem:$0x3F9E];
	_ =	swait.ge [sflag:s4], $0x0  }
0x19: {  	s7 =	sld [smem:$0x3F9F]  }
0x1a: {  	s8 =	sadd.s32 $0xFFFFE003, lr  }
0x1b: {  	s9 =	sadd.s32 $0xFFFFFEF7, lr;
	s5 =	simm.s32 $0xFFFFFFFF;
	p2 =	slt.u32 s8, $0xFFFFF086  }
0x1c: {  	p1 =	slt.u32 s9, $0xF7A;
	s5 =	simm.s32 @!p2 $0x0  }
0x1d: {  	s5 =	simm.s32 @p1 $0x1;
	p0 =	seq.s32 s7, s2  }
0x1e: {  	s7 =	smul.u32 @!p0 $0xF7A, s2;
	p2 =	seq.s32 @!p0 s5, $0x0  }
0x1f: {  	s9 =	smul.u32 $0xF7A, s1;
	s8 =	simm.s32 @!p0 $0x1BF5;
	p2 =	por !p2, p0  }
0x20: {  	[sflag:s8] =	ssyncset.s32 @!p0 $0xFFFFF086;
	s6 =	sadd.s32 @!p0 s3, s7;
	s7 =	simm.s32 @!p0 $0x108  }
0x21: {  	s3 =	sadd.s32 s3, s9;
	s6 =	sadd.s32 @!p0 $0x88, s6;
	s7 =	simm.s32 @p2 $0x1082  }
0x22: {  	[simem:s7], [sflag:s8] =	dma.local @!p0 [hbm:s6], $0xF7A  }
0x23: {  	s9 =	sor.u32 $0xD0000000, s2;
	s6 =	simm.s32 $0x108;
	_ =	swait.ge @!p0 [sflag:s8], $0x0  }
0x24: {  	s3 =	sadd.s32 $0x88, s3;
	s6 =	simm.s32 @!p1 $0x1082;
	[sflag:s4] =	ssyncset.s32 $0xFFFFF086  }
0x25: {  	[simem:s6], [sflag:s4] =	dma.local [hbm:s3], $0xF7A  }
0x26: {  	[smem:$0x3F9F] =	sst s1;
	(tag) =	ssettag s2;
	_ =	strace s9  }
0x27: {  	s1 =	sld [smem:$0x3FAF]  }
0x28: {  	s2 =	sld [smem:$0x3FB0]  }
0x29: {  	s4 =	sld [smem:$0x3FB2]  }
0x2a: {  	p0 =	seq.s32 s5, $0x0;
	s5 =	sld [smem:$0x3FB3]  }
0x2b: {  	s6 =	sld [smem:$0x3FB4]  }
0x2c: {  	s7 =	sld [smem:$0x3FB5]  }
0x2d: {  	s3 =	simm.s32 $0x108;
	s8 =	sld [smem:$0x3FB6]  }
0x2e: {  	s3 =	simm.s32 @!p0 $0x1082;
	s9 =	sld [smem:$0x3FB7]  }
0x2f: {  	lr =	sadd.s32 s0, s3;
	s0 =	sld [smem:$0x3FAE]  }
0x30: {  	s3 =	sld [smem:$0x3FB1]  }
0x31: {  	[smem:$0x3FBA] =	sst s10  }
0x32: {  	s10 =	sld [smem:$0x3FB8];
	_ =	sdelay $0x3  }
0x33: {  	p0 =	seq.s32 s10, $0x1;
	s10 =	sld [smem:$0x3FBA];
	_ =	sdelay $0x3  }
0x34: {  	[smem:$0x3FBA] =	sst s10  }
0x35: {  	s10 =	sld [smem:$0x3FB9];
	_ =	sdelay $0x3  }
0x36: {  	p1 =	seq.s32 s10, $0x1;
	s10 =	sld [smem:$0x3FBA];
	_ =	sdelay $0x3  }
0x37: {  	[smem:$0x3FBA] =	sst s10  }
0x38: {  	s10 =	sld [smem:$0x3FBB]  }
0x39: {  	_ = 	snop;
	(pc) =	sbr.ind lr, $3  }
0x3a: {  	_ = 	snop  }
0x3b: {  	_ = 	snop  }
0x3c: {  	p2 =	seq.s32 s10, $0x1;
	s10 =	sld [smem:$0x3FBA]  }
0x3d: {  	_ =	shalt  }
0x3e: {  	_ =	shalt  }
0x3f: {  	_ =	shalt  }
0x40: {  	_ =	shalt  }
0x41: {  	_ =	shalt  }
0x42: {  	_ =	shalt  }
0x43: {  	_ =	shalt  }
0x44: {  	_ =	shalt  }
0x45: {  	_ =	shalt  }
0x46: {  	_ =	shalt  }
0x47: {  	_ =	shalt  }
0x48: {  	_ =	shalt  }
0x49: {  	_ =	shalt  }
0x4a: {  	_ =	shalt  }
0x4b: {  	_ =	shalt  }
0x4c: {  	_ =	shalt  }
0x4d: {  	_ =	shalt  }
0x4e: {  	_ =	shalt  }
0x4f: {  	_ =	shalt  }
0x50: {  	_ =	shalt  }
0x51: {  	_ =	shalt  }
0x52: {  	_ =	shalt  }
0x53: {  	_ =	shalt  }
0x54: {  	_ =	shalt  }
0x55: {  	_ =	shalt  }
0x56: {  	_ =	shalt  }
0x57: {  	_ =	shalt  }
0x58: {  	_ =	shalt  }
0x59: {  	_ =	shalt  }
0x5a: {  	_ =	shalt  }
0x5b: {  	_ =	shalt  }
0x5c: {  	_ =	shalt  }
0x5d: {  	_ =	shalt  }
0x5e: {  	_ =	shalt  }
0x5f: {  	_ =	shalt  }
0x60: {  	_ =	shalt  }
0x61: {  	_ =	shalt  }
0x62: {  	_ =	shalt  }
0x63: {  	_ =	shalt  }
0x64: {  	_ =	shalt  }
0x65: {  	_ =	shalt  }
0x66: {  	_ =	shalt  }
0x67: {  	_ =	shalt  }
0x68: {  	_ =	shalt  }
0x69: {  	_ =	shalt  }
0x6a: {  	_ =	shalt  }
0x6b: {  	_ =	shalt  }
0x6c: {  	_ =	shalt  }
0x6d: {  	_ =	shalt  }
0x6e: {  	_ =	shalt  }
0x6f: {  	_ =	shalt  }
0x70: {  	_ =	shalt  }
0x71: {  	_ =	shalt  }
0x72: {  	_ =	shalt  }
0x73: {  	_ =	shalt  }
0x74: {  	_ =	shalt  }
0x75: {  	_ =	shalt  }
0x76: {  	_ =	shalt  }
0x77: {  	_ =	shalt  }
0x78: {  	_ =	shalt  }
0x79: {  	_ =	shalt  }
0x7a: {  	_ =	shalt  }
0x7b: {  	_ =	shalt  }
0x7c: {  	_ =	shalt  }
0x7d: {  	_ =	shalt  }
0x7e: {  	_ =	shalt  }
0x7f: {  	_ =	shalt  }
0x80: {  	_ =	shalt  }
0x81: {  	_ =	shalt  }
0x82: {  	_ =	shalt  }
0x83: {  	_ =	shalt  }
0x84: {  	_ =	shalt  }
0x85: {  	_ =	shalt  }
0x86: {  	_ =	shalt  }
0x87: {  	_ =	shalt  }
.Lfunc_end0:
.L_simem_size_0:
called_computation.3_lowered:
.L_overlay_start_0:
0x88: {  	s2 =	sld [smem:$0x3FD9]  }
0x89: {  	s3 =	sld [smem:$0x3FFE];
	_ =	sdelay $0x1  }
0x8a: {  	s1 =	srdreg.scid  }
0x8b: {  	s0 =	sand.u32 $0x1, s1  }
0x8c: {  	s17 =	sshll.u32 s0, $0xA;
	s2 =	sadd.s32 s3, s2  }
0x8d: {  	s2 =	sadd.s32 s2, s17  }
0x8e: {  	[smem:$0x3FC6] =	sst s2  }
0x8f: {  	_ = 	snop  }
0x90: {  	(tm) =	ssettm $0x1  }
0x91: {  	s18 =	sld [smem:$0x3FFB];
	_ =	sdelay $0x3  }
0x92: {  	_ =	strace s18  }
0x93: {  	s2 =	sld [smem:$0x3FFC];
	_ =	sdelay $0x3  }
0x94: {  	_ =	strace s2  }
0x95: {  	s2 =	sld [smem:$0x3FFD];
	_ =	sdelay $0x3  }
0x96: {  	_ =	strace s2  }
0x97: {  	_ =	strace $0x8FFFFFFF  }
0x98: {  	s19 =	sld [smem:$0x3FDB];
	_ =	sdelay $0x1  }
0x99: {  	s20 =	simm.s32 $_scs_section_size  }
0x9a: {  	s4 =	simm.s32 $_size__tile_overlayer_lowered;
	s5 =	simm.s32 $_tile_overlayer_lowered  }
0x9b: {  	s6 =	simm.s32 $0x1BFF;
	s21 =	sshll.u32 s5, $0x1;
	s3 =	sadd.s32 s20, s19  }
0x9c: {  	s22 =	simm.s32 $0x0;
	s4 =	sshll.u32 s4, $0x1;
	s5 =	sadd.s32 s21, s3  }
0x9d: {  	[timem:s22], [sflag:s6] =	dma.local [hbm:s5], s4  }
0x9e: {  	_ =	swait.ge [sflag:s6], s4  }
0x9f: {  	s4 =	ssub.s32 $0x0, s4;
	[sflag:s6] =	ssyncset.done $0x0  }
0xa0: {  	[sflag:s6] =	ssyncadd.s32 s4;
	_ =	sdelay $0x1  }
0xa1: {  	s23 =	simm.s32 $0x1B8B  }
0xa2: {  	_ =	swait.ge [sflag:s23], $0x1  }
0xa3: {  	[sflag:s23] =	ssyncset.done $0x0  }
0xa4: {  	[sflag:s23] =	ssyncadd.s32 $0xFFFFFFFF  }
0xa5: {  	s4 =	sld [smem:$0x0]  }
0xa6: {  	s5 =	sand.u32 $0xFFFFFFFE, s1  }
0xa7: {  	p0 =	sne.s32 s1, s5  }
0xa8: {  	s5 =	sshll.u32 @p0 s5, $0xE  }
0xa9: {  	s5 =	sadd.s32 @p0 $0x11B8D, s5;
	s6 =	sshll.u32 @p0 s4, $0x11  }
0xaa: {  	s5 =	sor.u32 @p0 s6, s5  }
0xab: {  	[sflag:s5] =	ssyncadd.remote.s32 @p0 $0x1;
	_ =	sdelay $0x1  }
0xac: {  	s5 =	simm.s32 @p0 $0x1B8D  }
0xad: {  	_ =	swait.eq @p0 [sflag:s5], $0x1  }
0xae: {  	[sflag:s5] =	ssyncadd.s32 @p0 $0xFFFFFFFF  }
0xaf: {  	s6 =	sshll.u32 @!p0 s1, $0xE  }
0xb0: {  	s6 =	sor.u32 @!p0 $0x4000, s6;
	s5 =	simm.s32 @!p0 $0x1B8D  }
0xb1: {  	s4 =	sshll.u32 @!p0 s4, $0x11;
	s6 =	sadd.s32 @!p0 $0x11B8D, s6;
	_ =	swait.eq @!p0 [sflag:s5], $0x1  }
0xb2: {  	s4 =	sor.u32 @!p0 s4, s6;
	[sflag:s5] =	ssyncadd.s32 @!p0 $0xFFFFFFFF  }
0xb3: {  	s25 =	simm.s32 $0x1B8E;
	s24 =	sld [smem:$0x3FFE];
	[sflag:s4] =	ssyncadd.remote.s32 @!p0 $0x1  }
0xb4: {  	s26 =	simm.s32 $execute0_lowered;
	[smem:$0x3FD2] =	sst s25  }
0xb5: {  	s5 =	sshll.u32 s26, $0x1;
	_ =	strace $0x80000049;
	[dreg:$0x1] =	wrdreg $0xFFFFFFFF  }
0xb6: {  	s28 =	simm.s32 $_size_execute0_lowered;
	s3 =	sadd.s32 s3, s5;
	[dreg:$0x0] =	wrdreg $0x0  }
0xb7: {  	s5 =	sshll.u32 s28, $0x1;
	[dreg:$0x2] =	wrdreg s3  }
0xb8: {  	[dreg:$0x3] =	wrdreg s5  }
0xb9: {  	[dreg:$0x4] =	wrdreg $0xC0  }
0xba: {  	_ =	task [dreg:s22], $0x5FFFF  }
0xbb: {  	[dreg:$0x1] =	wrdreg $0xFFFFFFFF  }
0xbc: {  	[dreg:$0x0] =	wrdreg $0x60  }
0xbd: {  	[dreg:$0x2] =	wrdreg s24  }
0xbe: {  	[dreg:$0x3] =	wrdreg $0xC  }
0xbf: {  	_ =	task.clear_ibuf [dreg:s22], $0x4FFFF;
	_ =	strace $0x90000049  }
0xc0: {  	s29 =	simm.s32 $0xC;
	_ =	strace $0x8000004B  }
0xc1: {  	_ =	swait.ge [sflag:s29], $0x1  }
0xc2: {  	[sflag:s29] =	ssyncadd.s32 $0xFFFFFFFF  }
0xc3: {  	_ =	strace $0x9000004B  }
0xc4: {  	_ =	sfence  }
0xc5: {  	s30 =	sld [smem:$0x0];
	_ =	sdelay $0x2  }
0xc6: {  	s31 =	sshll.u32 s1, $0xD;
	s1 =	sshrl.u32 s1, $0x2  }
0xc7: {  	s4 =	sand.u32 $0x4000, s31;
	s1 =	sadd.s32 s1, s30  }
0xc8: {  	s0 =	sor.u32 s4, s0;
	s1 =	sshll.u32 s1, $0x11  }
0xc9: {  	s0 =	sor.u32 s1, s0  }
0xca: {  	s0 =	sadd.s32 $0x8F2B, s0  }
0xcb: {  	[sflag:s0] =	ssyncadd.remote.s32 $0x1  }
0xcc: {  	_ =	sfence.sel $0xFFFF  }
0xcd: {  	[dreg:$0x0] =	wrdreg $0xFFFFFFFF;
	(pc) =	sbr.abs _section_cstart, $3  }
0xce: {  	[dreg:$0x1] =	wrdreg $0xFFFFFFFF  }
0xcf: {  	_ =	task.clear_ibuf [dreg:s22], $0x2FFFF;
	_ =	strace $0x9FFFFFFF  }
0xd0: {  	(tm) =	ssettm $0x7FFFFFFF  }
0xd1: {  	_ =	shalt  }
tec
execute0_lowered:
.L_overlay_start_1:
0x0: {  	(tag) =	ssettag $0x1  }
0x1: {  	s3 =	rddreg [dreg:$0x0]  }
0x2: {  	s0 =	rddreg [dreg:$0x1];
	s2 =	simm.s32 $0x0;
	s4 =	srdreg.scid  }
0x3: {  	s1 =	stileid.u32;
	v0 =	vimm.s32 $0xFEDCBA98;
	s8 =	simm.s32 $0x2000;
	s9 =	simm.s32 $0x2400  }
0x4: {  	v1 =	vimm.s32 $0x76543210;
	[smem:$0x7FF] =	sst s2;
	s4 =	sand.u32 $0x1, s4;
	s5 =	sshll.u32 s1, $0x1;
	v2 =	vunpack.c.l.s4.s8 v0  }
0x5: {  	s10 =	simm.s32 $0x0;
	v3 =	vunpack.c.l.s4.s8 v1;
	_ =	strace $0x8000004A;
	s5 =	sor.u32 s4, s5  }
0x6: {  	v0 =	vlaneseq.u32;
	s4 =	ssub.s32 $0x2, s4;
	s6 =	sshll.u32 s5, $0xA;
	s5 =	sshll.u32 s5, $0x7;
	v4 =	vunpack.c.0.s8.s32 v2  }
0x7: {  	vm0 =	vmmov $0xff;
	v5 =	vmul.u32 $0xFFFFFFFF, v0;
	s31 =	sshrl.u32 s4, $0x1;
	v6 =	vunpack.c.0.s8.s32 v3;
	s6 =	sadd.s32 s6, s3;
	s5 =	sadd.s32 s5, s3  }
0x8: {  	v1 =	vor.u32 $0x10, v0;
	v2 =	vor.u32 $0x20, v0;
	s7 =	ssub.s32 s4, s31;
	s3 =	sadd.s32 $0xCA00, s6;
	s4 =	sadd.s32 $0x14A00, s5;
	v7 =	vand.u32 $0xF, v4  }
0x9: {  	v3 =	vor.u32 $0x30, v0;
	s5 =	sadd.s32 $0x15A00, s5;
	s6 =	smax.u32 s7, $0x1;
	s7 =	simm.s32 $0x1;
	v4 =	vadd.s32 $0xF, v5;
	v5 =	vcombine.low v7, v6  }
.LBB2_1:
0xa: {  	[tilespmem:s2], [sflag:$0x1] =	stream.linear.gather [hbm4b:s3+s2], $0x2000, $0x38;
	[tilespmem:$0x2800] =	vst v63  }
0xb: {  	_ =	swait.ge [sflag:s7], $0x2000  }
0xc: {  	[sflag:s7] =	ssyncset.done $0x0  }
0xd: {  	s11 =	simm.s32 $0x40;
	[sflag:s7] =	ssyncadd.s32 $0xFFFFE000  }
0xe: {  	v6 =	vld [tilespmem:s11+$0x30]  }
0xf: {  	v7 =	vld [tilespmem:s11+$0x20]  }
0x10: {  	v8 =	vld [tilespmem:s11+$0x10]  }
0x11: {  	v9 =	vld [tilespmem:s11+$0xFFFFFFF0]  }
0x12: {  	v10 =	vld [tilespmem:s11+$0x0]  }
0x13: {  	(xrf1) =	vsort.dscd.msk.f32 $0xffff, v6, v3  }
0x14: {  	v11 =	vld [tilespmem:s11+$0xFFFFFFD0];
	(xrf1) =	vsort.dscd.msk.f32 $0xffff, v7, v2  }
0x15: {  	v6 =	vld [tilespmem:s11+$0xFFFFFFE0];
	(xrf1) =	vsort.dscd.msk.f32 $0xffff, v8, v1  }
0x16: {  	(xrf1) =	vsort.dscd.msk.f32 $0xffff, v9, v3  }
0x17: {  	v7 =	vld [tilespmem:s11+$0xFFFFFFC0];
	(xrf1) =	vsort.dscd.msk.f32 $0xffff, v10, v0;
	_ =	sdelay $0x1  }
0x18: {  	(xrf1) =	vsort.dscd.msk.f32 $0xffff, v11, v1  }
0x19: {  	(xrf1) =	vsort.dscd.msk.f32 $0xffff, v6, v2;
	_ =	sdelay $0x1  }
0x1a: {  	(xrf1) =	vsort.dscd.msk.f32 $0xffff, v7, v0;
	_ =	sdelay $0x4  }
0x1b: {  	v6, v7, _ =	vpop (xrf1)  }
0x1c: {  	v8, v51, _ =	vpop (xrf1)  }
0x1d: {  	v6 =	vperm.xlane v6, v4;
	v52, v53, _ =	vpop (xrf1)  }
0x1e: {  	v7 =	vperm.xlane v7, v4;
	v11 =	vperm.xlane v53, v4;
	v12, v13, _ =	vpop (xrf1)  }
0x1f: {  	v10 =	vperm.xlane v52, v4;
	v6 =	vsel vm0, v8, v6;
	v8, v54, _ =	vpop (xrf1)  }
0x20: {  	v7 =	vsel vm0, v51, v7;
	v12 =	vperm.xlane v12, v4;
	v9 =	vsel vm0, v54, v11  }
0x21: {  	v13 =	vperm.xlane v13, v4;
	(xrf1) =	vsort.dscd.msk.f32 $0xffff, v6, v7;
	v8 =	vsel vm0, v8, v10;
	v55, v14, _ =	vpop (xrf1)  }
0x22: {  	v6 =	vperm.xlane v55, v4;
	v7 =	vperm.xlane v14, v4;
	v56, v57, _ =	vpop (xrf1)  }
0x23: {  	(xrf1) =	vsort.dscd.msk.f32 $0xffff, v8, v9;
	v10 =	vsel vm0, v56, v12;
	v11 =	vsel vm0, v57, v13  }
0x24: {  	(xrf1) =	vsort.dscd.msk.f32 $0xffff, v10, v11;
	v8, v9, _ =	vpop (xrf1)  }
0x25: {  	v6 =	vsel vm0, v8, v6;
	v7 =	vsel vm0, v9, v7  }
0x26: {  	(xrf1) =	vsort.dscd.msk.f32 $0xffff, v6, v7;
	_ =	sdelay $0x8  }
0x27: {  	v6, v7, _ =	vpop (xrf1)  }
0x28: {  	v6 =	vperm.xlane v6, v4;
	v7 =	vperm.xlane v7, v4  }
0x29: {  	v8, v58, _ =	vpop (xrf1)  }
0x2a: {  	v6 =	vsel vm0, v8, v6;
	v7 =	vsel vm0, v58, v7;
	v10, v11, _ =	vpop (xrf1)  }
0x2b: {  	(xrf1) =	vsort.dscd.msk.f32 $0xffff, v6, v7;
	v10 =	vperm.xlane v10, v4;
	v11 =	vperm.xlane v11, v4  }
0x2c: {  	v8, v59, _ =	vpop (xrf1)  }
0x2d: {  	v6 =	vsel vm0, v8, v10;
	v7 =	vsel vm0, v59, v11  }
0x2e: {  	(xrf1) =	vsort.dscd.msk.f32 $0xffff, v6, v7;
	_ =	sdelay $0xa  }
0x2f: {  	v6, v8, _ =	vpop (xrf1)  }
0x30: {  	v6 =	vsub.f32 $0.0e+00, v6;
	_ =	sdelay $0x1  }
0x31: {  	v6 =	vmul.f32 $1.442695020e+00, v6;
	v7, v9, _ =	vpop (xrf1)  }
0x32: {  	v7 =	vsub.f32 $0.0e+00, v7  }
0x33: {  	(erf) = vpow2.f32 v6  }
0x34: {  	v7 =	vmul.f32 $1.442695020e+00, v7;
	_ =	sdelay $0x1  }
0x35: {  	(erf) = vpow2.f32 v7;
	_ =	sdelay $0x5  }
0x36: {  	v6 =	vpop (erf)  }
0x37: {  	v6 =	vadd.f32 $1.000000000e+00, v6;
	_ =	sdelay $0x1  }
0x38: {  	(erf) = vrcp.f32 v6;
	v7 =	vpop (erf)  }
0x39: {  	v7 =	vadd.f32 $1.000000000e+00, v7;
	_ =	sdelay $0x1  }
0x3a: {  	(erf) = vrcp.f32 v7;
	_ =	sdelay $0x5  }
0x3b: {  	v6 =	vpop (erf)  }
0x3c: {  	v60 =	vnsel vm0, $0x0, v6  }
0x3d: {  	(xrf2) =	vadd.scan.msk.f32 $0xffff, v60  }
0x3e: {  	v7 =	vpop (erf)  }
0x3f: {  	v61 =	vnsel vm0, $0x0, v7  }
0x40: {  	(xrf2) =	vadd.scan.msk.f32 $0xffff, v61;
	_ =	sdelay $0x6  }
0x41: {  	v62, _, _ =	vpop (xrf2)  }
0x42: {  	v10 =	vbroadcast v62, $0xF;
	_ =	sdelay $0x1  }
0x43: {  	v8 =	vperm.xlane v8, v5;
	(erf) = vrcp.f32 v10;
	v63, _, _ =	vpop (xrf2)  }
0x44: {  	v11 =	vbroadcast v63, $0xF  }
0x45: {  	s16 =	simm.s32 $0x0;
	s13 =	simm.s32 $0x80;
	v8 =	vsel vm0, v9, v8  }
0x46: {  	s14 =	simm.s32 $0xC0;
	s12 =	simm.s32 $0xC0;
	s11 =	simm.s32 $0x40;
	[tilespmem:s16+$0x2400] =	vst v8;
	(erf) = vrcp.f32 v11  }
.LBB2_2:
0x47: {  	_ =	sdelay $0x1  }
0x48: {  	p0 =	sne.s32 s13, $0xFC0  }
0x49: {  	s14 =	sadd.s32 $0x80, s14;
	s15 =	smov.u32 s13;
	s13 =	sadd.s32 $0x40, s13  }
0x4a: {  	_ = 	snop  }
0x4b: {  	v8 =	vpop (erf)  }
0x4c: {  	v6 =	vmul.f32 v8, v6;
	_ =	sdelay $0x1  }
0x4d: {  	v8 =	vpop (erf)  }
0x4e: {  	v6 =	vperm.xlane v6, v5;
	v7 =	vmul.f32 v8, v7;
	_ =	sdelay $0x1  }
0x4f: {  	v6 =	vsel vm0, v7, v6  }
0x50: {  	[tilespmem:s16+$0x2000] =	vst v6  }
0x51: {  	v6 =	vld [tilespmem:s12+$0x30]  }
0x52: {  	v7 =	vld [tilespmem:s12+$0x20]  }
0x53: {  	v8 =	vld [tilespmem:s12+$0x10]  }
0x54: {  	v9 =	vld [tilespmem:s12+$0xFFFFFFF0]  }
0x55: {  	v10 =	vld [tilespmem:s12+$0x0]  }
0x56: {  	v11 =	vld [tilespmem:s12+$0xFFFFFFD0];
	(xrf1) =	vsort.dscd.msk.f32 $0xffff, v6, v3  }
0x57: {  	v6 =	vld [tilespmem:s12+$0xFFFFFFE0];
	(xrf1) =	vsort.dscd.msk.f32 $0xffff, v7, v2  }
0x58: {  	v7 =	vld [tilespmem:s12+$0xFFFFFFC0];
	(xrf1) =	vsort.dscd.msk.f32 $0xffff, v8, v1;
	s12 =	smov.u32 s14  }
0x59: {  	(xrf1) =	vsort.dscd.msk.f32 $0xffff, v9, v3  }
0x5a: {  	(xrf1) =	vsort.dscd.msk.f32 $0xffff, v10, v0  }
0x5b: {  	(xrf1) =	vsort.dscd.msk.f32 $0xffff, v11, v1  }
0x5c: {  	(xrf1) =	vsort.dscd.msk.f32 $0xffff, v6, v2  }
0x5d: {  	(xrf1) =	vsort.dscd.msk.f32 $0xffff, v7, v0;
	_ =	sdelay $0x6  }
0x5e: {  	v6, v7, _ =	vpop (xrf1)  }
0x5f: {  	v8, v9, _ =	vpop (xrf1)  }
0x60: {  	v6 =	vperm.xlane v6, v4;
	v7 =	vperm.xlane v7, v4;
	v10, v11, _ =	vpop (xrf1)  }
0x61: {  	v15 =	vperm.xlane v10, v4;
	v16 =	vperm.xlane v11, v4;
	v12, v13, _ =	vpop (xrf1)  }
0x62: {  	v6 =	vsel vm0, v8, v6;
	v7 =	vsel vm0, v9, v7;
	v18 =	vperm.xlane v12, v4;
	v8, v9, _ =	vpop (xrf1)  }
0x63: {  	v17 =	vperm.xlane v13, v4;
	v8 =	vsel vm0, v8, v15;
	v10, v14, _ =	vpop (xrf1);
	(xrf1) =	vsort.dscd.msk.f32 $0xffff, v6, v7  }
0x64: {  	v9 =	vsel vm0, v9, v16;
	v6 =	vperm.xlane v10, v4;
	v7 =	vperm.xlane v14, v4;
	v10, v11, _ =	vpop (xrf1)  }
0x65: {  	v10 =	vsel vm0, v10, v18;
	v11 =	vsel vm0, v11, v17;
	v12, v13, _ =	vpop (xrf1);
	(xrf1) =	vsort.dscd.msk.f32 $0xffff, v8, v9  }
0x66: {  	v6 =	vsel vm0, v12, v6;
	v7 =	vsel vm0, v13, v7;
	(xrf1) =	vsort.dscd.msk.f32 $0xffff, v10, v11  }
0x67: {  	(xrf1) =	vsort.dscd.msk.f32 $0xffff, v6, v7;
	_ =	sdelay $0x9  }
0x68: {  	v6, v7, _ =	vpop (xrf1)  }
0x69: {  	v6 =	vperm.xlane v6, v4;
	v7 =	vperm.xlane v7, v4  }
0x6a: {  	v8, v9, _ =	vpop (xrf1)  }
0x6b: {  	v6 =	vsel vm0, v8, v6;
	v7 =	vsel vm0, v9, v7;
	v8, v9, _ =	vpop (xrf1)  }
0x6c: {  	v8 =	vperm.xlane v8, v4;
	v9 =	vperm.xlane v9, v4;
	v10, v11, _ =	vpop (xrf1);
	(xrf1) =	vsort.dscd.msk.f32 $0xffff, v6, v7;
	_ =	sdelay $0x1  }
0x6d: {  	v6 =	vsel vm0, v10, v8;
	v7 =	vsel vm0, v11, v9  }
0x6e: {  	(xrf1) =	vsort.dscd.msk.f32 $0xffff, v6, v7;
	_ =	sdelay $0xa  }
0x6f: {  	v6, v7, _ =	vpop (xrf1)  }
0x70: {  	v6 =	vsub.f32 $0.0e+00, v6  }
0x71: {  	v7 =	vperm.xlane v7, v5  }
0x72: {  	v6 =	vmul.f32 $1.442695020e+00, v6;
	v8, v9, _ =	vpop (xrf1)  }
0x73: {  	s16 =	sshra.s32 s11, $0x2;
	s11 =	smov.u32 s15;
	v8 =	vsub.f32 $0.0e+00, v8;
	v7 =	vsel vm0, v9, v7  }
0x74: {  	[tilespmem:s16+$0x2400] =	vst v7;
	(erf) = vpow2.f32 v6  }
0x75: {  	v6 =	vmul.f32 $1.442695020e+00, v8;
	_ =	sdelay $0x1  }
0x76: {  	(erf) = vpow2.f32 v6;
	_ =	sdelay $0x5  }
0x77: {  	v6 =	vpop (erf)  }
0x78: {  	v6 =	vadd.f32 $1.000000000e+00, v6;
	_ =	sdelay $0x1  }
0x79: {  	v7 =	vpop (erf);
	(erf) = vrcp.f32 v6  }
0x7a: {  	v6 =	vadd.f32 $1.000000000e+00, v7;
	_ =	sdelay $0x1  }
0x7b: {  	(erf) = vrcp.f32 v6;
	_ =	sdelay $0x5  }
0x7c: {  	v6 =	vpop (erf)  }
0x7d: {  	v8 =	vnsel vm0, $0x0, v6  }
0x7e: {  	(xrf2) =	vadd.scan.msk.f32 $0xffff, v8  }
0x7f: {  	v7 =	vpop (erf)  }
0x80: {  	v8 =	vnsel vm0, $0x0, v7  }
0x81: {  	(xrf2) =	vadd.scan.msk.f32 $0xffff, v8;
	_ =	sdelay $0x6  }
0x82: {  	v8, _, _ =	vpop (xrf2)  }
0x83: {  	v8 =	vbroadcast v8, $0xF  }
.Ltmp0:
0x84: {  	(pc) =	sbr.rel @p0 .LBB2_2-.Ltmp0, $3  }
0x85: {  	v9, _, _ =	vpop (xrf2);
	(erf) = vrcp.f32 v8  }
0x86: {  	v8 =	vbroadcast v9, $0xF;
	_ =	sdelay $0x1  }
0x87: {  	(erf) = vrcp.f32 v8  }
0x88: {  	_ =	sdelay $0x5  }
0x89: {  	v8 =	vpop (erf)  }
0x8a: {  	v6 =	vmul.f32 v8, v6  }
0x8b: {  	v36 =	vpop (erf)  }
0x8c: {  	v6 =	vperm.xlane v6, v5;
	v7 =	vmul.f32 v36, v7;
	_ =	sdelay $0x1  }
0x8d: {  	v6 =	vsel vm0, v7, v6  }
0x8e: {  	[tilespmem:s16+$0x2000] =	vst v6  }
0x8f: {  	v6 =	vld [tilespmem:s12+$0x30]  }
0x90: {  	v7 =	vld [tilespmem:s12+$0x20]  }
0x91: {  	v37 =	vld [tilespmem:s12+$0x10]  }
0x92: {  	v9 =	vld [tilespmem:s12+$0xFFFFFFF0]  }
0x93: {  	v10 =	vld [tilespmem:s12+$0x0]  }
0x94: {  	(xrf1) =	vsort.dscd.msk.f32 $0xffff, v6, v3  }
0x95: {  	v11 =	vld [tilespmem:s12+$0xFFFFFFD0];
	(xrf1) =	vsort.dscd.msk.f32 $0xffff, v7, v2  }
0x96: {  	v6 =	vld [tilespmem:s12+$0xFFFFFFE0];
	(xrf1) =	vsort.dscd.msk.f32 $0xffff, v37, v1  }
0x97: {  	(xrf1) =	vsort.dscd.msk.f32 $0xffff, v9, v3  }
0x98: {  	v7 =	vld [tilespmem:s12+$0xFFFFFFC0];
	(xrf1) =	vsort.dscd.msk.f32 $0xffff, v10, v0;
	_ =	sdelay $0x1  }
0x99: {  	(xrf1) =	vsort.dscd.msk.f32 $0xffff, v11, v1  }
0x9a: {  	(xrf1) =	vsort.dscd.msk.f32 $0xffff, v6, v2;
	_ =	sdelay $0x1  }
0x9b: {  	(xrf1) =	vsort.dscd.msk.f32 $0xffff, v7, v0;
	_ =	sdelay $0x4  }
0x9c: {  	v6, v7, _ =	vpop (xrf1)  }
0x9d: {  	v38, v39, _ =	vpop (xrf1)  }
0x9e: {  	v6 =	vperm.xlane v6, v4;
	v40, v41, _ =	vpop (xrf1)  }
0x9f: {  	v7 =	vperm.xlane v7, v4;
	v11 =	vperm.xlane v41, v4;
	v12, v13, _ =	vpop (xrf1)  }
0xa0: {  	v10 =	vperm.xlane v40, v4;
	v6 =	vsel vm0, v38, v6;
	v42, v43, _ =	vpop (xrf1)  }
0xa1: {  	v7 =	vsel vm0, v39, v7;
	v12 =	vperm.xlane v12, v4;
	v9 =	vsel vm0, v43, v11  }
0xa2: {  	v13 =	vperm.xlane v13, v4;
	(xrf1) =	vsort.dscd.msk.f32 $0xffff, v6, v7;
	v8 =	vsel vm0, v42, v10;
	v44, v14, _ =	vpop (xrf1)  }
0xa3: {  	v6 =	vperm.xlane v44, v4;
	v7 =	vperm.xlane v14, v4;
	v45, v46, _ =	vpop (xrf1)  }
0xa4: {  	(xrf1) =	vsort.dscd.msk.f32 $0xffff, v8, v9;
	v10 =	vsel vm0, v45, v12;
	v11 =	vsel vm0, v46, v13  }
0xa5: {  	(xrf1) =	vsort.dscd.msk.f32 $0xffff, v10, v11;
	v8, v9, _ =	vpop (xrf1)  }
0xa6: {  	v6 =	vsel vm0, v8, v6;
	v7 =	vsel vm0, v9, v7  }
0xa7: {  	(xrf1) =	vsort.dscd.msk.f32 $0xffff, v6, v7;
	_ =	sdelay $0x8  }
0xa8: {  	v6, v7, _ =	vpop (xrf1)  }
0xa9: {  	v6 =	vperm.xlane v6, v4  }
0xaa: {  	v7 =	vperm.xlane v7, v4;
	v47, v48, _ =	vpop (xrf1)  }
0xab: {  	v6 =	vsel vm0, v47, v6;
	v49, v10, _ =	vpop (xrf1)  }
0xac: {  	v7 =	vsel vm0, v48, v7;
	v8 =	vperm.xlane v49, v4;
	v50 =	vperm.xlane v10, v4  }
0xad: {  	(xrf1) =	vsort.dscd.msk.f32 $0xffff, v6, v7;
	v52, v51, _ =	vpop (xrf1)  }
0xae: {  	v6 =	vsel vm0, v52, v8;
	v7 =	vsel vm0, v51, v50  }
0xaf: {  	(xrf1) =	vsort.dscd.msk.f32 $0xffff, v6, v7;
	_ =	sdelay $0xb  }
0xb0: {  	v6, v7, _ =	vpop (xrf1)  }
0xb1: {  	v6 =	vsub.f32 $0.0e+00, v6  }
0xb2: {  	v53, v54, _ =	vpop (xrf1)  }
0xb3: {  	v6 =	vmul.f32 $1.442695020e+00, v6;
	v8 =	vsub.f32 $0.0e+00, v53;
	_ =	sdelay $0x1  }
0xb4: {  	(erf) = vpow2.f32 v6;
	v6 =	vmul.f32 $1.442695020e+00, v8;
	_ =	sdelay $0x1  }
0xb5: {  	(erf) = vpow2.f32 v6;
	_ =	sdelay $0x6  }
0xb6: {  	v6 =	vpop (erf)  }
0xb7: {  	v6 =	vadd.f32 $1.000000000e+00, v6  }
0xb8: {  	v55 =	vpop (erf)  }
0xb9: {  	(erf) = vrcp.f32 v6;
	v6 =	vadd.f32 $1.000000000e+00, v55;
	_ =	sdelay $0x1  }
0xba: {  	(erf) = vrcp.f32 v6;
	_ =	sdelay $0x6  }
0xbb: {  	v6 =	vpop (erf)  }
0xbc: {  	v56 =	vnsel vm0, $0x0, v6  }
0xbd: {  	(xrf2) =	vadd.scan.msk.f32 $0xffff, v56;
	v57 =	vpop (erf)  }
0xbe: {  	v58 =	vnsel vm0, $0x0, v57  }
0xbf: {  	(xrf2) =	vadd.scan.msk.f32 $0xffff, v58;
	_ =	sdelay $0x7  }
0xc0: {  	v59, _, _ =	vpop (xrf2)  }
0xc1: {  	v10 =	vbroadcast v59, $0xF  }
0xc2: {  	v60, _, _ =	vpop (xrf2)  }
0xc3: {  	(erf) = vrcp.f32 v10;
	v61 =	vbroadcast v60, $0xF;
	_ =	sdelay $0x1  }
0xc4: {  	(erf) = vrcp.f32 v61;
	_ =	sdelay $0x6  }
0xc5: {  	v62 =	vpop (erf)  }
0xc6: {  	v6 =	vmul.f32 v62, v6  }
0xc7: {  	v7 =	vperm.xlane v7, v5;
	v63 =	vpop (erf)  }
0xc8: {  	v6 =	vperm.xlane v6, v5;
	v8 =	vmul.f32 v63, v57  }
0xc9: {  	s11 =	sshra.s32 s11, $0x2;
	v7 =	vsel vm0, v54, v7  }
0xca: {  	[tilespmem:s11+$0x2400] =	vst v7;
	v6 =	vsel vm0, v8, v6  }
0xcb: {  	[tilespmem:s11+$0x2000] =	vst v6  }
0xcc: {  	[hbm4b:s4+s2] =	stream.linear.scatter [tilespmem:s8], [sflag:$0x1], $0x400, $0x38;
	[tilespmem:$0x2800] =	vst v63  }
0xcd: {  	s10 =	sadd.s32 $0x1, s10;
	_ =	swait.ge [sflag:s7], $0x400  }
0xce: {  	p0 =	sne.s32 s10, s6;
	[sflag:s7] =	ssyncset.done $0x0  }
.Ltmp1:
0xcf: {  	[sflag:s7] =	ssyncadd.s32 $0xFFFFFC00;
	(pc) =	sbr.rel @p0 .LBB2_1-.Ltmp1, $4  }
0xd0: {  	[hbm4b:s5+s2] =	stream.linear.scatter [tilespmem:s9], [sflag:$0x1], $0x400, $0x38;
	[tilespmem:$0x2800] =	vst v63  }
0xd1: {  	_ =	swait.ge [sflag:s7], $0x400  }
0xd2: {  	[sflag:s7] =	ssyncset.done $0x0  }
0xd3: {  	[sflag:s7] =	ssyncadd.s32 $0xFFFFFC00  }
0xd4: {  	_ =	sfence.sel $0x180000  }
0xd5: {  	[bflag:$0x0] =	sbarrier.arrive $0xFFFF  }
0xd6: {  	p0 =	sne.s32 s1, $0x0;
	_ =	strace $0x9000004A  }
0xd7: {  	s0 =	sadd.s32 @!p0 $0x100000, s0;
	[bflag:$0x2] =	sbarrier.arrive $0xFFFF  }
0xd8: {  	[sflag:s0] =	ssyncadd.tile.s32 @!p0 $0x1;
	_ =	shalt  }
.Lfunc_end2:
_tile_overlayer_lowered:
.L_overlay_start_2:
0xd9: {  	(tag) =	ssettag $0x2  }
0xda: {  	s0 =	rddreg [dreg:$0x0];
	s2 =	stileid.u32  }
0xdb: {  	s1 =	rddreg [dreg:$0x1];
	p0 =	sne.s32 s2, $0x0  }
0xdc: {  	s3 =	rddreg [dreg:$0x2];
	[bflag:$0x3] =	sbarrier.arrive $0xFFFF;
	s2 =	simm.s32 @!p0 $0x1C01  }
0xdd: {  	[timem:s3], [sflag:s2] =	dma.local @!p0 [hbm:s0], s1  }
0xde: {  	s0 =	simm.s32 @!p0 $0x1  }
0xdf: {  	_ =	swait.ge @!p0 [sflag:s0], s1  }
0xe0: {  	s1 =	ssub.s32 @!p0 $0x0, s1;
	[sflag:s0] =	ssyncset.done @!p0 $0x0  }
0xe1: {  	[sflag:s0] =	ssyncadd.s32 @!p0 s1  }
0xe2: {  	[bflag:$0x3] =	sbarrier.arrive $0xFFFF  }
0xe3: {  	_ =	shalt  }

</sc_bundles>
